<compile_context>
chip_gen: v7x
topology: tpu7x:2x2x1
jax: 0.10.2.dev20260603
libtpu: 0.0.44.dev20260713+nightly
codegen_flags: <defaults>
</compile_context>

<pallas_src>
import functools

import jax
import jax.numpy as jnp
from jax import lax
from jax.experimental import pallas as pl
from jax.experimental.pallas import tpu as pltpu
from jax.experimental.pallas import tpu_sc as plsc

B = 16384
D = 64
NC = 2
NS = 16
NW = NC * NS
BPW = B // NW
L = 16
NSLOT = 4
AHEAD = 3


def _body(user_hbm, item_hbm, utab_hbm, itab_hbm, out_hbm,
          uidx_v, iidx_v, ub0, ub1, ub2, ub3, ib0, ib1, ib2, ib3, out_v,
          su0, su1, su2, su3, si0, si1, si2, si3):
    wid = lax.axis_index("s") * NC + lax.axis_index("c")
    base = wid * BPW

    pltpu.sync_copy(user_hbm.at[pl.ds(base, BPW)], uidx_v)
    pltpu.sync_copy(item_hbm.at[pl.ds(base, BPW)], iidx_v)

    ubufs = (ub0, ub1, ub2, ub3)
    ibufs = (ib0, ib1, ib2, ib3)
    usems = (su0, su1, su2, su3)
    isems = (si0, si1, si2, si3)
    lanes = lax.iota(jnp.int32, L)

    def issue(uj, ij, s):
        ustart = pl.multiple_of((uj >> 7) * 128, 128)
        istart = pl.multiple_of((ij >> 7) * 128, 128)
        pltpu.async_copy(utab_hbm.at[:, pl.ds(ustart, 128)],
                         ubufs[s], usems[s])
        pltpu.async_copy(itab_hbm.at[:, pl.ds(istart, 128)],
                         ibufs[s], isems[s])

    def wait(s):
        pltpu.make_async_copy(utab_hbm.at[:, pl.ds(0, 128)],
                              ubufs[s], usems[s]).wait()
        pltpu.make_async_copy(itab_hbm.at[:, pl.ds(0, 128)],
                              ibufs[s], isems[s]).wait()

    uvec0 = uidx_v[pl.ds(0, L)]
    ivec0 = iidx_v[pl.ds(0, L)]
    for j in range(AHEAD):
        issue(uvec0[j], ivec0[j], j % NSLOT)

    def group(g, carry):
        uvec = uidx_v[pl.ds(g * L, L)]
        ivec = iidx_v[pl.ds(g * L, L)]
        gn = jnp.minimum(g + 1, BPW // L - 1)
        uvecn = uidx_v[pl.ds(gn * L, L)]
        ivecn = iidx_v[pl.ds(gn * L, L)]
        accv = jnp.zeros((L,), jnp.float32)
        for j in range(L):
            s = j % NSLOT
            wait(s)
            ja = j + AHEAD
            if ja < L:
                una, ina = uvec[ja], ivec[ja]
            else:
                una, ina = uvecn[ja - L], ivecn[ja - L]

            @pl.when(g * L + ja < BPW)
            def _():
                issue(una, ina, ja % NSLOT)

            ucol = jnp.full((L,), uvec[j] & 127, jnp.int32)
            icol = jnp.full((L,), ivec[j] & 127, jnp.int32)
            prod = jnp.zeros((L,), jnp.float32)
            for k in range(D // L):
                rows = k * L + lanes
                gu = plsc.load_gather(ubufs[s], [rows, ucol])
                gi = plsc.load_gather(ibufs[s], [rows, icol])
                prod = prod + gu * gi
            dot = jnp.sum(prod)
            accv = jnp.where(lanes == j, dot, accv)
        out_v[pl.ds(g * L, L)] = accv
        return carry

    lax.fori_loop(0, BPW // L, group, 0)
    pltpu.sync_copy(out_v, out_hbm.at[pl.ds(base, BPW)])


@jax.jit
def kernel(user, item, user_table, item_table):
    mesh = plsc.VectorSubcoreMesh(core_axis_name="c", subcore_axis_name="s")
    run = pl.kernel(
        _body,
        out_type=jax.ShapeDtypeStruct((B,), jnp.float32),
        mesh=mesh,
        compiler_params=pltpu.CompilerParams(
            needs_layout_passes=False,
        ),
        scratch_types=(
            [pltpu.VMEM((BPW,), jnp.int32)] * 2
            + [pltpu.VMEM((D, 128), jnp.float32)] * (2 * NSLOT)
            + [pltpu.VMEM((BPW,), jnp.float32)]
            + [pltpu.SemaphoreType.DMA] * (2 * NSLOT)
        ),
    )
    return run(user.astype(jnp.int32), item.astype(jnp.int32),
               user_table.T, item_table.T)

# --- scband reference (transcript-rebuilt; emitter-appended) ---
"""Pipeline reference for scband-mf-76089640616298 (READ-ONLY COPY).

The authoritative reference and input builder live on the scoring server;
editing this copy changes nothing except your own understanding.
"""

import jax, jax.numpy as jnp
import numpy as np

N_USERS = 1000000
N_ITEMS = 1000000
EMBED_DIM = 64
BATCH = 16384


def setup_inputs(seed: int = 0) -> dict:
    key = jax.random.key(seed)
    k_user, k_item, k_utab, k_itab = jax.random.split(key, 4)
    user = jax.random.randint(k_user, (BATCH,), 0, N_USERS, dtype=jnp.int64 if jax.config.jax_enable_x64 else jnp.int32)
    item = jax.random.randint(k_item, (BATCH,), 0, N_ITEMS, dtype=jnp.int64 if jax.config.jax_enable_x64 else jnp.int32)
    # xavier_normal_ for embeddings: std = sqrt(2 / (fan_in + fan_out))
    std_u = float(np.sqrt(2.0 / (N_USERS + EMBED_DIM)))
    std_i = float(np.sqrt(2.0 / (N_ITEMS + EMBED_DIM)))
    user_table = jax.random.normal(k_utab, (N_USERS, EMBED_DIM), dtype=jnp.float32) * std_u
    item_table = jax.random.normal(k_itab, (N_ITEMS, EMBED_DIM), dtype=jnp.float32) * std_i
    return {"user": user, "item": item, "user_table": user_table, "item_table": item_table}


def reference(user, item, user_table, item_table):
    # MF.forward with loss_type='MSE' -> self.m is None, return raw dot product
    user_e = jnp.take(user_table, user, axis=0)   # [B, D] embedding gather
    item_e = jnp.take(item_table, item, axis=0)   # [B, D] embedding gather
    output = jnp.sum(user_e * item_e, axis=-1).astype(jnp.float32)  # [B]
    return output

if __name__ == "__main__":
    import jax
    _d = setup_inputs()
    print(jax.jit(kernel)(*tuple(_d.values())))

</pallas_src>

<mosaic_0001>
#map = affine_map<(d0, d1) -> (0)>
#map1 = affine_map<(d0, d1) -> (0, 0)>
module attributes {stable_mosaic.version = 14 : i64} {
  func.func @_body(%arg0: i32, %arg1: i32, %arg2: memref<16384xi32, #tpu.memory_space<hbm>>, %arg3: memref<16384xi32, #tpu.memory_space<hbm>>, %arg4: memref<64x1000000xf32, #tpu.memory_space<hbm>>, %arg5: memref<64x1000000xf32, #tpu.memory_space<hbm>>, %arg6: memref<16384xf32, #tpu.memory_space<hbm>>, %arg7: memref<512xi32, #tpu.memory_space<vmem>>, %arg8: memref<512xi32, #tpu.memory_space<vmem>>, %arg9: memref<64x128xf32, #tpu.memory_space<vmem>>, %arg10: memref<64x128xf32, #tpu.memory_space<vmem>>, %arg11: memref<64x128xf32, #tpu.memory_space<vmem>>, %arg12: memref<64x128xf32, #tpu.memory_space<vmem>>, %arg13: memref<64x128xf32, #tpu.memory_space<vmem>>, %arg14: memref<64x128xf32, #tpu.memory_space<vmem>>, %arg15: memref<64x128xf32, #tpu.memory_space<vmem>>, %arg16: memref<64x128xf32, #tpu.memory_space<vmem>>, %arg17: memref<512xf32, #tpu.memory_space<vmem>>, %arg18: memref<!tpu.dma_semaphore, #tpu.memory_space<semaphore_mem>>, %arg19: memref<!tpu.dma_semaphore, #tpu.memory_space<semaphore_mem>>, %arg20: memref<!tpu.dma_semaphore, #tpu.memory_space<semaphore_mem>>, %arg21: memref<!tpu.dma_semaphore, #tpu.memory_space<semaphore_mem>>, %arg22: memref<!tpu.dma_semaphore, #tpu.memory_space<semaphore_mem>>, %arg23: memref<!tpu.dma_semaphore, #tpu.memory_space<semaphore_mem>>, %arg24: memref<!tpu.dma_semaphore, #tpu.memory_space<semaphore_mem>>, %arg25: memref<!tpu.dma_semaphore, #tpu.memory_space<semaphore_mem>>) attributes {dimension_semantics = [#tpu.dimension_semantics<core_parallel>, #tpu.dimension_semantics<subcore_parallel>], iteration_bounds = array<i64: 2, 16>, scalar_prefetch = 0 : i64, scratch_operands = 19 : i64, tpu.core_type = #tpu.core_type<sc_vector_subcore>, window_params = [{transform_indices = #map}, {transform_indices = #map}, {transform_indices = #map1}, {transform_indices = #map1}, {transform_indices = #map}]} {
    %mul3A = arith.constant 2 : i32
    %mul3A_0 = arith.muli %arg1, %mul3A : i32
    %add3A = arith.addi %mul3A_0, %arg0 : i32
    %mul3A_1 = arith.constant 512 : i32
    %mul3A_2 = arith.muli %add3A, %mul3A_1 : i32
    "tpu.region"() ({
      %run_scoped3A = tpu.sem_alloc : memref<!tpu.dma_semaphore, #tpu.memory_space<semaphore_mem>>
      %dma_start3A_72 = tpu.memref_slice %arg2[%mul3A_2] : memref<16384xi32, #tpu.memory_space<hbm>> -> memref<512xi32, #tpu.memory_space<hbm>>
      %dma_start3A_73 = tpu.memref_slice %arg2[%mul3A_2] : memref<16384xi32, #tpu.memory_space<hbm>> -> memref<512xi32, #tpu.memory_space<hbm>>
      tpu.enqueue_dma source(%dma_start3A_73 : memref<512xi32, #tpu.memory_space<hbm>>) target(%arg7 : memref<512xi32, #tpu.memory_space<vmem>>) target_semaphore(%run_scoped3A : memref<!tpu.dma_semaphore, #tpu.memory_space<semaphore_mem>>)
      %dma_wait3A = tpu.memref_slice %arg2[%mul3A_2] : memref<16384xi32, #tpu.memory_space<hbm>> -> memref<512xi32, #tpu.memory_space<hbm>>
      %dma_wait3A_74 = tpu.memref_slice %arg2[%mul3A_2] : memref<16384xi32, #tpu.memory_space<hbm>> -> memref<512xi32, #tpu.memory_space<hbm>>
      tpu.wait_dma2 semaphore(%run_scoped3A : memref<!tpu.dma_semaphore, #tpu.memory_space<semaphore_mem>>) src(%dma_wait3A_74 : memref<512xi32, #tpu.memory_space<hbm>>) dst(%arg7 : memref<512xi32, #tpu.memory_space<vmem>>)
      tpu.yield
    }) : () -> ()
    "tpu.region"() ({
      %run_scoped3A = tpu.sem_alloc : memref<!tpu.dma_semaphore, #tpu.memory_space<semaphore_mem>>
      %dma_start3A_72 = tpu.memref_slice %arg3[%mul3A_2] : memref<16384xi32, #tpu.memory_space<hbm>> -> memref<512xi32, #tpu.memory_space<hbm>>
      %dma_start3A_73 = tpu.memref_slice %arg3[%mul3A_2] : memref<16384xi32, #tpu.memory_space<hbm>> -> memref<512xi32, #tpu.memory_space<hbm>>
      tpu.enqueue_dma source(%dma_start3A_73 : memref<512xi32, #tpu.memory_space<hbm>>) target(%arg8 : memref<512xi32, #tpu.memory_space<vmem>>) target_semaphore(%run_scoped3A : memref<!tpu.dma_semaphore, #tpu.memory_space<semaphore_mem>>)
      %dma_wait3A = tpu.memref_slice %arg3[%mul3A_2] : memref<16384xi32, #tpu.memory_space<hbm>> -> memref<512xi32, #tpu.memory_space<hbm>>
      %dma_wait3A_74 = tpu.memref_slice %arg3[%mul3A_2] : memref<16384xi32, #tpu.memory_space<hbm>> -> memref<512xi32, #tpu.memory_space<hbm>>
      tpu.wait_dma2 semaphore(%run_scoped3A : memref<!tpu.dma_semaphore, #tpu.memory_space<semaphore_mem>>) src(%dma_wait3A_74 : memref<512xi32, #tpu.memory_space<hbm>>) dst(%arg8 : memref<512xi32, #tpu.memory_space<vmem>>)
      tpu.yield
    }) : () -> ()
    %iota3A = tpu.iota {dimensions = array<i32: 0>} : vector<16xi32>
    %get3A = arith.constant 0 : index
    %get3A_3 = tpu.vector_load %arg7[%get3A] {strides = array<i32>} : memref<512xi32, #tpu.memory_space<vmem>>, vector<16xi32>,
    %get3A_4 = arith.constant 0 : index
    %get3A_5 = tpu.vector_load %arg8[%get3A_4] {strides = array<i32>} : memref<512xi32, #tpu.memory_space<vmem>>, vector<16xi32>,
    %slice3A = vector.extract_strided_slice %get3A_3 {offsets = [0], sizes = [1], strides = [1]} : vector<16xi32> to vector<1xi32>
    %squeeze3A = vector.extract %slice3A[0] : i32 from vector<1xi32>
    %slice3A_6 = vector.extract_strided_slice %get3A_5 {offsets = [0], sizes = [1], strides = [1]} : vector<16xi32> to vector<1xi32>
    %squeeze3A_7 = vector.extract %slice3A_6[0] : i32 from vector<1xi32>
    %shift_right_arithmetic3A = arith.constant 7 : i32
    %shift_right_arithmetic3A_8 = arith.shrsi %squeeze3A, %shift_right_arithmetic3A : i32
    %mul3A_9 = arith.constant 128 : i32
    %mul3A_10 = arith.muli %shift_right_arithmetic3A_8, %mul3A_9 : i32
    %multiple_of3A = tpu.assume_multiple %mul3A_10, 128 : i32
    %shift_right_arithmetic3A_11 = arith.constant 7 : i32
    %shift_right_arithmetic3A_12 = arith.shrsi %squeeze3A_7, %shift_right_arithmetic3A_11 : i32
    %mul3A_13 = arith.constant 128 : i32
    %mul3A_14 = arith.muli %shift_right_arithmetic3A_12, %mul3A_13 : i32
    %multiple_of3A_15 = tpu.assume_multiple %mul3A_14, 128 : i32
    %dma_start3A = arith.constant 0 : i32
    %dma_start3A_16 = tpu.memref_slice %arg4[%dma_start3A, %multiple_of3A] : memref<64x1000000xf32, #tpu.memory_space<hbm>> -> memref<64x128xf32, #tpu.memory_space<hbm>>
    %dma_start3A_17 = arith.constant 0 : i32
    %dma_start3A_18 = tpu.memref_slice %arg4[%dma_start3A_17, %multiple_of3A] : memref<64x1000000xf32, #tpu.memory_space<hbm>> -> memref<64x128xf32, #tpu.memory_space<hbm>>
    tpu.enqueue_dma source(%dma_start3A_18 : memref<64x128xf32, #tpu.memory_space<hbm>>) target(%arg9 : memref<64x128xf32, #tpu.memory_space<vmem>>) target_semaphore(%arg18 : memref<!tpu.dma_semaphore, #tpu.memory_space<semaphore_mem>>)
    %dma_start3A_19 = arith.constant 0 : i32
    %dma_start3A_20 = tpu.memref_slice %arg5[%dma_start3A_19, %multiple_of3A_15] : memref<64x1000000xf32, #tpu.memory_space<hbm>> -> memref<64x128xf32, #tpu.memory_space<hbm>>
    %dma_start3A_21 = arith.constant 0 : i32
    %dma_start3A_22 = tpu.memref_slice %arg5[%dma_start3A_21, %multiple_of3A_15] : memref<64x1000000xf32, #tpu.memory_space<hbm>> -> memref<64x128xf32, #tpu.memory_space<hbm>>
    tpu.enqueue_dma source(%dma_start3A_22 : memref<64x128xf32, #tpu.memory_space<hbm>>) target(%arg13 : memref<64x128xf32, #tpu.memory_space<vmem>>) target_semaphore(%arg22 : memref<!tpu.dma_semaphore, #tpu.memory_space<semaphore_mem>>)
    %slice3A_23 = vector.extract_strided_slice %get3A_3 {offsets = [1], sizes = [1], strides = [1]} : vector<16xi32> to vector<1xi32>
    %squeeze3A_24 = vector.extract %slice3A_23[0] : i32 from vector<1xi32>
    %slice3A_25 = vector.extract_strided_slice %get3A_5 {offsets = [1], sizes = [1], strides = [1]} : vector<16xi32> to vector<1xi32>
    %squeeze3A_26 = vector.extract %slice3A_25[0] : i32 from vector<1xi32>
    %shift_right_arithmetic3A_27 = arith.constant 7 : i32
    %shift_right_arithmetic3A_28 = arith.shrsi %squeeze3A_24, %shift_right_arithmetic3A_27 : i32
    %mul3A_29 = arith.constant 128 : i32
    %mul3A_30 = arith.muli %shift_right_arithmetic3A_28, %mul3A_29 : i32
    %multiple_of3A_31 = tpu.assume_multiple %mul3A_30, 128 : i32
    %shift_right_arithmetic3A_32 = arith.constant 7 : i32
    %shift_right_arithmetic3A_33 = arith.shrsi %squeeze3A_26, %shift_right_arithmetic3A_32 : i32
    %mul3A_34 = arith.constant 128 : i32
    %mul3A_35 = arith.muli %shift_right_arithmetic3A_33, %mul3A_34 : i32
    %multiple_of3A_36 = tpu.assume_multiple %mul3A_35, 128 : i32
    %dma_start3A_37 = arith.constant 0 : i32
    %dma_start3A_38 = tpu.memref_slice %arg4[%dma_start3A_37, %multiple_of3A_31] : memref<64x1000000xf32, #tpu.memory_space<hbm>> -> memref<64x128xf32, #tpu.memory_space<hbm>>
    %dma_start3A_39 = arith.constant 0 : i32
    %dma_start3A_40 = tpu.memref_slice %arg4[%dma_start3A_39, %multiple_of3A_31] : memref<64x1000000xf32, #tpu.memory_space<hbm>> -> memref<64x128xf32, #tpu.memory_space<hbm>>
    tpu.enqueue_dma source(%dma_start3A_40 : memref<64x128xf32, #tpu.memory_space<hbm>>) target(%arg10 : memref<64x128xf32, #tpu.memory_space<vmem>>) target_semaphore(%arg19 : memref<!tpu.dma_semaphore, #tpu.memory_space<semaphore_mem>>)
    %dma_start3A_41 = arith.constant 0 : i32
    %dma_start3A_42 = tpu.memref_slice %arg5[%dma_start3A_41, %multiple_of3A_36] : memref<64x1000000xf32, #tpu.memory_space<hbm>> -> memref<64x128xf32, #tpu.memory_space<hbm>>
    %dma_start3A_43 = arith.constant 0 : i32
    %dma_start3A_44 = tpu.memref_slice %arg5[%dma_start3A_43, %multiple_of3A_36] : memref<64x1000000xf32, #tpu.memory_space<hbm>> -> memref<64x128xf32, #tpu.memory_space<hbm>>
    tpu.enqueue_dma source(%dma_start3A_44 : memref<64x128xf32, #tpu.memory_space<hbm>>) target(%arg14 : memref<64x128xf32, #tpu.memory_space<vmem>>) target_semaphore(%arg23 : memref<!tpu.dma_semaphore, #tpu.memory_space<semaphore_mem>>)
    %slice3A_45 = vector.extract_strided_slice %get3A_3 {offsets = [2], sizes = [1], strides = [1]} : vector<16xi32> to vector<1xi32>
    %squeeze3A_46 = vector.extract %slice3A_45[0] : i32 from vector<1xi32>
    %slice3A_47 = vector.extract_strided_slice %get3A_5 {offsets = [2], sizes = [1], strides = [1]} : vector<16xi32> to vector<1xi32>
    %squeeze3A_48 = vector.extract %slice3A_47[0] : i32 from vector<1xi32>
    %shift_right_arithmetic3A_49 = arith.constant 7 : i32
    %shift_right_arithmetic3A_50 = arith.shrsi %squeeze3A_46, %shift_right_arithmetic3A_49 : i32
    %mul3A_51 = arith.constant 128 : i32
    %mul3A_52 = arith.muli %shift_right_arithmetic3A_50, %mul3A_51 : i32
    %multiple_of3A_53 = tpu.assume_multiple %mul3A_52, 128 : i32
    %shift_right_arithmetic3A_54 = arith.constant 7 : i32
    %shift_right_arithmetic3A_55 = arith.shrsi %squeeze3A_48, %shift_right_arithmetic3A_54 : i32
    %mul3A_56 = arith.constant 128 : i32
    %mul3A_57 = arith.muli %shift_right_arithmetic3A_55, %mul3A_56 : i32
    %multiple_of3A_58 = tpu.assume_multiple %mul3A_57, 128 : i32
    %dma_start3A_59 = arith.constant 0 : i32
    %dma_start3A_60 = tpu.memref_slice %arg4[%dma_start3A_59, %multiple_of3A_53] : memref<64x1000000xf32, #tpu.memory_space<hbm>> -> memref<64x128xf32, #tpu.memory_space<hbm>>
    %dma_start3A_61 = arith.constant 0 : i32
    %dma_start3A_62 = tpu.memref_slice %arg4[%dma_start3A_61, %multiple_of3A_53] : memref<64x1000000xf32, #tpu.memory_space<hbm>> -> memref<64x128xf32, #tpu.memory_space<hbm>>
    tpu.enqueue_dma source(%dma_start3A_62 : memref<64x128xf32, #tpu.memory_space<hbm>>) target(%arg11 : memref<64x128xf32, #tpu.memory_space<vmem>>) target_semaphore(%arg20 : memref<!tpu.dma_semaphore, #tpu.memory_space<semaphore_mem>>)
    %dma_start3A_63 = arith.constant 0 : i32
    %dma_start3A_64 = tpu.memref_slice %arg5[%dma_start3A_63, %multiple_of3A_58] : memref<64x1000000xf32, #tpu.memory_space<hbm>> -> memref<64x128xf32, #tpu.memory_space<hbm>>
    %dma_start3A_65 = arith.constant 0 : i32
    %dma_start3A_66 = tpu.memref_slice %arg5[%dma_start3A_65, %multiple_of3A_58] : memref<64x1000000xf32, #tpu.memory_space<hbm>> -> memref<64x128xf32, #tpu.memory_space<hbm>>
    tpu.enqueue_dma source(%dma_start3A_66 : memref<64x128xf32, #tpu.memory_space<hbm>>) target(%arg15 : memref<64x128xf32, #tpu.memory_space<vmem>>) target_semaphore(%arg24 : memref<!tpu.dma_semaphore, #tpu.memory_space<semaphore_mem>>)
    %scan3A = arith.constant 0 : i32
    %scan3A_67 = arith.constant 0 : i32
    %scan3A_68 = arith.constant 32 : i32
    %scan3A_69 = arith.addi %scan3A_67, %scan3A_68 : i32
    %scan3A_70 = arith.constant 1 : i32
    scf.for %scan3A_72 = %scan3A_67 to %scan3A_69 step %scan3A_70  : i32 {
      %mul3A_73 = arith.constant 16 : i32
      %mul3A_74 = arith.muli %scan3A_72, %mul3A_73 : i32
      %get3A_75 = arith.index_cast %mul3A_74 : i32 to index
      %get3A_76 = tpu.vector_load %arg7[%get3A_75] {strides = array<i32>} : memref<512xi32, #tpu.memory_space<vmem>>, vector<16xi32>,
      %mul3A_77 = arith.constant 16 : i32
      %mul3A_78 = arith.muli %scan3A_72, %mul3A_77 : i32
      %get3A_79 = arith.index_cast %mul3A_78 : i32 to index
      %get3A_80 = tpu.vector_load %arg8[%get3A_79] {strides = array<i32>} : memref<512xi32, #tpu.memory_space<vmem>>, vector<16xi32>,
      %add3A_81 = arith.constant 1 : i32
      %add3A_82 = arith.addi %scan3A_72, %add3A_81 : i32
      %min3A = arith.constant 31 : i32
      %min3A_83 = arith.minsi %add3A_82, %min3A : i32
      %mul3A_84 = arith.constant 16 : i32
      %mul3A_85 = arith.muli %min3A_83, %mul3A_84 : i32
      %get3A_86 = arith.index_cast %mul3A_85 : i32 to index
      %get3A_87 = tpu.vector_load %arg7[%get3A_86] {strides = array<i32>} : memref<512xi32, #tpu.memory_space<vmem>>, vector<16xi32>,
      %mul3A_88 = arith.constant 16 : i32
      %mul3A_89 = arith.muli %min3A_83, %mul3A_88 : i32
      %get3A_90 = arith.index_cast %mul3A_89 : i32 to index
      %get3A_91 = tpu.vector_load %arg8[%get3A_90] {strides = array<i32>} : memref<512xi32, #tpu.memory_space<vmem>>, vector<16xi32>,
      %broadcast_in_dim3A = arith.constant 0.000000e+00 : f32
      %broadcast_in_dim3A_92 = vector.broadcast %broadcast_in_dim3A : f32 to vector<16xf32>
      %dma_wait3A = arith.constant 0 : i32
      %dma_wait3A_93 = arith.constant 0 : i32
      %dma_wait3A_94 = tpu.memref_slice %arg4[%dma_wait3A, %dma_wait3A_93] : memref<64x1000000xf32, #tpu.memory_space<hbm>> -> memref<64x128xf32, #tpu.memory_space<hbm>>
      %dma_wait3A_95 = arith.constant 0 : i32
      %dma_wait3A_96 = arith.constant 0 : i32
      %dma_wait3A_97 = tpu.memref_slice %arg4[%dma_wait3A_95, %dma_wait3A_96] : memref<64x1000000xf32, #tpu.memory_space<hbm>> -> memref<64x128xf32, #tpu.memory_space<hbm>>
      tpu.wait_dma2 semaphore(%arg18 : memref<!tpu.dma_semaphore, #tpu.memory_space<semaphore_mem>>) src(%dma_wait3A_97 : memref<64x128xf32, #tpu.memory_space<hbm>>) dst(%arg9 : memref<64x128xf32, #tpu.memory_space<vmem>>)
      %dma_wait3A_98 = arith.constant 0 : i32
      %dma_wait3A_99 = arith.constant 0 : i32
      %dma_wait3A_100 = tpu.memref_slice %arg5[%dma_wait3A_98, %dma_wait3A_99] : memref<64x1000000xf32, #tpu.memory_space<hbm>> -> memref<64x128xf32, #tpu.memory_space<hbm>>
      %dma_wait3A_101 = arith.constant 0 : i32
      %dma_wait3A_102 = arith.constant 0 : i32
      %dma_wait3A_103 = tpu.memref_slice %arg5[%dma_wait3A_101, %dma_wait3A_102] : memref<64x1000000xf32, #tpu.memory_space<hbm>> -> memref<64x128xf32, #tpu.memory_space<hbm>>
      tpu.wait_dma2 semaphore(%arg22 : memref<!tpu.dma_semaphore, #tpu.memory_space<semaphore_mem>>) src(%dma_wait3A_103 : memref<64x128xf32, #tpu.memory_space<hbm>>) dst(%arg13 : memref<64x128xf32, #tpu.memory_space<vmem>>)
      %slice3A_104 = vector.extract_strided_slice %get3A_76 {offsets = [3], sizes = [1], strides = [1]} : vector<16xi32> to vector<1xi32>
      %squeeze3A_105 = vector.extract %slice3A_104[0] : i32 from vector<1xi32>
      %slice3A_106 = vector.extract_strided_slice %get3A_80 {offsets = [3], sizes = [1], strides = [1]} : vector<16xi32> to vector<1xi32>
      %squeeze3A_107 = vector.extract %slice3A_106[0] : i32 from vector<1xi32>
      %mul3A_108 = arith.constant 16 : i32
      %mul3A_109 = arith.muli %scan3A_72, %mul3A_108 : i32
      %add3A_110 = arith.constant 3 : i32
      %add3A_111 = arith.addi %mul3A_109, %add3A_110 : i32
      %lt3A = arith.constant 512 : i32
      %lt3A_112 = arith.cmpi slt, %add3A_111, %lt3A : i32
      %convert_element_type3A = arith.extui %lt3A_112 : i1 to i32
      %cond3A = arith.constant 0 : i32
      %cond3A_113 = arith.cmpi ne, %convert_element_type3A, %cond3A : i32
      scf.if %cond3A_113 {
        %shift_right_arithmetic3A_1271 = arith.constant 7 : i32
        %shift_right_arithmetic3A_1272 = arith.shrsi %squeeze3A_105, %shift_right_arithmetic3A_1271 : i32
        %mul3A_1273 = arith.constant 128 : i32
        %mul3A_1274 = arith.muli %shift_right_arithmetic3A_1272, %mul3A_1273 : i32
        %multiple_of3A_1275 = tpu.assume_multiple %mul3A_1274, 128 : i32
        %shift_right_arithmetic3A_1276 = arith.constant 7 : i32
        %shift_right_arithmetic3A_1277 = arith.shrsi %squeeze3A_107, %shift_right_arithmetic3A_1276 : i32
        %mul3A_1278 = arith.constant 128 : i32
        %mul3A_1279 = arith.muli %shift_right_arithmetic3A_1277, %mul3A_1278 : i32
        %multiple_of3A_1280 = tpu.assume_multiple %mul3A_1279, 128 : i32
        %dma_start3A_1281 = arith.constant 0 : i32
        %dma_start3A_1282 = tpu.memref_slice %arg4[%dma_start3A_1281, %multiple_of3A_1275] : memref<64x1000000xf32, #tpu.memory_space<hbm>> -> memref<64x128xf32, #tpu.memory_space<hbm>>
        %dma_start3A_1283 = arith.constant 0 : i32
        %dma_start3A_1284 = tpu.memref_slice %arg4[%dma_start3A_1283, %multiple_of3A_1275] : memref<64x1000000xf32, #tpu.memory_space<hbm>> -> memref<64x128xf32, #tpu.memory_space<hbm>>
        tpu.enqueue_dma source(%dma_start3A_1284 : memref<64x128xf32, #tpu.memory_space<hbm>>) target(%arg12 : memref<64x128xf32, #tpu.memory_space<vmem>>) target_semaphore(%arg21 : memref<!tpu.dma_semaphore, #tpu.memory_space<semaphore_mem>>)
        %dma_start3A_1285 = arith.constant 0 : i32
        %dma_start3A_1286 = tpu.memref_slice %arg5[%dma_start3A_1285, %multiple_of3A_1280] : memref<64x1000000xf32, #tpu.memory_space<hbm>> -> memref<64x128xf32, #tpu.memory_space<hbm>>
        %dma_start3A_1287 = arith.constant 0 : i32
        %dma_start3A_1288 = tpu.memref_slice %arg5[%dma_start3A_1287, %multiple_of3A_1280] : memref<64x1000000xf32, #tpu.memory_space<hbm>> -> memref<64x128xf32, #tpu.memory_space<hbm>>
        tpu.enqueue_dma source(%dma_start3A_1288 : memref<64x128xf32, #tpu.memory_space<hbm>>) target(%arg16 : memref<64x128xf32, #tpu.memory_space<vmem>>) target_semaphore(%arg25 : memref<!tpu.dma_semaphore, #tpu.memory_space<semaphore_mem>>)
      } else {
      }
      %slice3A_114 = vector.extract_strided_slice %get3A_76 {offsets = [0], sizes = [1], strides = [1]} : vector<16xi32> to vector<1xi32>
      %squeeze3A_115 = vector.extract %slice3A_114[0] : i32 from vector<1xi32>
      %and3A = arith.constant 127 : i32
      %and3A_116 = arith.andi %squeeze3A_115, %and3A : i32
      %broadcast_in_dim3A_117 = vector.broadcast %and3A_116 : i32 to vector<16xi32>
      %slice3A_118 = vector.extract_strided_slice %get3A_80 {offsets = [0], sizes = [1], strides = [1]} : vector<16xi32> to vector<1xi32>
      %squeeze3A_119 = vector.extract %slice3A_118[0] : i32 from vector<1xi32>
      %and3A_120 = arith.constant 127 : i32
      %and3A_121 = arith.andi %squeeze3A_119, %and3A_120 : i32
      %broadcast_in_dim3A_122 = vector.broadcast %and3A_121 : i32 to vector<16xi32>
      %broadcast_in_dim3A_123 = arith.constant 0.000000e+00 : f32
      %broadcast_in_dim3A_124 = vector.broadcast %broadcast_in_dim3A_123 : f32 to vector<16xf32>
      %add3A_125 = arith.constant 0 : i32
      %add3A_126 = vector.broadcast %add3A_125 : i32 to vector<16xi32>
      %add3A_127 = arith.addi %add3A_126, %iota3A : vector<16xi32>
      %gather3A = tpu.vector_load_idx %arg9[%add3A_127, %broadcast_in_dim3A_117] : memref<64x128xf32, #tpu.memory_space<vmem>>[vector<16xi32>, vector<16xi32>], vector<16xf32>,
      %gather3A_128 = tpu.vector_load_idx %arg13[%add3A_127, %broadcast_in_dim3A_122] : memref<64x128xf32, #tpu.memory_space<vmem>>[vector<16xi32>, vector<16xi32>], vector<16xf32>,
      %mul3A_129 = arith.mulf %gather3A, %gather3A_128 : vector<16xf32>
      %add3A_130 = arith.addf %broadcast_in_dim3A_124, %mul3A_129 : vector<16xf32>
      %add3A_131 = arith.constant 16 : i32
      %add3A_132 = vector.broadcast %add3A_131 : i32 to vector<16xi32>
      %add3A_133 = arith.addi %add3A_132, %iota3A : vector<16xi32>
      %gather3A_134 = tpu.vector_load_idx %arg9[%add3A_133, %broadcast_in_dim3A_117] : memref<64x128xf32, #tpu.memory_space<vmem>>[vector<16xi32>, vector<16xi32>], vector<16xf32>,
      %gather3A_135 = tpu.vector_load_idx %arg13[%add3A_133, %broadcast_in_dim3A_122] : memref<64x128xf32, #tpu.memory_space<vmem>>[vector<16xi32>, vector<16xi32>], vector<16xf32>,
      %mul3A_136 = arith.mulf %gather3A_134, %gather3A_135 : vector<16xf32>
      %add3A_137 = arith.addf %add3A_130, %mul3A_136 : vector<16xf32>
      %add3A_138 = arith.constant 32 : i32
      %add3A_139 = vector.broadcast %add3A_138 : i32 to vector<16xi32>
      %add3A_140 = arith.addi %add3A_139, %iota3A : vector<16xi32>
      %gather3A_141 = tpu.vector_load_idx %arg9[%add3A_140, %broadcast_in_dim3A_117] : memref<64x128xf32, #tpu.memory_space<vmem>>[vector<16xi32>, vector<16xi32>], vector<16xf32>,
      %gather3A_142 = tpu.vector_load_idx %arg13[%add3A_140, %broadcast_in_dim3A_122] : memref<64x128xf32, #tpu.memory_space<vmem>>[vector<16xi32>, vector<16xi32>], vector<16xf32>,
      %mul3A_143 = arith.mulf %gather3A_141, %gather3A_142 : vector<16xf32>
      %add3A_144 = arith.addf %add3A_137, %mul3A_143 : vector<16xf32>
      %add3A_145 = arith.constant 48 : i32
      %add3A_146 = vector.broadcast %add3A_145 : i32 to vector<16xi32>
      %add3A_147 = arith.addi %add3A_146, %iota3A : vector<16xi32>
      %gather3A_148 = tpu.vector_load_idx %arg9[%add3A_147, %broadcast_in_dim3A_117] : memref<64x128xf32, #tpu.memory_space<vmem>>[vector<16xi32>, vector<16xi32>], vector<16xf32>,
      %gather3A_149 = tpu.vector_load_idx %arg13[%add3A_147, %broadcast_in_dim3A_122] : memref<64x128xf32, #tpu.memory_space<vmem>>[vector<16xi32>, vector<16xi32>], vector<16xf32>,
      %mul3A_150 = arith.mulf %gather3A_148, %gather3A_149 : vector<16xf32>
      %add3A_151 = arith.addf %add3A_144, %mul3A_150 : vector<16xf32>
      %reduce_sum3A = arith.constant true
      %reduce_sum3A_152 = vector.broadcast %reduce_sum3A : i1 to vector<16xi1>
      %reduce_sum3A_153 = tpu.scan <sum>, %add3A_151 masked %reduce_sum3A_152 : vector<16xf32>, vector<16xi1> -> vector<16xf32>
      %reduce_sum3A_154 = vector.extract %reduce_sum3A_153[15] : f32 from vector<16xf32>
      %eq3A = arith.constant 0 : i32
      %eq3A_155 = vector.broadcast %eq3A : i32 to vector<16xi32>
      %eq3A_156 = arith.cmpi eq, %iota3A, %eq3A_155 : vector<16xi32>
      %broadcast_in_dim3A_157 = vector.broadcast %reduce_sum3A_154 : f32 to vector<16xf32>
      %select_n3A = arith.select %eq3A_156, %broadcast_in_dim3A_157, %broadcast_in_dim3A_92 : vector<16xi1>, vector<16xf32>
      %dma_wait3A_158 = arith.constant 0 : i32
      %dma_wait3A_159 = arith.constant 0 : i32
      %dma_wait3A_160 = tpu.memref_slice %arg4[%dma_wait3A_158, %dma_wait3A_159] : memref<64x1000000xf32, #tpu.memory_space<hbm>> -> memref<64x128xf32, #tpu.memory_space<hbm>>
      %dma_wait3A_161 = arith.constant 0 : i32
      %dma_wait3A_162 = arith.constant 0 : i32
      %dma_wait3A_163 = tpu.memref_slice %arg4[%dma_wait3A_161, %dma_wait3A_162] : memref<64x1000000xf32, #tpu.memory_space<hbm>> -> memref<64x128xf32, #tpu.memory_space<hbm>>
      tpu.wait_dma2 semaphore(%arg19 : memref<!tpu.dma_semaphore, #tpu.memory_space<semaphore_mem>>) src(%dma_wait3A_163 : memref<64x128xf32, #tpu.memory_space<hbm>>) dst(%arg10 : memref<64x128xf32, #tpu.memory_space<vmem>>)
      %dma_wait3A_164 = arith.constant 0 : i32
      %dma_wait3A_165 = arith.constant 0 : i32
      %dma_wait3A_166 = tpu.memref_slice %arg5[%dma_wait3A_164, %dma_wait3A_165] : memref<64x1000000xf32, #tpu.memory_space<hbm>> -> memref<64x128xf32, #tpu.memory_space<hbm>>
      %dma_wait3A_167 = arith.constant 0 : i32
      %dma_wait3A_168 = arith.constant 0 : i32
      %dma_wait3A_169 = tpu.memref_slice %arg5[%dma_wait3A_167, %dma_wait3A_168] : memref<64x1000000xf32, #tpu.memory_space<hbm>> -> memref<64x128xf32, #tpu.memory_space<hbm>>
      tpu.wait_dma2 semaphore(%arg23 : memref<!tpu.dma_semaphore, #tpu.memory_space<semaphore_mem>>) src(%dma_wait3A_169 : memref<64x128xf32, #tpu.memory_space<hbm>>) dst(%arg14 : memref<64x128xf32, #tpu.memory_space<vmem>>)
      %slice3A_170 = vector.extract_strided_slice %get3A_76 {offsets = [4], sizes = [1], strides = [1]} : vector<16xi32> to vector<1xi32>
      %squeeze3A_171 = vector.extract %slice3A_170[0] : i32 from vector<1xi32>
      %slice3A_172 = vector.extract_strided_slice %get3A_80 {offsets = [4], sizes = [1], strides = [1]} : vector<16xi32> to vector<1xi32>
      %squeeze3A_173 = vector.extract %slice3A_172[0] : i32 from vector<1xi32>
      %mul3A_174 = arith.constant 16 : i32
      %mul3A_175 = arith.muli %scan3A_72, %mul3A_174 : i32
      %add3A_176 = arith.constant 4 : i32
      %add3A_177 = arith.addi %mul3A_175, %add3A_176 : i32
      %lt3A_178 = arith.constant 512 : i32
      %lt3A_179 = arith.cmpi slt, %add3A_177, %lt3A_178 : i32
      %convert_element_type3A_180 = arith.extui %lt3A_179 : i1 to i32
      %cond3A_181 = arith.constant 0 : i32
      %cond3A_182 = arith.cmpi ne, %convert_element_type3A_180, %cond3A_181 : i32
      scf.if %cond3A_182 {
        %shift_right_arithmetic3A_1271 = arith.constant 7 : i32
        %shift_right_arithmetic3A_1272 = arith.shrsi %squeeze3A_171, %shift_right_arithmetic3A_1271 : i32
        %mul3A_1273 = arith.constant 128 : i32
        %mul3A_1274 = arith.muli %shift_right_arithmetic3A_1272, %mul3A_1273 : i32
        %multiple_of3A_1275 = tpu.assume_multiple %mul3A_1274, 128 : i32
        %shift_right_arithmetic3A_1276 = arith.constant 7 : i32
        %shift_right_arithmetic3A_1277 = arith.shrsi %squeeze3A_173, %shift_right_arithmetic3A_1276 : i32
        %mul3A_1278 = arith.constant 128 : i32
        %mul3A_1279 = arith.muli %shift_right_arithmetic3A_1277, %mul3A_1278 : i32
        %multiple_of3A_1280 = tpu.assume_multiple %mul3A_1279, 128 : i32
        %dma_start3A_1281 = arith.constant 0 : i32
        %dma_start3A_1282 = tpu.memref_slice %arg4[%dma_start3A_1281, %multiple_of3A_1275] : memref<64x1000000xf32, #tpu.memory_space<hbm>> -> memref<64x128xf32, #tpu.memory_space<hbm>>
        %dma_start3A_1283 = arith.constant 0 : i32
        %dma_start3A_1284 = tpu.memref_slice %arg4[%dma_start3A_1283, %multiple_of3A_1275] : memref<64x1000000xf32, #tpu.memory_space<hbm>> -> memref<64x128xf32, #tpu.memory_space<hbm>>
        tpu.enqueue_dma source(%dma_start3A_1284 : memref<64x128xf32, #tpu.memory_space<hbm>>) target(%arg9 : memref<64x128xf32, #tpu.memory_space<vmem>>) target_semaphore(%arg18 : memref<!tpu.dma_semaphore, #tpu.memory_space<semaphore_mem>>)
        %dma_start3A_1285 = arith.constant 0 : i32
        %dma_start3A_1286 = tpu.memref_slice %arg5[%dma_start3A_1285, %multiple_of3A_1280] : memref<64x1000000xf32, #tpu.memory_space<hbm>> -> memref<64x128xf32, #tpu.memory_space<hbm>>
        %dma_start3A_1287 = arith.constant 0 : i32
        %dma_start3A_1288 = tpu.memref_slice %arg5[%dma_start3A_1287, %multiple_of3A_1280] : memref<64x1000000xf32, #tpu.memory_space<hbm>> -> memref<64x128xf32, #tpu.memory_space<hbm>>
        tpu.enqueue_dma source(%dma_start3A_1288 : memref<64x128xf32, #tpu.memory_space<hbm>>) target(%arg13 : memref<64x128xf32, #tpu.memory_space<vmem>>) target_semaphore(%arg22 : memref<!tpu.dma_semaphore, #tpu.memory_space<semaphore_mem>>)
      } else {
      }
      %slice3A_183 = vector.extract_strided_slice %get3A_76 {offsets = [1], sizes = [1], strides = [1]} : vector<16xi32> to vector<1xi32>
      %squeeze3A_184 = vector.extract %slice3A_183[0] : i32 from vector<1xi32>
      %and3A_185 = arith.constant 127 : i32
      %and3A_186 = arith.andi %squeeze3A_184, %and3A_185 : i32
      %broadcast_in_dim3A_187 = vector.broadcast %and3A_186 : i32 to vector<16xi32>
      %slice3A_188 = vector.extract_strided_slice %get3A_80 {offsets = [1], sizes = [1], strides = [1]} : vector<16xi32> to vector<1xi32>
      %squeeze3A_189 = vector.extract %slice3A_188[0] : i32 from vector<1xi32>
      %and3A_190 = arith.constant 127 : i32
      %and3A_191 = arith.andi %squeeze3A_189, %and3A_190 : i32
      %broadcast_in_dim3A_192 = vector.broadcast %and3A_191 : i32 to vector<16xi32>
      %broadcast_in_dim3A_193 = arith.constant 0.000000e+00 : f32
      %broadcast_in_dim3A_194 = vector.broadcast %broadcast_in_dim3A_193 : f32 to vector<16xf32>
      %add3A_195 = arith.constant 0 : i32
      %add3A_196 = vector.broadcast %add3A_195 : i32 to vector<16xi32>
      %add3A_197 = arith.addi %add3A_196, %iota3A : vector<16xi32>
      %gather3A_198 = tpu.vector_load_idx %arg10[%add3A_197, %broadcast_in_dim3A_187] : memref<64x128xf32, #tpu.memory_space<vmem>>[vector<16xi32>, vector<16xi32>], vector<16xf32>,
      %gather3A_199 = tpu.vector_load_idx %arg14[%add3A_197, %broadcast_in_dim3A_192] : memref<64x128xf32, #tpu.memory_space<vmem>>[vector<16xi32>, vector<16xi32>], vector<16xf32>,
      %mul3A_200 = arith.mulf %gather3A_198, %gather3A_199 : vector<16xf32>
      %add3A_201 = arith.addf %broadcast_in_dim3A_194, %mul3A_200 : vector<16xf32>
      %add3A_202 = arith.constant 16 : i32
      %add3A_203 = vector.broadcast %add3A_202 : i32 to vector<16xi32>
      %add3A_204 = arith.addi %add3A_203, %iota3A : vector<16xi32>
      %gather3A_205 = tpu.vector_load_idx %arg10[%add3A_204, %broadcast_in_dim3A_187] : memref<64x128xf32, #tpu.memory_space<vmem>>[vector<16xi32>, vector<16xi32>], vector<16xf32>,
      %gather3A_206 = tpu.vector_load_idx %arg14[%add3A_204, %broadcast_in_dim3A_192] : memref<64x128xf32, #tpu.memory_space<vmem>>[vector<16xi32>, vector<16xi32>], vector<16xf32>,
      %mul3A_207 = arith.mulf %gather3A_205, %gather3A_206 : vector<16xf32>
      %add3A_208 = arith.addf %add3A_201, %mul3A_207 : vector<16xf32>
      %add3A_209 = arith.constant 32 : i32
      %add3A_210 = vector.broadcast %add3A_209 : i32 to vector<16xi32>
      %add3A_211 = arith.addi %add3A_210, %iota3A : vector<16xi32>
      %gather3A_212 = tpu.vector_load_idx %arg10[%add3A_211, %broadcast_in_dim3A_187] : memref<64x128xf32, #tpu.memory_space<vmem>>[vector<16xi32>, vector<16xi32>], vector<16xf32>,
      %gather3A_213 = tpu.vector_load_idx %arg14[%add3A_211, %broadcast_in_dim3A_192] : memref<64x128xf32, #tpu.memory_space<vmem>>[vector<16xi32>, vector<16xi32>], vector<16xf32>,
      %mul3A_214 = arith.mulf %gather3A_212, %gather3A_213 : vector<16xf32>
      %add3A_215 = arith.addf %add3A_208, %mul3A_214 : vector<16xf32>
      %add3A_216 = arith.constant 48 : i32
      %add3A_217 = vector.broadcast %add3A_216 : i32 to vector<16xi32>
      %add3A_218 = arith.addi %add3A_217, %iota3A : vector<16xi32>
      %gather3A_219 = tpu.vector_load_idx %arg10[%add3A_218, %broadcast_in_dim3A_187] : memref<64x128xf32, #tpu.memory_space<vmem>>[vector<16xi32>, vector<16xi32>], vector<16xf32>,
      %gather3A_220 = tpu.vector_load_idx %arg14[%add3A_218, %broadcast_in_dim3A_192] : memref<64x128xf32, #tpu.memory_space<vmem>>[vector<16xi32>, vector<16xi32>], vector<16xf32>,
      %mul3A_221 = arith.mulf %gather3A_219, %gather3A_220 : vector<16xf32>
      %add3A_222 = arith.addf %add3A_215, %mul3A_221 : vector<16xf32>
      %reduce_sum3A_223 = arith.constant true
      %reduce_sum3A_224 = vector.broadcast %reduce_sum3A_223 : i1 to vector<16xi1>
      %reduce_sum3A_225 = tpu.scan <sum>, %add3A_222 masked %reduce_sum3A_224 : vector<16xf32>, vector<16xi1> -> vector<16xf32>
      %reduce_sum3A_226 = vector.extract %reduce_sum3A_225[15] : f32 from vector<16xf32>
      %eq3A_227 = arith.constant 1 : i32
      %eq3A_228 = vector.broadcast %eq3A_227 : i32 to vector<16xi32>
      %eq3A_229 = arith.cmpi eq, %iota3A, %eq3A_228 : vector<16xi32>
      %broadcast_in_dim3A_230 = vector.broadcast %reduce_sum3A_226 : f32 to vector<16xf32>
      %select_n3A_231 = arith.select %eq3A_229, %broadcast_in_dim3A_230, %select_n3A : vector<16xi1>, vector<16xf32>
      %dma_wait3A_232 = arith.constant 0 : i32
      %dma_wait3A_233 = arith.constant 0 : i32
      %dma_wait3A_234 = tpu.memref_slice %arg4[%dma_wait3A_232, %dma_wait3A_233] : memref<64x1000000xf32, #tpu.memory_space<hbm>> -> memref<64x128xf32, #tpu.memory_space<hbm>>
      %dma_wait3A_235 = arith.constant 0 : i32
      %dma_wait3A_236 = arith.constant 0 : i32
      %dma_wait3A_237 = tpu.memref_slice %arg4[%dma_wait3A_235, %dma_wait3A_236] : memref<64x1000000xf32, #tpu.memory_space<hbm>> -> memref<64x128xf32, #tpu.memory_space<hbm>>
      tpu.wait_dma2 semaphore(%arg20 : memref<!tpu.dma_semaphore, #tpu.memory_space<semaphore_mem>>) src(%dma_wait3A_237 : memref<64x128xf32, #tpu.memory_space<hbm>>) dst(%arg11 : memref<64x128xf32, #tpu.memory_space<vmem>>)
      %dma_wait3A_238 = arith.constant 0 : i32
      %dma_wait3A_239 = arith.constant 0 : i32
      %dma_wait3A_240 = tpu.memref_slice %arg5[%dma_wait3A_238, %dma_wait3A_239] : memref<64x1000000xf32, #tpu.memory_space<hbm>> -> memref<64x128xf32, #tpu.memory_space<hbm>>
      %dma_wait3A_241 = arith.constant 0 : i32
      %dma_wait3A_242 = arith.constant 0 : i32
      %dma_wait3A_243 = tpu.memref_slice %arg5[%dma_wait3A_241, %dma_wait3A_242] : memref<64x1000000xf32, #tpu.memory_space<hbm>> -> memref<64x128xf32, #tpu.memory_space<hbm>>
      tpu.wait_dma2 semaphore(%arg24 : memref<!tpu.dma_semaphore, #tpu.memory_space<semaphore_mem>>) src(%dma_wait3A_243 : memref<64x128xf32, #tpu.memory_space<hbm>>) dst(%arg15 : memref<64x128xf32, #tpu.memory_space<vmem>>)
      %slice3A_244 = vector.extract_strided_slice %get3A_76 {offsets = [5], sizes = [1], strides = [1]} : vector<16xi32> to vector<1xi32>
      %squeeze3A_245 = vector.extract %slice3A_244[0] : i32 from vector<1xi32>
      %slice3A_246 = vector.extract_strided_slice %get3A_80 {offsets = [5], sizes = [1], strides = [1]} : vector<16xi32> to vector<1xi32>
      %squeeze3A_247 = vector.extract %slice3A_246[0] : i32 from vector<1xi32>
      %mul3A_248 = arith.constant 16 : i32
      %mul3A_249 = arith.muli %scan3A_72, %mul3A_248 : i32
      %add3A_250 = arith.constant 5 : i32
      %add3A_251 = arith.addi %mul3A_249, %add3A_250 : i32
      %lt3A_252 = arith.constant 512 : i32
      %lt3A_253 = arith.cmpi slt, %add3A_251, %lt3A_252 : i32
      %convert_element_type3A_254 = arith.extui %lt3A_253 : i1 to i32
      %cond3A_255 = arith.constant 0 : i32
      %cond3A_256 = arith.cmpi ne, %convert_element_type3A_254, %cond3A_255 : i32
      scf.if %cond3A_256 {
        %shift_right_arithmetic3A_1271 = arith.constant 7 : i32
        %shift_right_arithmetic3A_1272 = arith.shrsi %squeeze3A_245, %shift_right_arithmetic3A_1271 : i32
        %mul3A_1273 = arith.constant 128 : i32
        %mul3A_1274 = arith.muli %shift_right_arithmetic3A_1272, %mul3A_1273 : i32
        %multiple_of3A_1275 = tpu.assume_multiple %mul3A_1274, 128 : i32
        %shift_right_arithmetic3A_1276 = arith.constant 7 : i32
        %shift_right_arithmetic3A_1277 = arith.shrsi %squeeze3A_247, %shift_right_arithmetic3A_1276 : i32
        %mul3A_1278 = arith.constant 128 : i32
        %mul3A_1279 = arith.muli %shift_right_arithmetic3A_1277, %mul3A_1278 : i32
        %multiple_of3A_1280 = tpu.assume_multiple %mul3A_1279, 128 : i32
        %dma_start3A_1281 = arith.constant 0 : i32
        %dma_start3A_1282 = tpu.memref_slice %arg4[%dma_start3A_1281, %multiple_of3A_1275] : memref<64x1000000xf32, #tpu.memory_space<hbm>> -> memref<64x128xf32, #tpu.memory_space<hbm>>
        %dma_start3A_1283 = arith.constant 0 : i32
        %dma_start3A_1284 = tpu.memref_slice %arg4[%dma_start3A_1283, %multiple_of3A_1275] : memref<64x1000000xf32, #tpu.memory_space<hbm>> -> memref<64x128xf32, #tpu.memory_space<hbm>>
        tpu.enqueue_dma source(%dma_start3A_1284 : memref<64x128xf32, #tpu.memory_space<hbm>>) target(%arg10 : memref<64x128xf32, #tpu.memory_space<vmem>>) target_semaphore(%arg19 : memref<!tpu.dma_semaphore, #tpu.memory_space<semaphore_mem>>)
        %dma_start3A_1285 = arith.constant 0 : i32
        %dma_start3A_1286 = tpu.memref_slice %arg5[%dma_start3A_1285, %multiple_of3A_1280] : memref<64x1000000xf32, #tpu.memory_space<hbm>> -> memref<64x128xf32, #tpu.memory_space<hbm>>
        %dma_start3A_1287 = arith.constant 0 : i32
        %dma_start3A_1288 = tpu.memref_slice %arg5[%dma_start3A_1287, %multiple_of3A_1280] : memref<64x1000000xf32, #tpu.memory_space<hbm>> -> memref<64x128xf32, #tpu.memory_space<hbm>>
        tpu.enqueue_dma source(%dma_start3A_1288 : memref<64x128xf32, #tpu.memory_space<hbm>>) target(%arg14 : memref<64x128xf32, #tpu.memory_space<vmem>>) target_semaphore(%arg23 : memref<!tpu.dma_semaphore, #tpu.memory_space<semaphore_mem>>)
      } else {
      }
      %slice3A_257 = vector.extract_strided_slice %get3A_76 {offsets = [2], sizes = [1], strides = [1]} : vector<16xi32> to vector<1xi32>
      %squeeze3A_258 = vector.extract %slice3A_257[0] : i32 from vector<1xi32>
      %and3A_259 = arith.constant 127 : i32
      %and3A_260 = arith.andi %squeeze3A_258, %and3A_259 : i32
      %broadcast_in_dim3A_261 = vector.broadcast %and3A_260 : i32 to vector<16xi32>
      %slice3A_262 = vector.extract_strided_slice %get3A_80 {offsets = [2], sizes = [1], strides = [1]} : vector<16xi32> to vector<1xi32>
      %squeeze3A_263 = vector.extract %slice3A_262[0] : i32 from vector<1xi32>
      %and3A_264 = arith.constant 127 : i32
      %and3A_265 = arith.andi %squeeze3A_263, %and3A_264 : i32
      %broadcast_in_dim3A_266 = vector.broadcast %and3A_265 : i32 to vector<16xi32>
      %broadcast_in_dim3A_267 = arith.constant 0.000000e+00 : f32
      %broadcast_in_dim3A_268 = vector.broadcast %broadcast_in_dim3A_267 : f32 to vector<16xf32>
      %add3A_269 = arith.constant 0 : i32
      %add3A_270 = vector.broadcast %add3A_269 : i32 to vector<16xi32>
      %add3A_271 = arith.addi %add3A_270, %iota3A : vector<16xi32>
      %gather3A_272 = tpu.vector_load_idx %arg11[%add3A_271, %broadcast_in_dim3A_261] : memref<64x128xf32, #tpu.memory_space<vmem>>[vector<16xi32>, vector<16xi32>], vector<16xf32>,
      %gather3A_273 = tpu.vector_load_idx %arg15[%add3A_271, %broadcast_in_dim3A_266] : memref<64x128xf32, #tpu.memory_space<vmem>>[vector<16xi32>, vector<16xi32>], vector<16xf32>,
      %mul3A_274 = arith.mulf %gather3A_272, %gather3A_273 : vector<16xf32>
      %add3A_275 = arith.addf %broadcast_in_dim3A_268, %mul3A_274 : vector<16xf32>
      %add3A_276 = arith.constant 16 : i32
      %add3A_277 = vector.broadcast %add3A_276 : i32 to vector<16xi32>
      %add3A_278 = arith.addi %add3A_277, %iota3A : vector<16xi32>
      %gather3A_279 = tpu.vector_load_idx %arg11[%add3A_278, %broadcast_in_dim3A_261] : memref<64x128xf32, #tpu.memory_space<vmem>>[vector<16xi32>, vector<16xi32>], vector<16xf32>,
      %gather3A_280 = tpu.vector_load_idx %arg15[%add3A_278, %broadcast_in_dim3A_266] : memref<64x128xf32, #tpu.memory_space<vmem>>[vector<16xi32>, vector<16xi32>], vector<16xf32>,
      %mul3A_281 = arith.mulf %gather3A_279, %gather3A_280 : vector<16xf32>
      %add3A_282 = arith.addf %add3A_275, %mul3A_281 : vector<16xf32>
      %add3A_283 = arith.constant 32 : i32
      %add3A_284 = vector.broadcast %add3A_283 : i32 to vector<16xi32>
      %add3A_285 = arith.addi %add3A_284, %iota3A : vector<16xi32>
      %gather3A_286 = tpu.vector_load_idx %arg11[%add3A_285, %broadcast_in_dim3A_261] : memref<64x128xf32, #tpu.memory_space<vmem>>[vector<16xi32>, vector<16xi32>], vector<16xf32>,
      %gather3A_287 = tpu.vector_load_idx %arg15[%add3A_285, %broadcast_in_dim3A_266] : memref<64x128xf32, #tpu.memory_space<vmem>>[vector<16xi32>, vector<16xi32>], vector<16xf32>,
      %mul3A_288 = arith.mulf %gather3A_286, %gather3A_287 : vector<16xf32>
      %add3A_289 = arith.addf %add3A_282, %mul3A_288 : vector<16xf32>
      %add3A_290 = arith.constant 48 : i32
      %add3A_291 = vector.broadcast %add3A_290 : i32 to vector<16xi32>
      %add3A_292 = arith.addi %add3A_291, %iota3A : vector<16xi32>
      %gather3A_293 = tpu.vector_load_idx %arg11[%add3A_292, %broadcast_in_dim3A_261] : memref<64x128xf32, #tpu.memory_space<vmem>>[vector<16xi32>, vector<16xi32>], vector<16xf32>,
      %gather3A_294 = tpu.vector_load_idx %arg15[%add3A_292, %broadcast_in_dim3A_266] : memref<64x128xf32, #tpu.memory_space<vmem>>[vector<16xi32>, vector<16xi32>], vector<16xf32>,
      %mul3A_295 = arith.mulf %gather3A_293, %gather3A_294 : vector<16xf32>
      %add3A_296 = arith.addf %add3A_289, %mul3A_295 : vector<16xf32>
      %reduce_sum3A_297 = arith.constant true
      %reduce_sum3A_298 = vector.broadcast %reduce_sum3A_297 : i1 to vector<16xi1>
      %reduce_sum3A_299 = tpu.scan <sum>, %add3A_296 masked %reduce_sum3A_298 : vector<16xf32>, vector<16xi1> -> vector<16xf32>
      %reduce_sum3A_300 = vector.extract %reduce_sum3A_299[15] : f32 from vector<16xf32>
      %eq3A_301 = arith.constant 2 : i32
      %eq3A_302 = vector.broadcast %eq3A_301 : i32 to vector<16xi32>
      %eq3A_303 = arith.cmpi eq, %iota3A, %eq3A_302 : vector<16xi32>
      %broadcast_in_dim3A_304 = vector.broadcast %reduce_sum3A_300 : f32 to vector<16xf32>
      %select_n3A_305 = arith.select %eq3A_303, %broadcast_in_dim3A_304, %select_n3A_231 : vector<16xi1>, vector<16xf32>
      %dma_wait3A_306 = arith.constant 0 : i32
      %dma_wait3A_307 = arith.constant 0 : i32
      %dma_wait3A_308 = tpu.memref_slice %arg4[%dma_wait3A_306, %dma_wait3A_307] : memref<64x1000000xf32, #tpu.memory_space<hbm>> -> memref<64x128xf32, #tpu.memory_space<hbm>>
      %dma_wait3A_309 = arith.constant 0 : i32
      %dma_wait3A_310 = arith.constant 0 : i32
      %dma_wait3A_311 = tpu.memref_slice %arg4[%dma_wait3A_309, %dma_wait3A_310] : memref<64x1000000xf32, #tpu.memory_space<hbm>> -> memref<64x128xf32, #tpu.memory_space<hbm>>
      tpu.wait_dma2 semaphore(%arg21 : memref<!tpu.dma_semaphore, #tpu.memory_space<semaphore_mem>>) src(%dma_wait3A_311 : memref<64x128xf32, #tpu.memory_space<hbm>>) dst(%arg12 : memref<64x128xf32, #tpu.memory_space<vmem>>)
      %dma_wait3A_312 = arith.constant 0 : i32
      %dma_wait3A_313 = arith.constant 0 : i32
      %dma_wait3A_314 = tpu.memref_slice %arg5[%dma_wait3A_312, %dma_wait3A_313] : memref<64x1000000xf32, #tpu.memory_space<hbm>> -> memref<64x128xf32, #tpu.memory_space<hbm>>
      %dma_wait3A_315 = arith.constant 0 : i32
      %dma_wait3A_316 = arith.constant 0 : i32
      %dma_wait3A_317 = tpu.memref_slice %arg5[%dma_wait3A_315, %dma_wait3A_316] : memref<64x1000000xf32, #tpu.memory_space<hbm>> -> memref<64x128xf32, #tpu.memory_space<hbm>>
      tpu.wait_dma2 semaphore(%arg25 : memref<!tpu.dma_semaphore, #tpu.memory_space<semaphore_mem>>) src(%dma_wait3A_317 : memref<64x128xf32, #tpu.memory_space<hbm>>) dst(%arg16 : memref<64x128xf32, #tpu.memory_space<vmem>>)
      %slice3A_318 = vector.extract_strided_slice %get3A_76 {offsets = [6], sizes = [1], strides = [1]} : vector<16xi32> to vector<1xi32>
      %squeeze3A_319 = vector.extract %slice3A_318[0] : i32 from vector<1xi32>
      %slice3A_320 = vector.extract_strided_slice %get3A_80 {offsets = [6], sizes = [1], strides = [1]} : vector<16xi32> to vector<1xi32>
      %squeeze3A_321 = vector.extract %slice3A_320[0] : i32 from vector<1xi32>
      %mul3A_322 = arith.constant 16 : i32
      %mul3A_323 = arith.muli %scan3A_72, %mul3A_322 : i32
      %add3A_324 = arith.constant 6 : i32
      %add3A_325 = arith.addi %mul3A_323, %add3A_324 : i32
      %lt3A_326 = arith.constant 512 : i32
      %lt3A_327 = arith.cmpi slt, %add3A_325, %lt3A_326 : i32
      %convert_element_type3A_328 = arith.extui %lt3A_327 : i1 to i32
      %cond3A_329 = arith.constant 0 : i32
      %cond3A_330 = arith.cmpi ne, %convert_element_type3A_328, %cond3A_329 : i32
      scf.if %cond3A_330 {
        %shift_right_arithmetic3A_1271 = arith.constant 7 : i32
        %shift_right_arithmetic3A_1272 = arith.shrsi %squeeze3A_319, %shift_right_arithmetic3A_1271 : i32
        %mul3A_1273 = arith.constant 128 : i32
        %mul3A_1274 = arith.muli %shift_right_arithmetic3A_1272, %mul3A_1273 : i32
        %multiple_of3A_1275 = tpu.assume_multiple %mul3A_1274, 128 : i32
        %shift_right_arithmetic3A_1276 = arith.constant 7 : i32
        %shift_right_arithmetic3A_1277 = arith.shrsi %squeeze3A_321, %shift_right_arithmetic3A_1276 : i32
        %mul3A_1278 = arith.constant 128 : i32
        %mul3A_1279 = arith.muli %shift_right_arithmetic3A_1277, %mul3A_1278 : i32
        %multiple_of3A_1280 = tpu.assume_multiple %mul3A_1279, 128 : i32
        %dma_start3A_1281 = arith.constant 0 : i32
        %dma_start3A_1282 = tpu.memref_slice %arg4[%dma_start3A_1281, %multiple_of3A_1275] : memref<64x1000000xf32, #tpu.memory_space<hbm>> -> memref<64x128xf32, #tpu.memory_space<hbm>>
        %dma_start3A_1283 = arith.constant 0 : i32
        %dma_start3A_1284 = tpu.memref_slice %arg4[%dma_start3A_1283, %multiple_of3A_1275] : memref<64x1000000xf32, #tpu.memory_space<hbm>> -> memref<64x128xf32, #tpu.memory_space<hbm>>
        tpu.enqueue_dma source(%dma_start3A_1284 : memref<64x128xf32, #tpu.memory_space<hbm>>) target(%arg11 : memref<64x128xf32, #tpu.memory_space<vmem>>) target_semaphore(%arg20 : memref<!tpu.dma_semaphore, #tpu.memory_space<semaphore_mem>>)
        %dma_start3A_1285 = arith.constant 0 : i32
        %dma_start3A_1286 = tpu.memref_slice %arg5[%dma_start3A_1285, %multiple_of3A_1280] : memref<64x1000000xf32, #tpu.memory_space<hbm>> -> memref<64x128xf32, #tpu.memory_space<hbm>>
        %dma_start3A_1287 = arith.constant 0 : i32
        %dma_start3A_1288 = tpu.memref_slice %arg5[%dma_start3A_1287, %multiple_of3A_1280] : memref<64x1000000xf32, #tpu.memory_space<hbm>> -> memref<64x128xf32, #tpu.memory_space<hbm>>
        tpu.enqueue_dma source(%dma_start3A_1288 : memref<64x128xf32, #tpu.memory_space<hbm>>) target(%arg15 : memref<64x128xf32, #tpu.memory_space<vmem>>) target_semaphore(%arg24 : memref<!tpu.dma_semaphore, #tpu.memory_space<semaphore_mem>>)
      } else {
      }
      %slice3A_331 = vector.extract_strided_slice %get3A_76 {offsets = [3], sizes = [1], strides = [1]} : vector<16xi32> to vector<1xi32>
      %squeeze3A_332 = vector.extract %slice3A_331[0] : i32 from vector<1xi32>
      %and3A_333 = arith.constant 127 : i32
      %and3A_334 = arith.andi %squeeze3A_332, %and3A_333 : i32
      %broadcast_in_dim3A_335 = vector.broadcast %and3A_334 : i32 to vector<16xi32>
      %slice3A_336 = vector.extract_strided_slice %get3A_80 {offsets = [3], sizes = [1], strides = [1]} : vector<16xi32> to vector<1xi32>
      %squeeze3A_337 = vector.extract %slice3A_336[0] : i32 from vector<1xi32>
      %and3A_338 = arith.constant 127 : i32
      %and3A_339 = arith.andi %squeeze3A_337, %and3A_338 : i32
      %broadcast_in_dim3A_340 = vector.broadcast %and3A_339 : i32 to vector<16xi32>
      %broadcast_in_dim3A_341 = arith.constant 0.000000e+00 : f32
      %broadcast_in_dim3A_342 = vector.broadcast %broadcast_in_dim3A_341 : f32 to vector<16xf32>
      %add3A_343 = arith.constant 0 : i32
      %add3A_344 = vector.broadcast %add3A_343 : i32 to vector<16xi32>
      %add3A_345 = arith.addi %add3A_344, %iota3A : vector<16xi32>
      %gather3A_346 = tpu.vector_load_idx %arg12[%add3A_345, %broadcast_in_dim3A_335] : memref<64x128xf32, #tpu.memory_space<vmem>>[vector<16xi32>, vector<16xi32>], vector<16xf32>,
      %gather3A_347 = tpu.vector_load_idx %arg16[%add3A_345, %broadcast_in_dim3A_340] : memref<64x128xf32, #tpu.memory_space<vmem>>[vector<16xi32>, vector<16xi32>], vector<16xf32>,
      %mul3A_348 = arith.mulf %gather3A_346, %gather3A_347 : vector<16xf32>
      %add3A_349 = arith.addf %broadcast_in_dim3A_342, %mul3A_348 : vector<16xf32>
      %add3A_350 = arith.constant 16 : i32
      %add3A_351 = vector.broadcast %add3A_350 : i32 to vector<16xi32>
      %add3A_352 = arith.addi %add3A_351, %iota3A : vector<16xi32>
      %gather3A_353 = tpu.vector_load_idx %arg12[%add3A_352, %broadcast_in_dim3A_335] : memref<64x128xf32, #tpu.memory_space<vmem>>[vector<16xi32>, vector<16xi32>], vector<16xf32>,
      %gather3A_354 = tpu.vector_load_idx %arg16[%add3A_352, %broadcast_in_dim3A_340] : memref<64x128xf32, #tpu.memory_space<vmem>>[vector<16xi32>, vector<16xi32>], vector<16xf32>,
      %mul3A_355 = arith.mulf %gather3A_353, %gather3A_354 : vector<16xf32>
      %add3A_356 = arith.addf %add3A_349, %mul3A_355 : vector<16xf32>
      %add3A_357 = arith.constant 32 : i32
      %add3A_358 = vector.broadcast %add3A_357 : i32 to vector<16xi32>
      %add3A_359 = arith.addi %add3A_358, %iota3A : vector<16xi32>
      %gather3A_360 = tpu.vector_load_idx %arg12[%add3A_359, %broadcast_in_dim3A_335] : memref<64x128xf32, #tpu.memory_space<vmem>>[vector<16xi32>, vector<16xi32>], vector<16xf32>,
      %gather3A_361 = tpu.vector_load_idx %arg16[%add3A_359, %broadcast_in_dim3A_340] : memref<64x128xf32, #tpu.memory_space<vmem>>[vector<16xi32>, vector<16xi32>], vector<16xf32>,
      %mul3A_362 = arith.mulf %gather3A_360, %gather3A_361 : vector<16xf32>
      %add3A_363 = arith.addf %add3A_356, %mul3A_362 : vector<16xf32>
      %add3A_364 = arith.constant 48 : i32
      %add3A_365 = vector.broadcast %add3A_364 : i32 to vector<16xi32>
      %add3A_366 = arith.addi %add3A_365, %iota3A : vector<16xi32>
      %gather3A_367 = tpu.vector_load_idx %arg12[%add3A_366, %broadcast_in_dim3A_335] : memref<64x128xf32, #tpu.memory_space<vmem>>[vector<16xi32>, vector<16xi32>], vector<16xf32>,
      %gather3A_368 = tpu.vector_load_idx %arg16[%add3A_366, %broadcast_in_dim3A_340] : memref<64x128xf32, #tpu.memory_space<vmem>>[vector<16xi32>, vector<16xi32>], vector<16xf32>,
      %mul3A_369 = arith.mulf %gather3A_367, %gather3A_368 : vector<16xf32>
      %add3A_370 = arith.addf %add3A_363, %mul3A_369 : vector<16xf32>
      %reduce_sum3A_371 = arith.constant true
      %reduce_sum3A_372 = vector.broadcast %reduce_sum3A_371 : i1 to vector<16xi1>
      %reduce_sum3A_373 = tpu.scan <sum>, %add3A_370 masked %reduce_sum3A_372 : vector<16xf32>, vector<16xi1> -> vector<16xf32>
      %reduce_sum3A_374 = vector.extract %reduce_sum3A_373[15] : f32 from vector<16xf32>
      %eq3A_375 = arith.constant 3 : i32
      %eq3A_376 = vector.broadcast %eq3A_375 : i32 to vector<16xi32>
      %eq3A_377 = arith.cmpi eq, %iota3A, %eq3A_376 : vector<16xi32>
      %broadcast_in_dim3A_378 = vector.broadcast %reduce_sum3A_374 : f32 to vector<16xf32>
      %select_n3A_379 = arith.select %eq3A_377, %broadcast_in_dim3A_378, %select_n3A_305 : vector<16xi1>, vector<16xf32>
      %dma_wait3A_380 = arith.constant 0 : i32
      %dma_wait3A_381 = arith.constant 0 : i32
      %dma_wait3A_382 = tpu.memref_slice %arg4[%dma_wait3A_380, %dma_wait3A_381] : memref<64x1000000xf32, #tpu.memory_space<hbm>> -> memref<64x128xf32, #tpu.memory_space<hbm>>
      %dma_wait3A_383 = arith.constant 0 : i32
      %dma_wait3A_384 = arith.constant 0 : i32
      %dma_wait3A_385 = tpu.memref_slice %arg4[%dma_wait3A_383, %dma_wait3A_384] : memref<64x1000000xf32, #tpu.memory_space<hbm>> -> memref<64x128xf32, #tpu.memory_space<hbm>>
      tpu.wait_dma2 semaphore(%arg18 : memref<!tpu.dma_semaphore, #tpu.memory_space<semaphore_mem>>) src(%dma_wait3A_385 : memref<64x128xf32, #tpu.memory_space<hbm>>) dst(%arg9 : memref<64x128xf32, #tpu.memory_space<vmem>>)
      %dma_wait3A_386 = arith.constant 0 : i32
      %dma_wait3A_387 = arith.constant 0 : i32
      %dma_wait3A_388 = tpu.memref_slice %arg5[%dma_wait3A_386, %dma_wait3A_387] : memref<64x1000000xf32, #tpu.memory_space<hbm>> -> memref<64x128xf32, #tpu.memory_space<hbm>>
      %dma_wait3A_389 = arith.constant 0 : i32
      %dma_wait3A_390 = arith.constant 0 : i32
      %dma_wait3A_391 = tpu.memref_slice %arg5[%dma_wait3A_389, %dma_wait3A_390] : memref<64x1000000xf32, #tpu.memory_space<hbm>> -> memref<64x128xf32, #tpu.memory_space<hbm>>
      tpu.wait_dma2 semaphore(%arg22 : memref<!tpu.dma_semaphore, #tpu.memory_space<semaphore_mem>>) src(%dma_wait3A_391 : memref<64x128xf32, #tpu.memory_space<hbm>>) dst(%arg13 : memref<64x128xf32, #tpu.memory_space<vmem>>)
      %slice3A_392 = vector.extract_strided_slice %get3A_76 {offsets = [7], sizes = [1], strides = [1]} : vector<16xi32> to vector<1xi32>
      %squeeze3A_393 = vector.extract %slice3A_392[0] : i32 from vector<1xi32>
      %slice3A_394 = vector.extract_strided_slice %get3A_80 {offsets = [7], sizes = [1], strides = [1]} : vector<16xi32> to vector<1xi32>
      %squeeze3A_395 = vector.extract %slice3A_394[0] : i32 from vector<1xi32>
      %mul3A_396 = arith.constant 16 : i32
      %mul3A_397 = arith.muli %scan3A_72, %mul3A_396 : i32
      %add3A_398 = arith.constant 7 : i32
      %add3A_399 = arith.addi %mul3A_397, %add3A_398 : i32
      %lt3A_400 = arith.constant 512 : i32
      %lt3A_401 = arith.cmpi slt, %add3A_399, %lt3A_400 : i32
      %convert_element_type3A_402 = arith.extui %lt3A_401 : i1 to i32
      %cond3A_403 = arith.constant 0 : i32
      %cond3A_404 = arith.cmpi ne, %convert_element_type3A_402, %cond3A_403 : i32
      scf.if %cond3A_404 {
        %shift_right_arithmetic3A_1271 = arith.constant 7 : i32
        %shift_right_arithmetic3A_1272 = arith.shrsi %squeeze3A_393, %shift_right_arithmetic3A_1271 : i32
        %mul3A_1273 = arith.constant 128 : i32
        %mul3A_1274 = arith.muli %shift_right_arithmetic3A_1272, %mul3A_1273 : i32
        %multiple_of3A_1275 = tpu.assume_multiple %mul3A_1274, 128 : i32
        %shift_right_arithmetic3A_1276 = arith.constant 7 : i32
        %shift_right_arithmetic3A_1277 = arith.shrsi %squeeze3A_395, %shift_right_arithmetic3A_1276 : i32
        %mul3A_1278 = arith.constant 128 : i32
        %mul3A_1279 = arith.muli %shift_right_arithmetic3A_1277, %mul3A_1278 : i32
        %multiple_of3A_1280 = tpu.assume_multiple %mul3A_1279, 128 : i32
        %dma_start3A_1281 = arith.constant 0 : i32
        %dma_start3A_1282 = tpu.memref_slice %arg4[%dma_start3A_1281, %multiple_of3A_1275] : memref<64x1000000xf32, #tpu.memory_space<hbm>> -> memref<64x128xf32, #tpu.memory_space<hbm>>
        %dma_start3A_1283 = arith.constant 0 : i32
        %dma_start3A_1284 = tpu.memref_slice %arg4[%dma_start3A_1283, %multiple_of3A_1275] : memref<64x1000000xf32, #tpu.memory_space<hbm>> -> memref<64x128xf32, #tpu.memory_space<hbm>>
        tpu.enqueue_dma source(%dma_start3A_1284 : memref<64x128xf32, #tpu.memory_space<hbm>>) target(%arg12 : memref<64x128xf32, #tpu.memory_space<vmem>>) target_semaphore(%arg21 : memref<!tpu.dma_semaphore, #tpu.memory_space<semaphore_mem>>)
        %dma_start3A_1285 = arith.constant 0 : i32
        %dma_start3A_1286 = tpu.memref_slice %arg5[%dma_start3A_1285, %multiple_of3A_1280] : memref<64x1000000xf32, #tpu.memory_space<hbm>> -> memref<64x128xf32, #tpu.memory_space<hbm>>
        %dma_start3A_1287 = arith.constant 0 : i32
        %dma_start3A_1288 = tpu.memref_slice %arg5[%dma_start3A_1287, %multiple_of3A_1280] : memref<64x1000000xf32, #tpu.memory_space<hbm>> -> memref<64x128xf32, #tpu.memory_space<hbm>>
        tpu.enqueue_dma source(%dma_start3A_1288 : memref<64x128xf32, #tpu.memory_space<hbm>>) target(%arg16 : memref<64x128xf32, #tpu.memory_space<vmem>>) target_semaphore(%arg25 : memref<!tpu.dma_semaphore, #tpu.memory_space<semaphore_mem>>)
      } else {
      }
      %slice3A_405 = vector.extract_strided_slice %get3A_76 {offsets = [4], sizes = [1], strides = [1]} : vector<16xi32> to vector<1xi32>
      %squeeze3A_406 = vector.extract %slice3A_405[0] : i32 from vector<1xi32>
      %and3A_407 = arith.constant 127 : i32
      %and3A_408 = arith.andi %squeeze3A_406, %and3A_407 : i32
      %broadcast_in_dim3A_409 = vector.broadcast %and3A_408 : i32 to vector<16xi32>
      %slice3A_410 = vector.extract_strided_slice %get3A_80 {offsets = [4], sizes = [1], strides = [1]} : vector<16xi32> to vector<1xi32>
      %squeeze3A_411 = vector.extract %slice3A_410[0] : i32 from vector<1xi32>
      %and3A_412 = arith.constant 127 : i32
      %and3A_413 = arith.andi %squeeze3A_411, %and3A_412 : i32
      %broadcast_in_dim3A_414 = vector.broadcast %and3A_413 : i32 to vector<16xi32>
      %broadcast_in_dim3A_415 = arith.constant 0.000000e+00 : f32
      %broadcast_in_dim3A_416 = vector.broadcast %broadcast_in_dim3A_415 : f32 to vector<16xf32>
      %add3A_417 = arith.constant 0 : i32
      %add3A_418 = vector.broadcast %add3A_417 : i32 to vector<16xi32>
      %add3A_419 = arith.addi %add3A_418, %iota3A : vector<16xi32>
      %gather3A_420 = tpu.vector_load_idx %arg9[%add3A_419, %broadcast_in_dim3A_409] : memref<64x128xf32, #tpu.memory_space<vmem>>[vector<16xi32>, vector<16xi32>], vector<16xf32>,
      %gather3A_421 = tpu.vector_load_idx %arg13[%add3A_419, %broadcast_in_dim3A_414] : memref<64x128xf32, #tpu.memory_space<vmem>>[vector<16xi32>, vector<16xi32>], vector<16xf32>,
      %mul3A_422 = arith.mulf %gather3A_420, %gather3A_421 : vector<16xf32>
      %add3A_423 = arith.addf %broadcast_in_dim3A_416, %mul3A_422 : vector<16xf32>
      %add3A_424 = arith.constant 16 : i32
      %add3A_425 = vector.broadcast %add3A_424 : i32 to vector<16xi32>
      %add3A_426 = arith.addi %add3A_425, %iota3A : vector<16xi32>
      %gather3A_427 = tpu.vector_load_idx %arg9[%add3A_426, %broadcast_in_dim3A_409] : memref<64x128xf32, #tpu.memory_space<vmem>>[vector<16xi32>, vector<16xi32>], vector<16xf32>,
      %gather3A_428 = tpu.vector_load_idx %arg13[%add3A_426, %broadcast_in_dim3A_414] : memref<64x128xf32, #tpu.memory_space<vmem>>[vector<16xi32>, vector<16xi32>], vector<16xf32>,
      %mul3A_429 = arith.mulf %gather3A_427, %gather3A_428 : vector<16xf32>
      %add3A_430 = arith.addf %add3A_423, %mul3A_429 : vector<16xf32>
      %add3A_431 = arith.constant 32 : i32
      %add3A_432 = vector.broadcast %add3A_431 : i32 to vector<16xi32>
      %add3A_433 = arith.addi %add3A_432, %iota3A : vector<16xi32>
      %gather3A_434 = tpu.vector_load_idx %arg9[%add3A_433, %broadcast_in_dim3A_409] : memref<64x128xf32, #tpu.memory_space<vmem>>[vector<16xi32>, vector<16xi32>], vector<16xf32>,
      %gather3A_435 = tpu.vector_load_idx %arg13[%add3A_433, %broadcast_in_dim3A_414] : memref<64x128xf32, #tpu.memory_space<vmem>>[vector<16xi32>, vector<16xi32>], vector<16xf32>,
      %mul3A_436 = arith.mulf %gather3A_434, %gather3A_435 : vector<16xf32>
      %add3A_437 = arith.addf %add3A_430, %mul3A_436 : vector<16xf32>
      %add3A_438 = arith.constant 48 : i32
      %add3A_439 = vector.broadcast %add3A_438 : i32 to vector<16xi32>
      %add3A_440 = arith.addi %add3A_439, %iota3A : vector<16xi32>
      %gather3A_441 = tpu.vector_load_idx %arg9[%add3A_440, %broadcast_in_dim3A_409] : memref<64x128xf32, #tpu.memory_space<vmem>>[vector<16xi32>, vector<16xi32>], vector<16xf32>,
      %gather3A_442 = tpu.vector_load_idx %arg13[%add3A_440, %broadcast_in_dim3A_414] : memref<64x128xf32, #tpu.memory_space<vmem>>[vector<16xi32>, vector<16xi32>], vector<16xf32>,
      %mul3A_443 = arith.mulf %gather3A_441, %gather3A_442 : vector<16xf32>
      %add3A_444 = arith.addf %add3A_437, %mul3A_443 : vector<16xf32>
      %reduce_sum3A_445 = arith.constant true
      %reduce_sum3A_446 = vector.broadcast %reduce_sum3A_445 : i1 to vector<16xi1>
      %reduce_sum3A_447 = tpu.scan <sum>, %add3A_444 masked %reduce_sum3A_446 : vector<16xf32>, vector<16xi1> -> vector<16xf32>
      %reduce_sum3A_448 = vector.extract %reduce_sum3A_447[15] : f32 from vector<16xf32>
      %eq3A_449 = arith.constant 4 : i32
      %eq3A_450 = vector.broadcast %eq3A_449 : i32 to vector<16xi32>
      %eq3A_451 = arith.cmpi eq, %iota3A, %eq3A_450 : vector<16xi32>
      %broadcast_in_dim3A_452 = vector.broadcast %reduce_sum3A_448 : f32 to vector<16xf32>
      %select_n3A_453 = arith.select %eq3A_451, %broadcast_in_dim3A_452, %select_n3A_379 : vector<16xi1>, vector<16xf32>
      %dma_wait3A_454 = arith.constant 0 : i32
      %dma_wait3A_455 = arith.constant 0 : i32
      %dma_wait3A_456 = tpu.memref_slice %arg4[%dma_wait3A_454, %dma_wait3A_455] : memref<64x1000000xf32, #tpu.memory_space<hbm>> -> memref<64x128xf32, #tpu.memory_space<hbm>>
      %dma_wait3A_457 = arith.constant 0 : i32
      %dma_wait3A_458 = arith.constant 0 : i32
      %dma_wait3A_459 = tpu.memref_slice %arg4[%dma_wait3A_457, %dma_wait3A_458] : memref<64x1000000xf32, #tpu.memory_space<hbm>> -> memref<64x128xf32, #tpu.memory_space<hbm>>
      tpu.wait_dma2 semaphore(%arg19 : memref<!tpu.dma_semaphore, #tpu.memory_space<semaphore_mem>>) src(%dma_wait3A_459 : memref<64x128xf32, #tpu.memory_space<hbm>>) dst(%arg10 : memref<64x128xf32, #tpu.memory_space<vmem>>)
      %dma_wait3A_460 = arith.constant 0 : i32
      %dma_wait3A_461 = arith.constant 0 : i32
      %dma_wait3A_462 = tpu.memref_slice %arg5[%dma_wait3A_460, %dma_wait3A_461] : memref<64x1000000xf32, #tpu.memory_space<hbm>> -> memref<64x128xf32, #tpu.memory_space<hbm>>
      %dma_wait3A_463 = arith.constant 0 : i32
      %dma_wait3A_464 = arith.constant 0 : i32
      %dma_wait3A_465 = tpu.memref_slice %arg5[%dma_wait3A_463, %dma_wait3A_464] : memref<64x1000000xf32, #tpu.memory_space<hbm>> -> memref<64x128xf32, #tpu.memory_space<hbm>>
      tpu.wait_dma2 semaphore(%arg23 : memref<!tpu.dma_semaphore, #tpu.memory_space<semaphore_mem>>) src(%dma_wait3A_465 : memref<64x128xf32, #tpu.memory_space<hbm>>) dst(%arg14 : memref<64x128xf32, #tpu.memory_space<vmem>>)
      %slice3A_466 = vector.extract_strided_slice %get3A_76 {offsets = [8], sizes = [1], strides = [1]} : vector<16xi32> to vector<1xi32>
      %squeeze3A_467 = vector.extract %slice3A_466[0] : i32 from vector<1xi32>
      %slice3A_468 = vector.extract_strided_slice %get3A_80 {offsets = [8], sizes = [1], strides = [1]} : vector<16xi32> to vector<1xi32>
      %squeeze3A_469 = vector.extract %slice3A_468[0] : i32 from vector<1xi32>
      %mul3A_470 = arith.constant 16 : i32
      %mul3A_471 = arith.muli %scan3A_72, %mul3A_470 : i32
      %add3A_472 = arith.constant 8 : i32
      %add3A_473 = arith.addi %mul3A_471, %add3A_472 : i32
      %lt3A_474 = arith.constant 512 : i32
      %lt3A_475 = arith.cmpi slt, %add3A_473, %lt3A_474 : i32
      %convert_element_type3A_476 = arith.extui %lt3A_475 : i1 to i32
      %cond3A_477 = arith.constant 0 : i32
      %cond3A_478 = arith.cmpi ne, %convert_element_type3A_476, %cond3A_477 : i32
      scf.if %cond3A_478 {
        %shift_right_arithmetic3A_1271 = arith.constant 7 : i32
        %shift_right_arithmetic3A_1272 = arith.shrsi %squeeze3A_467, %shift_right_arithmetic3A_1271 : i32
        %mul3A_1273 = arith.constant 128 : i32
        %mul3A_1274 = arith.muli %shift_right_arithmetic3A_1272, %mul3A_1273 : i32
        %multiple_of3A_1275 = tpu.assume_multiple %mul3A_1274, 128 : i32
        %shift_right_arithmetic3A_1276 = arith.constant 7 : i32
        %shift_right_arithmetic3A_1277 = arith.shrsi %squeeze3A_469, %shift_right_arithmetic3A_1276 : i32
        %mul3A_1278 = arith.constant 128 : i32
        %mul3A_1279 = arith.muli %shift_right_arithmetic3A_1277, %mul3A_1278 : i32
        %multiple_of3A_1280 = tpu.assume_multiple %mul3A_1279, 128 : i32
        %dma_start3A_1281 = arith.constant 0 : i32
        %dma_start3A_1282 = tpu.memref_slice %arg4[%dma_start3A_1281, %multiple_of3A_1275] : memref<64x1000000xf32, #tpu.memory_space<hbm>> -> memref<64x128xf32, #tpu.memory_space<hbm>>
        %dma_start3A_1283 = arith.constant 0 : i32
        %dma_start3A_1284 = tpu.memref_slice %arg4[%dma_start3A_1283, %multiple_of3A_1275] : memref<64x1000000xf32, #tpu.memory_space<hbm>> -> memref<64x128xf32, #tpu.memory_space<hbm>>
        tpu.enqueue_dma source(%dma_start3A_1284 : memref<64x128xf32, #tpu.memory_space<hbm>>) target(%arg9 : memref<64x128xf32, #tpu.memory_space<vmem>>) target_semaphore(%arg18 : memref<!tpu.dma_semaphore, #tpu.memory_space<semaphore_mem>>)
        %dma_start3A_1285 = arith.constant 0 : i32
        %dma_start3A_1286 = tpu.memref_slice %arg5[%dma_start3A_1285, %multiple_of3A_1280] : memref<64x1000000xf32, #tpu.memory_space<hbm>> -> memref<64x128xf32, #tpu.memory_space<hbm>>
        %dma_start3A_1287 = arith.constant 0 : i32
        %dma_start3A_1288 = tpu.memref_slice %arg5[%dma_start3A_1287, %multiple_of3A_1280] : memref<64x1000000xf32, #tpu.memory_space<hbm>> -> memref<64x128xf32, #tpu.memory_space<hbm>>
        tpu.enqueue_dma source(%dma_start3A_1288 : memref<64x128xf32, #tpu.memory_space<hbm>>) target(%arg13 : memref<64x128xf32, #tpu.memory_space<vmem>>) target_semaphore(%arg22 : memref<!tpu.dma_semaphore, #tpu.memory_space<semaphore_mem>>)
      } else {
      }
      %slice3A_479 = vector.extract_strided_slice %get3A_76 {offsets = [5], sizes = [1], strides = [1]} : vector<16xi32> to vector<1xi32>
      %squeeze3A_480 = vector.extract %slice3A_479[0] : i32 from vector<1xi32>
      %and3A_481 = arith.constant 127 : i32
      %and3A_482 = arith.andi %squeeze3A_480, %and3A_481 : i32
      %broadcast_in_dim3A_483 = vector.broadcast %and3A_482 : i32 to vector<16xi32>
      %slice3A_484 = vector.extract_strided_slice %get3A_80 {offsets = [5], sizes = [1], strides = [1]} : vector<16xi32> to vector<1xi32>
      %squeeze3A_485 = vector.extract %slice3A_484[0] : i32 from vector<1xi32>
      %and3A_486 = arith.constant 127 : i32
      %and3A_487 = arith.andi %squeeze3A_485, %and3A_486 : i32
      %broadcast_in_dim3A_488 = vector.broadcast %and3A_487 : i32 to vector<16xi32>
      %broadcast_in_dim3A_489 = arith.constant 0.000000e+00 : f32
      %broadcast_in_dim3A_490 = vector.broadcast %broadcast_in_dim3A_489 : f32 to vector<16xf32>
      %add3A_491 = arith.constant 0 : i32
      %add3A_492 = vector.broadcast %add3A_491 : i32 to vector<16xi32>
      %add3A_493 = arith.addi %add3A_492, %iota3A : vector<16xi32>
      %gather3A_494 = tpu.vector_load_idx %arg10[%add3A_493, %broadcast_in_dim3A_483] : memref<64x128xf32, #tpu.memory_space<vmem>>[vector<16xi32>, vector<16xi32>], vector<16xf32>,
      %gather3A_495 = tpu.vector_load_idx %arg14[%add3A_493, %broadcast_in_dim3A_488] : memref<64x128xf32, #tpu.memory_space<vmem>>[vector<16xi32>, vector<16xi32>], vector<16xf32>,
      %mul3A_496 = arith.mulf %gather3A_494, %gather3A_495 : vector<16xf32>
      %add3A_497 = arith.addf %broadcast_in_dim3A_490, %mul3A_496 : vector<16xf32>
      %add3A_498 = arith.constant 16 : i32
      %add3A_499 = vector.broadcast %add3A_498 : i32 to vector<16xi32>
      %add3A_500 = arith.addi %add3A_499, %iota3A : vector<16xi32>
      %gather3A_501 = tpu.vector_load_idx %arg10[%add3A_500, %broadcast_in_dim3A_483] : memref<64x128xf32, #tpu.memory_space<vmem>>[vector<16xi32>, vector<16xi32>], vector<16xf32>,
      %gather3A_502 = tpu.vector_load_idx %arg14[%add3A_500, %broadcast_in_dim3A_488] : memref<64x128xf32, #tpu.memory_space<vmem>>[vector<16xi32>, vector<16xi32>], vector<16xf32>,
      %mul3A_503 = arith.mulf %gather3A_501, %gather3A_502 : vector<16xf32>
      %add3A_504 = arith.addf %add3A_497, %mul3A_503 : vector<16xf32>
      %add3A_505 = arith.constant 32 : i32
      %add3A_506 = vector.broadcast %add3A_505 : i32 to vector<16xi32>
      %add3A_507 = arith.addi %add3A_506, %iota3A : vector<16xi32>
      %gather3A_508 = tpu.vector_load_idx %arg10[%add3A_507, %broadcast_in_dim3A_483] : memref<64x128xf32, #tpu.memory_space<vmem>>[vector<16xi32>, vector<16xi32>], vector<16xf32>,
      %gather3A_509 = tpu.vector_load_idx %arg14[%add3A_507, %broadcast_in_dim3A_488] : memref<64x128xf32, #tpu.memory_space<vmem>>[vector<16xi32>, vector<16xi32>], vector<16xf32>,
      %mul3A_510 = arith.mulf %gather3A_508, %gather3A_509 : vector<16xf32>
      %add3A_511 = arith.addf %add3A_504, %mul3A_510 : vector<16xf32>
      %add3A_512 = arith.constant 48 : i32
      %add3A_513 = vector.broadcast %add3A_512 : i32 to vector<16xi32>
      %add3A_514 = arith.addi %add3A_513, %iota3A : vector<16xi32>
      %gather3A_515 = tpu.vector_load_idx %arg10[%add3A_514, %broadcast_in_dim3A_483] : memref<64x128xf32, #tpu.memory_space<vmem>>[vector<16xi32>, vector<16xi32>], vector<16xf32>,
      %gather3A_516 = tpu.vector_load_idx %arg14[%add3A_514, %broadcast_in_dim3A_488] : memref<64x128xf32, #tpu.memory_space<vmem>>[vector<16xi32>, vector<16xi32>], vector<16xf32>,
      %mul3A_517 = arith.mulf %gather3A_515, %gather3A_516 : vector<16xf32>
      %add3A_518 = arith.addf %add3A_511, %mul3A_517 : vector<16xf32>
      %reduce_sum3A_519 = arith.constant true
      %reduce_sum3A_520 = vector.broadcast %reduce_sum3A_519 : i1 to vector<16xi1>
      %reduce_sum3A_521 = tpu.scan <sum>, %add3A_518 masked %reduce_sum3A_520 : vector<16xf32>, vector<16xi1> -> vector<16xf32>
      %reduce_sum3A_522 = vector.extract %reduce_sum3A_521[15] : f32 from vector<16xf32>
      %eq3A_523 = arith.constant 5 : i32
      %eq3A_524 = vector.broadcast %eq3A_523 : i32 to vector<16xi32>
      %eq3A_525 = arith.cmpi eq, %iota3A, %eq3A_524 : vector<16xi32>
      %broadcast_in_dim3A_526 = vector.broadcast %reduce_sum3A_522 : f32 to vector<16xf32>
      %select_n3A_527 = arith.select %eq3A_525, %broadcast_in_dim3A_526, %select_n3A_453 : vector<16xi1>, vector<16xf32>
      %dma_wait3A_528 = arith.constant 0 : i32
      %dma_wait3A_529 = arith.constant 0 : i32
      %dma_wait3A_530 = tpu.memref_slice %arg4[%dma_wait3A_528, %dma_wait3A_529] : memref<64x1000000xf32, #tpu.memory_space<hbm>> -> memref<64x128xf32, #tpu.memory_space<hbm>>
      %dma_wait3A_531 = arith.constant 0 : i32
      %dma_wait3A_532 = arith.constant 0 : i32
      %dma_wait3A_533 = tpu.memref_slice %arg4[%dma_wait3A_531, %dma_wait3A_532] : memref<64x1000000xf32, #tpu.memory_space<hbm>> -> memref<64x128xf32, #tpu.memory_space<hbm>>
      tpu.wait_dma2 semaphore(%arg20 : memref<!tpu.dma_semaphore, #tpu.memory_space<semaphore_mem>>) src(%dma_wait3A_533 : memref<64x128xf32, #tpu.memory_space<hbm>>) dst(%arg11 : memref<64x128xf32, #tpu.memory_space<vmem>>)
      %dma_wait3A_534 = arith.constant 0 : i32
      %dma_wait3A_535 = arith.constant 0 : i32
      %dma_wait3A_536 = tpu.memref_slice %arg5[%dma_wait3A_534, %dma_wait3A_535] : memref<64x1000000xf32, #tpu.memory_space<hbm>> -> memref<64x128xf32, #tpu.memory_space<hbm>>
      %dma_wait3A_537 = arith.constant 0 : i32
      %dma_wait3A_538 = arith.constant 0 : i32
      %dma_wait3A_539 = tpu.memref_slice %arg5[%dma_wait3A_537, %dma_wait3A_538] : memref<64x1000000xf32, #tpu.memory_space<hbm>> -> memref<64x128xf32, #tpu.memory_space<hbm>>
      tpu.wait_dma2 semaphore(%arg24 : memref<!tpu.dma_semaphore, #tpu.memory_space<semaphore_mem>>) src(%dma_wait3A_539 : memref<64x128xf32, #tpu.memory_space<hbm>>) dst(%arg15 : memref<64x128xf32, #tpu.memory_space<vmem>>)
      %slice3A_540 = vector.extract_strided_slice %get3A_76 {offsets = [9], sizes = [1], strides = [1]} : vector<16xi32> to vector<1xi32>
      %squeeze3A_541 = vector.extract %slice3A_540[0] : i32 from vector<1xi32>
      %slice3A_542 = vector.extract_strided_slice %get3A_80 {offsets = [9], sizes = [1], strides = [1]} : vector<16xi32> to vector<1xi32>
      %squeeze3A_543 = vector.extract %slice3A_542[0] : i32 from vector<1xi32>
      %mul3A_544 = arith.constant 16 : i32
      %mul3A_545 = arith.muli %scan3A_72, %mul3A_544 : i32
      %add3A_546 = arith.constant 9 : i32
      %add3A_547 = arith.addi %mul3A_545, %add3A_546 : i32
      %lt3A_548 = arith.constant 512 : i32
      %lt3A_549 = arith.cmpi slt, %add3A_547, %lt3A_548 : i32
      %convert_element_type3A_550 = arith.extui %lt3A_549 : i1 to i32
      %cond3A_551 = arith.constant 0 : i32
      %cond3A_552 = arith.cmpi ne, %convert_element_type3A_550, %cond3A_551 : i32
      scf.if %cond3A_552 {
        %shift_right_arithmetic3A_1271 = arith.constant 7 : i32
        %shift_right_arithmetic3A_1272 = arith.shrsi %squeeze3A_541, %shift_right_arithmetic3A_1271 : i32
        %mul3A_1273 = arith.constant 128 : i32
        %mul3A_1274 = arith.muli %shift_right_arithmetic3A_1272, %mul3A_1273 : i32
        %multiple_of3A_1275 = tpu.assume_multiple %mul3A_1274, 128 : i32
        %shift_right_arithmetic3A_1276 = arith.constant 7 : i32
        %shift_right_arithmetic3A_1277 = arith.shrsi %squeeze3A_543, %shift_right_arithmetic3A_1276 : i32
        %mul3A_1278 = arith.constant 128 : i32
        %mul3A_1279 = arith.muli %shift_right_arithmetic3A_1277, %mul3A_1278 : i32
        %multiple_of3A_1280 = tpu.assume_multiple %mul3A_1279, 128 : i32
        %dma_start3A_1281 = arith.constant 0 : i32
        %dma_start3A_1282 = tpu.memref_slice %arg4[%dma_start3A_1281, %multiple_of3A_1275] : memref<64x1000000xf32, #tpu.memory_space<hbm>> -> memref<64x128xf32, #tpu.memory_space<hbm>>
        %dma_start3A_1283 = arith.constant 0 : i32
        %dma_start3A_1284 = tpu.memref_slice %arg4[%dma_start3A_1283, %multiple_of3A_1275] : memref<64x1000000xf32, #tpu.memory_space<hbm>> -> memref<64x128xf32, #tpu.memory_space<hbm>>
        tpu.enqueue_dma source(%dma_start3A_1284 : memref<64x128xf32, #tpu.memory_space<hbm>>) target(%arg10 : memref<64x128xf32, #tpu.memory_space<vmem>>) target_semaphore(%arg19 : memref<!tpu.dma_semaphore, #tpu.memory_space<semaphore_mem>>)
        %dma_start3A_1285 = arith.constant 0 : i32
        %dma_start3A_1286 = tpu.memref_slice %arg5[%dma_start3A_1285, %multiple_of3A_1280] : memref<64x1000000xf32, #tpu.memory_space<hbm>> -> memref<64x128xf32, #tpu.memory_space<hbm>>
        %dma_start3A_1287 = arith.constant 0 : i32
        %dma_start3A_1288 = tpu.memref_slice %arg5[%dma_start3A_1287, %multiple_of3A_1280] : memref<64x1000000xf32, #tpu.memory_space<hbm>> -> memref<64x128xf32, #tpu.memory_space<hbm>>
        tpu.enqueue_dma source(%dma_start3A_1288 : memref<64x128xf32, #tpu.memory_space<hbm>>) target(%arg14 : memref<64x128xf32, #tpu.memory_space<vmem>>) target_semaphore(%arg23 : memref<!tpu.dma_semaphore, #tpu.memory_space<semaphore_mem>>)
      } else {
      }
      %slice3A_553 = vector.extract_strided_slice %get3A_76 {offsets = [6], sizes = [1], strides = [1]} : vector<16xi32> to vector<1xi32>
      %squeeze3A_554 = vector.extract %slice3A_553[0] : i32 from vector<1xi32>
      %and3A_555 = arith.constant 127 : i32
      %and3A_556 = arith.andi %squeeze3A_554, %and3A_555 : i32
      %broadcast_in_dim3A_557 = vector.broadcast %and3A_556 : i32 to vector<16xi32>
      %slice3A_558 = vector.extract_strided_slice %get3A_80 {offsets = [6], sizes = [1], strides = [1]} : vector<16xi32> to vector<1xi32>
      %squeeze3A_559 = vector.extract %slice3A_558[0] : i32 from vector<1xi32>
      %and3A_560 = arith.constant 127 : i32
      %and3A_561 = arith.andi %squeeze3A_559, %and3A_560 : i32
      %broadcast_in_dim3A_562 = vector.broadcast %and3A_561 : i32 to vector<16xi32>
      %broadcast_in_dim3A_563 = arith.constant 0.000000e+00 : f32
      %broadcast_in_dim3A_564 = vector.broadcast %broadcast_in_dim3A_563 : f32 to vector<16xf32>
      %add3A_565 = arith.constant 0 : i32
      %add3A_566 = vector.broadcast %add3A_565 : i32 to vector<16xi32>
      %add3A_567 = arith.addi %add3A_566, %iota3A : vector<16xi32>
      %gather3A_568 = tpu.vector_load_idx %arg11[%add3A_567, %broadcast_in_dim3A_557] : memref<64x128xf32, #tpu.memory_space<vmem>>[vector<16xi32>, vector<16xi32>], vector<16xf32>,
      %gather3A_569 = tpu.vector_load_idx %arg15[%add3A_567, %broadcast_in_dim3A_562] : memref<64x128xf32, #tpu.memory_space<vmem>>[vector<16xi32>, vector<16xi32>], vector<16xf32>,
      %mul3A_570 = arith.mulf %gather3A_568, %gather3A_569 : vector<16xf32>
      %add3A_571 = arith.addf %broadcast_in_dim3A_564, %mul3A_570 : vector<16xf32>
      %add3A_572 = arith.constant 16 : i32
      %add3A_573 = vector.broadcast %add3A_572 : i32 to vector<16xi32>
      %add3A_574 = arith.addi %add3A_573, %iota3A : vector<16xi32>
      %gather3A_575 = tpu.vector_load_idx %arg11[%add3A_574, %broadcast_in_dim3A_557] : memref<64x128xf32, #tpu.memory_space<vmem>>[vector<16xi32>, vector<16xi32>], vector<16xf32>,
      %gather3A_576 = tpu.vector_load_idx %arg15[%add3A_574, %broadcast_in_dim3A_562] : memref<64x128xf32, #tpu.memory_space<vmem>>[vector<16xi32>, vector<16xi32>], vector<16xf32>,
      %mul3A_577 = arith.mulf %gather3A_575, %gather3A_576 : vector<16xf32>
      %add3A_578 = arith.addf %add3A_571, %mul3A_577 : vector<16xf32>
      %add3A_579 = arith.constant 32 : i32
      %add3A_580 = vector.broadcast %add3A_579 : i32 to vector<16xi32>
      %add3A_581 = arith.addi %add3A_580, %iota3A : vector<16xi32>
      %gather3A_582 = tpu.vector_load_idx %arg11[%add3A_581, %broadcast_in_dim3A_557] : memref<64x128xf32, #tpu.memory_space<vmem>>[vector<16xi32>, vector<16xi32>], vector<16xf32>,
      %gather3A_583 = tpu.vector_load_idx %arg15[%add3A_581, %broadcast_in_dim3A_562] : memref<64x128xf32, #tpu.memory_space<vmem>>[vector<16xi32>, vector<16xi32>], vector<16xf32>,
      %mul3A_584 = arith.mulf %gather3A_582, %gather3A_583 : vector<16xf32>
      %add3A_585 = arith.addf %add3A_578, %mul3A_584 : vector<16xf32>
      %add3A_586 = arith.constant 48 : i32
      %add3A_587 = vector.broadcast %add3A_586 : i32 to vector<16xi32>
      %add3A_588 = arith.addi %add3A_587, %iota3A : vector<16xi32>
      %gather3A_589 = tpu.vector_load_idx %arg11[%add3A_588, %broadcast_in_dim3A_557] : memref<64x128xf32, #tpu.memory_space<vmem>>[vector<16xi32>, vector<16xi32>], vector<16xf32>,
      %gather3A_590 = tpu.vector_load_idx %arg15[%add3A_588, %broadcast_in_dim3A_562] : memref<64x128xf32, #tpu.memory_space<vmem>>[vector<16xi32>, vector<16xi32>], vector<16xf32>,
      %mul3A_591 = arith.mulf %gather3A_589, %gather3A_590 : vector<16xf32>
      %add3A_592 = arith.addf %add3A_585, %mul3A_591 : vector<16xf32>
      %reduce_sum3A_593 = arith.constant true
      %reduce_sum3A_594 = vector.broadcast %reduce_sum3A_593 : i1 to vector<16xi1>
      %reduce_sum3A_595 = tpu.scan <sum>, %add3A_592 masked %reduce_sum3A_594 : vector<16xf32>, vector<16xi1> -> vector<16xf32>
      %reduce_sum3A_596 = vector.extract %reduce_sum3A_595[15] : f32 from vector<16xf32>
      %eq3A_597 = arith.constant 6 : i32
      %eq3A_598 = vector.broadcast %eq3A_597 : i32 to vector<16xi32>
      %eq3A_599 = arith.cmpi eq, %iota3A, %eq3A_598 : vector<16xi32>
      %broadcast_in_dim3A_600 = vector.broadcast %reduce_sum3A_596 : f32 to vector<16xf32>
      %select_n3A_601 = arith.select %eq3A_599, %broadcast_in_dim3A_600, %select_n3A_527 : vector<16xi1>, vector<16xf32>
      %dma_wait3A_602 = arith.constant 0 : i32
      %dma_wait3A_603 = arith.constant 0 : i32
      %dma_wait3A_604 = tpu.memref_slice %arg4[%dma_wait3A_602, %dma_wait3A_603] : memref<64x1000000xf32, #tpu.memory_space<hbm>> -> memref<64x128xf32, #tpu.memory_space<hbm>>
      %dma_wait3A_605 = arith.constant 0 : i32
      %dma_wait3A_606 = arith.constant 0 : i32
      %dma_wait3A_607 = tpu.memref_slice %arg4[%dma_wait3A_605, %dma_wait3A_606] : memref<64x1000000xf32, #tpu.memory_space<hbm>> -> memref<64x128xf32, #tpu.memory_space<hbm>>
      tpu.wait_dma2 semaphore(%arg21 : memref<!tpu.dma_semaphore, #tpu.memory_space<semaphore_mem>>) src(%dma_wait3A_607 : memref<64x128xf32, #tpu.memory_space<hbm>>) dst(%arg12 : memref<64x128xf32, #tpu.memory_space<vmem>>)
      %dma_wait3A_608 = arith.constant 0 : i32
      %dma_wait3A_609 = arith.constant 0 : i32
      %dma_wait3A_610 = tpu.memref_slice %arg5[%dma_wait3A_608, %dma_wait3A_609] : memref<64x1000000xf32, #tpu.memory_space<hbm>> -> memref<64x128xf32, #tpu.memory_space<hbm>>
      %dma_wait3A_611 = arith.constant 0 : i32
      %dma_wait3A_612 = arith.constant 0 : i32
      %dma_wait3A_613 = tpu.memref_slice %arg5[%dma_wait3A_611, %dma_wait3A_612] : memref<64x1000000xf32, #tpu.memory_space<hbm>> -> memref<64x128xf32, #tpu.memory_space<hbm>>
      tpu.wait_dma2 semaphore(%arg25 : memref<!tpu.dma_semaphore, #tpu.memory_space<semaphore_mem>>) src(%dma_wait3A_613 : memref<64x128xf32, #tpu.memory_space<hbm>>) dst(%arg16 : memref<64x128xf32, #tpu.memory_space<vmem>>)
      %slice3A_614 = vector.extract_strided_slice %get3A_76 {offsets = [10], sizes = [1], strides = [1]} : vector<16xi32> to vector<1xi32>
      %squeeze3A_615 = vector.extract %slice3A_614[0] : i32 from vector<1xi32>
      %slice3A_616 = vector.extract_strided_slice %get3A_80 {offsets = [10], sizes = [1], strides = [1]} : vector<16xi32> to vector<1xi32>
      %squeeze3A_617 = vector.extract %slice3A_616[0] : i32 from vector<1xi32>
      %mul3A_618 = arith.constant 16 : i32
      %mul3A_619 = arith.muli %scan3A_72, %mul3A_618 : i32
      %add3A_620 = arith.constant 10 : i32
      %add3A_621 = arith.addi %mul3A_619, %add3A_620 : i32
      %lt3A_622 = arith.constant 512 : i32
      %lt3A_623 = arith.cmpi slt, %add3A_621, %lt3A_622 : i32
      %convert_element_type3A_624 = arith.extui %lt3A_623 : i1 to i32
      %cond3A_625 = arith.constant 0 : i32
      %cond3A_626 = arith.cmpi ne, %convert_element_type3A_624, %cond3A_625 : i32
      scf.if %cond3A_626 {
        %shift_right_arithmetic3A_1271 = arith.constant 7 : i32
        %shift_right_arithmetic3A_1272 = arith.shrsi %squeeze3A_615, %shift_right_arithmetic3A_1271 : i32
        %mul3A_1273 = arith.constant 128 : i32
        %mul3A_1274 = arith.muli %shift_right_arithmetic3A_1272, %mul3A_1273 : i32
        %multiple_of3A_1275 = tpu.assume_multiple %mul3A_1274, 128 : i32
        %shift_right_arithmetic3A_1276 = arith.constant 7 : i32
        %shift_right_arithmetic3A_1277 = arith.shrsi %squeeze3A_617, %shift_right_arithmetic3A_1276 : i32
        %mul3A_1278 = arith.constant 128 : i32
        %mul3A_1279 = arith.muli %shift_right_arithmetic3A_1277, %mul3A_1278 : i32
        %multiple_of3A_1280 = tpu.assume_multiple %mul3A_1279, 128 : i32
        %dma_start3A_1281 = arith.constant 0 : i32
        %dma_start3A_1282 = tpu.memref_slice %arg4[%dma_start3A_1281, %multiple_of3A_1275] : memref<64x1000000xf32, #tpu.memory_space<hbm>> -> memref<64x128xf32, #tpu.memory_space<hbm>>
        %dma_start3A_1283 = arith.constant 0 : i32
        %dma_start3A_1284 = tpu.memref_slice %arg4[%dma_start3A_1283, %multiple_of3A_1275] : memref<64x1000000xf32, #tpu.memory_space<hbm>> -> memref<64x128xf32, #tpu.memory_space<hbm>>
        tpu.enqueue_dma source(%dma_start3A_1284 : memref<64x128xf32, #tpu.memory_space<hbm>>) target(%arg11 : memref<64x128xf32, #tpu.memory_space<vmem>>) target_semaphore(%arg20 : memref<!tpu.dma_semaphore, #tpu.memory_space<semaphore_mem>>)
        %dma_start3A_1285 = arith.constant 0 : i32
        %dma_start3A_1286 = tpu.memref_slice %arg5[%dma_start3A_1285, %multiple_of3A_1280] : memref<64x1000000xf32, #tpu.memory_space<hbm>> -> memref<64x128xf32, #tpu.memory_space<hbm>>
        %dma_start3A_1287 = arith.constant 0 : i32
        %dma_start3A_1288 = tpu.memref_slice %arg5[%dma_start3A_1287, %multiple_of3A_1280] : memref<64x1000000xf32, #tpu.memory_space<hbm>> -> memref<64x128xf32, #tpu.memory_space<hbm>>
        tpu.enqueue_dma source(%dma_start3A_1288 : memref<64x128xf32, #tpu.memory_space<hbm>>) target(%arg15 : memref<64x128xf32, #tpu.memory_space<vmem>>) target_semaphore(%arg24 : memref<!tpu.dma_semaphore, #tpu.memory_space<semaphore_mem>>)
      } else {
      }
      %slice3A_627 = vector.extract_strided_slice %get3A_76 {offsets = [7], sizes = [1], strides = [1]} : vector<16xi32> to vector<1xi32>
      %squeeze3A_628 = vector.extract %slice3A_627[0] : i32 from vector<1xi32>
      %and3A_629 = arith.constant 127 : i32
      %and3A_630 = arith.andi %squeeze3A_628, %and3A_629 : i32
      %broadcast_in_dim3A_631 = vector.broadcast %and3A_630 : i32 to vector<16xi32>
      %slice3A_632 = vector.extract_strided_slice %get3A_80 {offsets = [7], sizes = [1], strides = [1]} : vector<16xi32> to vector<1xi32>
      %squeeze3A_633 = vector.extract %slice3A_632[0] : i32 from vector<1xi32>
      %and3A_634 = arith.constant 127 : i32
      %and3A_635 = arith.andi %squeeze3A_633, %and3A_634 : i32
      %broadcast_in_dim3A_636 = vector.broadcast %and3A_635 : i32 to vector<16xi32>
      %broadcast_in_dim3A_637 = arith.constant 0.000000e+00 : f32
      %broadcast_in_dim3A_638 = vector.broadcast %broadcast_in_dim3A_637 : f32 to vector<16xf32>
      %add3A_639 = arith.constant 0 : i32
      %add3A_640 = vector.broadcast %add3A_639 : i32 to vector<16xi32>
      %add3A_641 = arith.addi %add3A_640, %iota3A : vector<16xi32>
      %gather3A_642 = tpu.vector_load_idx %arg12[%add3A_641, %broadcast_in_dim3A_631] : memref<64x128xf32, #tpu.memory_space<vmem>>[vector<16xi32>, vector<16xi32>], vector<16xf32>,
      %gather3A_643 = tpu.vector_load_idx %arg16[%add3A_641, %broadcast_in_dim3A_636] : memref<64x128xf32, #tpu.memory_space<vmem>>[vector<16xi32>, vector<16xi32>], vector<16xf32>,
      %mul3A_644 = arith.mulf %gather3A_642, %gather3A_643 : vector<16xf32>
      %add3A_645 = arith.addf %broadcast_in_dim3A_638, %mul3A_644 : vector<16xf32>
      %add3A_646 = arith.constant 16 : i32
      %add3A_647 = vector.broadcast %add3A_646 : i32 to vector<16xi32>
      %add3A_648 = arith.addi %add3A_647, %iota3A : vector<16xi32>
      %gather3A_649 = tpu.vector_load_idx %arg12[%add3A_648, %broadcast_in_dim3A_631] : memref<64x128xf32, #tpu.memory_space<vmem>>[vector<16xi32>, vector<16xi32>], vector<16xf32>,
      %gather3A_650 = tpu.vector_load_idx %arg16[%add3A_648, %broadcast_in_dim3A_636] : memref<64x128xf32, #tpu.memory_space<vmem>>[vector<16xi32>, vector<16xi32>], vector<16xf32>,
      %mul3A_651 = arith.mulf %gather3A_649, %gather3A_650 : vector<16xf32>
      %add3A_652 = arith.addf %add3A_645, %mul3A_651 : vector<16xf32>
      %add3A_653 = arith.constant 32 : i32
      %add3A_654 = vector.broadcast %add3A_653 : i32 to vector<16xi32>
      %add3A_655 = arith.addi %add3A_654, %iota3A : vector<16xi32>
      %gather3A_656 = tpu.vector_load_idx %arg12[%add3A_655, %broadcast_in_dim3A_631] : memref<64x128xf32, #tpu.memory_space<vmem>>[vector<16xi32>, vector<16xi32>], vector<16xf32>,
      %gather3A_657 = tpu.vector_load_idx %arg16[%add3A_655, %broadcast_in_dim3A_636] : memref<64x128xf32, #tpu.memory_space<vmem>>[vector<16xi32>, vector<16xi32>], vector<16xf32>,
      %mul3A_658 = arith.mulf %gather3A_656, %gather3A_657 : vector<16xf32>
      %add3A_659 = arith.addf %add3A_652, %mul3A_658 : vector<16xf32>
      %add3A_660 = arith.constant 48 : i32
      %add3A_661 = vector.broadcast %add3A_660 : i32 to vector<16xi32>
      %add3A_662 = arith.addi %add3A_661, %iota3A : vector<16xi32>
      %gather3A_663 = tpu.vector_load_idx %arg12[%add3A_662, %broadcast_in_dim3A_631] : memref<64x128xf32, #tpu.memory_space<vmem>>[vector<16xi32>, vector<16xi32>], vector<16xf32>,
      %gather3A_664 = tpu.vector_load_idx %arg16[%add3A_662, %broadcast_in_dim3A_636] : memref<64x128xf32, #tpu.memory_space<vmem>>[vector<16xi32>, vector<16xi32>], vector<16xf32>,
      %mul3A_665 = arith.mulf %gather3A_663, %gather3A_664 : vector<16xf32>
      %add3A_666 = arith.addf %add3A_659, %mul3A_665 : vector<16xf32>
      %reduce_sum3A_667 = arith.constant true
      %reduce_sum3A_668 = vector.broadcast %reduce_sum3A_667 : i1 to vector<16xi1>
      %reduce_sum3A_669 = tpu.scan <sum>, %add3A_666 masked %reduce_sum3A_668 : vector<16xf32>, vector<16xi1> -> vector<16xf32>
      %reduce_sum3A_670 = vector.extract %reduce_sum3A_669[15] : f32 from vector<16xf32>
      %eq3A_671 = arith.constant 7 : i32
      %eq3A_672 = vector.broadcast %eq3A_671 : i32 to vector<16xi32>
      %eq3A_673 = arith.cmpi eq, %iota3A, %eq3A_672 : vector<16xi32>
      %broadcast_in_dim3A_674 = vector.broadcast %reduce_sum3A_670 : f32 to vector<16xf32>
      %select_n3A_675 = arith.select %eq3A_673, %broadcast_in_dim3A_674, %select_n3A_601 : vector<16xi1>, vector<16xf32>
      %dma_wait3A_676 = arith.constant 0 : i32
      %dma_wait3A_677 = arith.constant 0 : i32
      %dma_wait3A_678 = tpu.memref_slice %arg4[%dma_wait3A_676, %dma_wait3A_677] : memref<64x1000000xf32, #tpu.memory_space<hbm>> -> memref<64x128xf32, #tpu.memory_space<hbm>>
      %dma_wait3A_679 = arith.constant 0 : i32
      %dma_wait3A_680 = arith.constant 0 : i32
      %dma_wait3A_681 = tpu.memref_slice %arg4[%dma_wait3A_679, %dma_wait3A_680] : memref<64x1000000xf32, #tpu.memory_space<hbm>> -> memref<64x128xf32, #tpu.memory_space<hbm>>
      tpu.wait_dma2 semaphore(%arg18 : memref<!tpu.dma_semaphore, #tpu.memory_space<semaphore_mem>>) src(%dma_wait3A_681 : memref<64x128xf32, #tpu.memory_space<hbm>>) dst(%arg9 : memref<64x128xf32, #tpu.memory_space<vmem>>)
      %dma_wait3A_682 = arith.constant 0 : i32
      %dma_wait3A_683 = arith.constant 0 : i32
      %dma_wait3A_684 = tpu.memref_slice %arg5[%dma_wait3A_682, %dma_wait3A_683] : memref<64x1000000xf32, #tpu.memory_space<hbm>> -> memref<64x128xf32, #tpu.memory_space<hbm>>
      %dma_wait3A_685 = arith.constant 0 : i32
      %dma_wait3A_686 = arith.constant 0 : i32
      %dma_wait3A_687 = tpu.memref_slice %arg5[%dma_wait3A_685, %dma_wait3A_686] : memref<64x1000000xf32, #tpu.memory_space<hbm>> -> memref<64x128xf32, #tpu.memory_space<hbm>>
      tpu.wait_dma2 semaphore(%arg22 : memref<!tpu.dma_semaphore, #tpu.memory_space<semaphore_mem>>) src(%dma_wait3A_687 : memref<64x128xf32, #tpu.memory_space<hbm>>) dst(%arg13 : memref<64x128xf32, #tpu.memory_space<vmem>>)
      %slice3A_688 = vector.extract_strided_slice %get3A_76 {offsets = [11], sizes = [1], strides = [1]} : vector<16xi32> to vector<1xi32>
      %squeeze3A_689 = vector.extract %slice3A_688[0] : i32 from vector<1xi32>
      %slice3A_690 = vector.extract_strided_slice %get3A_80 {offsets = [11], sizes = [1], strides = [1]} : vector<16xi32> to vector<1xi32>
      %squeeze3A_691 = vector.extract %slice3A_690[0] : i32 from vector<1xi32>
      %mul3A_692 = arith.constant 16 : i32
      %mul3A_693 = arith.muli %scan3A_72, %mul3A_692 : i32
      %add3A_694 = arith.constant 11 : i32
      %add3A_695 = arith.addi %mul3A_693, %add3A_694 : i32
      %lt3A_696 = arith.constant 512 : i32
      %lt3A_697 = arith.cmpi slt, %add3A_695, %lt3A_696 : i32
      %convert_element_type3A_698 = arith.extui %lt3A_697 : i1 to i32
      %cond3A_699 = arith.constant 0 : i32
      %cond3A_700 = arith.cmpi ne, %convert_element_type3A_698, %cond3A_699 : i32
      scf.if %cond3A_700 {
        %shift_right_arithmetic3A_1271 = arith.constant 7 : i32
        %shift_right_arithmetic3A_1272 = arith.shrsi %squeeze3A_689, %shift_right_arithmetic3A_1271 : i32
        %mul3A_1273 = arith.constant 128 : i32
        %mul3A_1274 = arith.muli %shift_right_arithmetic3A_1272, %mul3A_1273 : i32
        %multiple_of3A_1275 = tpu.assume_multiple %mul3A_1274, 128 : i32
        %shift_right_arithmetic3A_1276 = arith.constant 7 : i32
        %shift_right_arithmetic3A_1277 = arith.shrsi %squeeze3A_691, %shift_right_arithmetic3A_1276 : i32
        %mul3A_1278 = arith.constant 128 : i32
        %mul3A_1279 = arith.muli %shift_right_arithmetic3A_1277, %mul3A_1278 : i32
        %multiple_of3A_1280 = tpu.assume_multiple %mul3A_1279, 128 : i32
        %dma_start3A_1281 = arith.constant 0 : i32
        %dma_start3A_1282 = tpu.memref_slice %arg4[%dma_start3A_1281, %multiple_of3A_1275] : memref<64x1000000xf32, #tpu.memory_space<hbm>> -> memref<64x128xf32, #tpu.memory_space<hbm>>
        %dma_start3A_1283 = arith.constant 0 : i32
        %dma_start3A_1284 = tpu.memref_slice %arg4[%dma_start3A_1283, %multiple_of3A_1275] : memref<64x1000000xf32, #tpu.memory_space<hbm>> -> memref<64x128xf32, #tpu.memory_space<hbm>>
        tpu.enqueue_dma source(%dma_start3A_1284 : memref<64x128xf32, #tpu.memory_space<hbm>>) target(%arg12 : memref<64x128xf32, #tpu.memory_space<vmem>>) target_semaphore(%arg21 : memref<!tpu.dma_semaphore, #tpu.memory_space<semaphore_mem>>)
        %dma_start3A_1285 = arith.constant 0 : i32
        %dma_start3A_1286 = tpu.memref_slice %arg5[%dma_start3A_1285, %multiple_of3A_1280] : memref<64x1000000xf32, #tpu.memory_space<hbm>> -> memref<64x128xf32, #tpu.memory_space<hbm>>
        %dma_start3A_1287 = arith.constant 0 : i32
        %dma_start3A_1288 = tpu.memref_slice %arg5[%dma_start3A_1287, %multiple_of3A_1280] : memref<64x1000000xf32, #tpu.memory_space<hbm>> -> memref<64x128xf32, #tpu.memory_space<hbm>>
        tpu.enqueue_dma source(%dma_start3A_1288 : memref<64x128xf32, #tpu.memory_space<hbm>>) target(%arg16 : memref<64x128xf32, #tpu.memory_space<vmem>>) target_semaphore(%arg25 : memref<!tpu.dma_semaphore, #tpu.memory_space<semaphore_mem>>)
      } else {
      }
      %slice3A_701 = vector.extract_strided_slice %get3A_76 {offsets = [8], sizes = [1], strides = [1]} : vector<16xi32> to vector<1xi32>
      %squeeze3A_702 = vector.extract %slice3A_701[0] : i32 from vector<1xi32>
      %and3A_703 = arith.constant 127 : i32
      %and3A_704 = arith.andi %squeeze3A_702, %and3A_703 : i32
      %broadcast_in_dim3A_705 = vector.broadcast %and3A_704 : i32 to vector<16xi32>
      %slice3A_706 = vector.extract_strided_slice %get3A_80 {offsets = [8], sizes = [1], strides = [1]} : vector<16xi32> to vector<1xi32>
      %squeeze3A_707 = vector.extract %slice3A_706[0] : i32 from vector<1xi32>
      %and3A_708 = arith.constant 127 : i32
      %and3A_709 = arith.andi %squeeze3A_707, %and3A_708 : i32
      %broadcast_in_dim3A_710 = vector.broadcast %and3A_709 : i32 to vector<16xi32>
      %broadcast_in_dim3A_711 = arith.constant 0.000000e+00 : f32
      %broadcast_in_dim3A_712 = vector.broadcast %broadcast_in_dim3A_711 : f32 to vector<16xf32>
      %add3A_713 = arith.constant 0 : i32
      %add3A_714 = vector.broadcast %add3A_713 : i32 to vector<16xi32>
      %add3A_715 = arith.addi %add3A_714, %iota3A : vector<16xi32>
      %gather3A_716 = tpu.vector_load_idx %arg9[%add3A_715, %broadcast_in_dim3A_705] : memref<64x128xf32, #tpu.memory_space<vmem>>[vector<16xi32>, vector<16xi32>], vector<16xf32>,
      %gather3A_717 = tpu.vector_load_idx %arg13[%add3A_715, %broadcast_in_dim3A_710] : memref<64x128xf32, #tpu.memory_space<vmem>>[vector<16xi32>, vector<16xi32>], vector<16xf32>,
      %mul3A_718 = arith.mulf %gather3A_716, %gather3A_717 : vector<16xf32>
      %add3A_719 = arith.addf %broadcast_in_dim3A_712, %mul3A_718 : vector<16xf32>
      %add3A_720 = arith.constant 16 : i32
      %add3A_721 = vector.broadcast %add3A_720 : i32 to vector<16xi32>
      %add3A_722 = arith.addi %add3A_721, %iota3A : vector<16xi32>
      %gather3A_723 = tpu.vector_load_idx %arg9[%add3A_722, %broadcast_in_dim3A_705] : memref<64x128xf32, #tpu.memory_space<vmem>>[vector<16xi32>, vector<16xi32>], vector<16xf32>,
      %gather3A_724 = tpu.vector_load_idx %arg13[%add3A_722, %broadcast_in_dim3A_710] : memref<64x128xf32, #tpu.memory_space<vmem>>[vector<16xi32>, vector<16xi32>], vector<16xf32>,
      %mul3A_725 = arith.mulf %gather3A_723, %gather3A_724 : vector<16xf32>
      %add3A_726 = arith.addf %add3A_719, %mul3A_725 : vector<16xf32>
      %add3A_727 = arith.constant 32 : i32
      %add3A_728 = vector.broadcast %add3A_727 : i32 to vector<16xi32>
      %add3A_729 = arith.addi %add3A_728, %iota3A : vector<16xi32>
      %gather3A_730 = tpu.vector_load_idx %arg9[%add3A_729, %broadcast_in_dim3A_705] : memref<64x128xf32, #tpu.memory_space<vmem>>[vector<16xi32>, vector<16xi32>], vector<16xf32>,
      %gather3A_731 = tpu.vector_load_idx %arg13[%add3A_729, %broadcast_in_dim3A_710] : memref<64x128xf32, #tpu.memory_space<vmem>>[vector<16xi32>, vector<16xi32>], vector<16xf32>,
      %mul3A_732 = arith.mulf %gather3A_730, %gather3A_731 : vector<16xf32>
      %add3A_733 = arith.addf %add3A_726, %mul3A_732 : vector<16xf32>
      %add3A_734 = arith.constant 48 : i32
      %add3A_735 = vector.broadcast %add3A_734 : i32 to vector<16xi32>
      %add3A_736 = arith.addi %add3A_735, %iota3A : vector<16xi32>
      %gather3A_737 = tpu.vector_load_idx %arg9[%add3A_736, %broadcast_in_dim3A_705] : memref<64x128xf32, #tpu.memory_space<vmem>>[vector<16xi32>, vector<16xi32>], vector<16xf32>,
      %gather3A_738 = tpu.vector_load_idx %arg13[%add3A_736, %broadcast_in_dim3A_710] : memref<64x128xf32, #tpu.memory_space<vmem>>[vector<16xi32>, vector<16xi32>], vector<16xf32>,
      %mul3A_739 = arith.mulf %gather3A_737, %gather3A_738 : vector<16xf32>
      %add3A_740 = arith.addf %add3A_733, %mul3A_739 : vector<16xf32>
      %reduce_sum3A_741 = arith.constant true
      %reduce_sum3A_742 = vector.broadcast %reduce_sum3A_741 : i1 to vector<16xi1>
      %reduce_sum3A_743 = tpu.scan <sum>, %add3A_740 masked %reduce_sum3A_742 : vector<16xf32>, vector<16xi1> -> vector<16xf32>
      %reduce_sum3A_744 = vector.extract %reduce_sum3A_743[15] : f32 from vector<16xf32>
      %eq3A_745 = arith.constant 8 : i32
      %eq3A_746 = vector.broadcast %eq3A_745 : i32 to vector<16xi32>
      %eq3A_747 = arith.cmpi eq, %iota3A, %eq3A_746 : vector<16xi32>
      %broadcast_in_dim3A_748 = vector.broadcast %reduce_sum3A_744 : f32 to vector<16xf32>
      %select_n3A_749 = arith.select %eq3A_747, %broadcast_in_dim3A_748, %select_n3A_675 : vector<16xi1>, vector<16xf32>
      %dma_wait3A_750 = arith.constant 0 : i32
      %dma_wait3A_751 = arith.constant 0 : i32
      %dma_wait3A_752 = tpu.memref_slice %arg4[%dma_wait3A_750, %dma_wait3A_751] : memref<64x1000000xf32, #tpu.memory_space<hbm>> -> memref<64x128xf32, #tpu.memory_space<hbm>>
      %dma_wait3A_753 = arith.constant 0 : i32
      %dma_wait3A_754 = arith.constant 0 : i32
      %dma_wait3A_755 = tpu.memref_slice %arg4[%dma_wait3A_753, %dma_wait3A_754] : memref<64x1000000xf32, #tpu.memory_space<hbm>> -> memref<64x128xf32, #tpu.memory_space<hbm>>
      tpu.wait_dma2 semaphore(%arg19 : memref<!tpu.dma_semaphore, #tpu.memory_space<semaphore_mem>>) src(%dma_wait3A_755 : memref<64x128xf32, #tpu.memory_space<hbm>>) dst(%arg10 : memref<64x128xf32, #tpu.memory_space<vmem>>)
      %dma_wait3A_756 = arith.constant 0 : i32
      %dma_wait3A_757 = arith.constant 0 : i32
      %dma_wait3A_758 = tpu.memref_slice %arg5[%dma_wait3A_756, %dma_wait3A_757] : memref<64x1000000xf32, #tpu.memory_space<hbm>> -> memref<64x128xf32, #tpu.memory_space<hbm>>
      %dma_wait3A_759 = arith.constant 0 : i32
      %dma_wait3A_760 = arith.constant 0 : i32
      %dma_wait3A_761 = tpu.memref_slice %arg5[%dma_wait3A_759, %dma_wait3A_760] : memref<64x1000000xf32, #tpu.memory_space<hbm>> -> memref<64x128xf32, #tpu.memory_space<hbm>>
      tpu.wait_dma2 semaphore(%arg23 : memref<!tpu.dma_semaphore, #tpu.memory_space<semaphore_mem>>) src(%dma_wait3A_761 : memref<64x128xf32, #tpu.memory_space<hbm>>) dst(%arg14 : memref<64x128xf32, #tpu.memory_space<vmem>>)
      %slice3A_762 = vector.extract_strided_slice %get3A_76 {offsets = [12], sizes = [1], strides = [1]} : vector<16xi32> to vector<1xi32>
      %squeeze3A_763 = vector.extract %slice3A_762[0] : i32 from vector<1xi32>
      %slice3A_764 = vector.extract_strided_slice %get3A_80 {offsets = [12], sizes = [1], strides = [1]} : vector<16xi32> to vector<1xi32>
      %squeeze3A_765 = vector.extract %slice3A_764[0] : i32 from vector<1xi32>
      %mul3A_766 = arith.constant 16 : i32
      %mul3A_767 = arith.muli %scan3A_72, %mul3A_766 : i32
      %add3A_768 = arith.constant 12 : i32
      %add3A_769 = arith.addi %mul3A_767, %add3A_768 : i32
      %lt3A_770 = arith.constant 512 : i32
      %lt3A_771 = arith.cmpi slt, %add3A_769, %lt3A_770 : i32
      %convert_element_type3A_772 = arith.extui %lt3A_771 : i1 to i32
      %cond3A_773 = arith.constant 0 : i32
      %cond3A_774 = arith.cmpi ne, %convert_element_type3A_772, %cond3A_773 : i32
      scf.if %cond3A_774 {
        %shift_right_arithmetic3A_1271 = arith.constant 7 : i32
        %shift_right_arithmetic3A_1272 = arith.shrsi %squeeze3A_763, %shift_right_arithmetic3A_1271 : i32
        %mul3A_1273 = arith.constant 128 : i32
        %mul3A_1274 = arith.muli %shift_right_arithmetic3A_1272, %mul3A_1273 : i32
        %multiple_of3A_1275 = tpu.assume_multiple %mul3A_1274, 128 : i32
        %shift_right_arithmetic3A_1276 = arith.constant 7 : i32
        %shift_right_arithmetic3A_1277 = arith.shrsi %squeeze3A_765, %shift_right_arithmetic3A_1276 : i32
        %mul3A_1278 = arith.constant 128 : i32
        %mul3A_1279 = arith.muli %shift_right_arithmetic3A_1277, %mul3A_1278 : i32
        %multiple_of3A_1280 = tpu.assume_multiple %mul3A_1279, 128 : i32
        %dma_start3A_1281 = arith.constant 0 : i32
        %dma_start3A_1282 = tpu.memref_slice %arg4[%dma_start3A_1281, %multiple_of3A_1275] : memref<64x1000000xf32, #tpu.memory_space<hbm>> -> memref<64x128xf32, #tpu.memory_space<hbm>>
        %dma_start3A_1283 = arith.constant 0 : i32
        %dma_start3A_1284 = tpu.memref_slice %arg4[%dma_start3A_1283, %multiple_of3A_1275] : memref<64x1000000xf32, #tpu.memory_space<hbm>> -> memref<64x128xf32, #tpu.memory_space<hbm>>
        tpu.enqueue_dma source(%dma_start3A_1284 : memref<64x128xf32, #tpu.memory_space<hbm>>) target(%arg9 : memref<64x128xf32, #tpu.memory_space<vmem>>) target_semaphore(%arg18 : memref<!tpu.dma_semaphore, #tpu.memory_space<semaphore_mem>>)
        %dma_start3A_1285 = arith.constant 0 : i32
        %dma_start3A_1286 = tpu.memref_slice %arg5[%dma_start3A_1285, %multiple_of3A_1280] : memref<64x1000000xf32, #tpu.memory_space<hbm>> -> memref<64x128xf32, #tpu.memory_space<hbm>>
        %dma_start3A_1287 = arith.constant 0 : i32
        %dma_start3A_1288 = tpu.memref_slice %arg5[%dma_start3A_1287, %multiple_of3A_1280] : memref<64x1000000xf32, #tpu.memory_space<hbm>> -> memref<64x128xf32, #tpu.memory_space<hbm>>
        tpu.enqueue_dma source(%dma_start3A_1288 : memref<64x128xf32, #tpu.memory_space<hbm>>) target(%arg13 : memref<64x128xf32, #tpu.memory_space<vmem>>) target_semaphore(%arg22 : memref<!tpu.dma_semaphore, #tpu.memory_space<semaphore_mem>>)
      } else {
      }
      %slice3A_775 = vector.extract_strided_slice %get3A_76 {offsets = [9], sizes = [1], strides = [1]} : vector<16xi32> to vector<1xi32>
      %squeeze3A_776 = vector.extract %slice3A_775[0] : i32 from vector<1xi32>
      %and3A_777 = arith.constant 127 : i32
      %and3A_778 = arith.andi %squeeze3A_776, %and3A_777 : i32
      %broadcast_in_dim3A_779 = vector.broadcast %and3A_778 : i32 to vector<16xi32>
      %slice3A_780 = vector.extract_strided_slice %get3A_80 {offsets = [9], sizes = [1], strides = [1]} : vector<16xi32> to vector<1xi32>
      %squeeze3A_781 = vector.extract %slice3A_780[0] : i32 from vector<1xi32>
      %and3A_782 = arith.constant 127 : i32
      %and3A_783 = arith.andi %squeeze3A_781, %and3A_782 : i32
      %broadcast_in_dim3A_784 = vector.broadcast %and3A_783 : i32 to vector<16xi32>
      %broadcast_in_dim3A_785 = arith.constant 0.000000e+00 : f32
      %broadcast_in_dim3A_786 = vector.broadcast %broadcast_in_dim3A_785 : f32 to vector<16xf32>
      %add3A_787 = arith.constant 0 : i32
      %add3A_788 = vector.broadcast %add3A_787 : i32 to vector<16xi32>
      %add3A_789 = arith.addi %add3A_788, %iota3A : vector<16xi32>
      %gather3A_790 = tpu.vector_load_idx %arg10[%add3A_789, %broadcast_in_dim3A_779] : memref<64x128xf32, #tpu.memory_space<vmem>>[vector<16xi32>, vector<16xi32>], vector<16xf32>,
      %gather3A_791 = tpu.vector_load_idx %arg14[%add3A_789, %broadcast_in_dim3A_784] : memref<64x128xf32, #tpu.memory_space<vmem>>[vector<16xi32>, vector<16xi32>], vector<16xf32>,
      %mul3A_792 = arith.mulf %gather3A_790, %gather3A_791 : vector<16xf32>
      %add3A_793 = arith.addf %broadcast_in_dim3A_786, %mul3A_792 : vector<16xf32>
      %add3A_794 = arith.constant 16 : i32
      %add3A_795 = vector.broadcast %add3A_794 : i32 to vector<16xi32>
      %add3A_796 = arith.addi %add3A_795, %iota3A : vector<16xi32>
      %gather3A_797 = tpu.vector_load_idx %arg10[%add3A_796, %broadcast_in_dim3A_779] : memref<64x128xf32, #tpu.memory_space<vmem>>[vector<16xi32>, vector<16xi32>], vector<16xf32>,
      %gather3A_798 = tpu.vector_load_idx %arg14[%add3A_796, %broadcast_in_dim3A_784] : memref<64x128xf32, #tpu.memory_space<vmem>>[vector<16xi32>, vector<16xi32>], vector<16xf32>,
      %mul3A_799 = arith.mulf %gather3A_797, %gather3A_798 : vector<16xf32>
      %add3A_800 = arith.addf %add3A_793, %mul3A_799 : vector<16xf32>
      %add3A_801 = arith.constant 32 : i32
      %add3A_802 = vector.broadcast %add3A_801 : i32 to vector<16xi32>
      %add3A_803 = arith.addi %add3A_802, %iota3A : vector<16xi32>
      %gather3A_804 = tpu.vector_load_idx %arg10[%add3A_803, %broadcast_in_dim3A_779] : memref<64x128xf32, #tpu.memory_space<vmem>>[vector<16xi32>, vector<16xi32>], vector<16xf32>,
      %gather3A_805 = tpu.vector_load_idx %arg14[%add3A_803, %broadcast_in_dim3A_784] : memref<64x128xf32, #tpu.memory_space<vmem>>[vector<16xi32>, vector<16xi32>], vector<16xf32>,
      %mul3A_806 = arith.mulf %gather3A_804, %gather3A_805 : vector<16xf32>
      %add3A_807 = arith.addf %add3A_800, %mul3A_806 : vector<16xf32>
      %add3A_808 = arith.constant 48 : i32
      %add3A_809 = vector.broadcast %add3A_808 : i32 to vector<16xi32>
      %add3A_810 = arith.addi %add3A_809, %iota3A : vector<16xi32>
      %gather3A_811 = tpu.vector_load_idx %arg10[%add3A_810, %broadcast_in_dim3A_779] : memref<64x128xf32, #tpu.memory_space<vmem>>[vector<16xi32>, vector<16xi32>], vector<16xf32>,
      %gather3A_812 = tpu.vector_load_idx %arg14[%add3A_810, %broadcast_in_dim3A_784] : memref<64x128xf32, #tpu.memory_space<vmem>>[vector<16xi32>, vector<16xi32>], vector<16xf32>,
      %mul3A_813 = arith.mulf %gather3A_811, %gather3A_812 : vector<16xf32>
      %add3A_814 = arith.addf %add3A_807, %mul3A_813 : vector<16xf32>
      %reduce_sum3A_815 = arith.constant true
      %reduce_sum3A_816 = vector.broadcast %reduce_sum3A_815 : i1 to vector<16xi1>
      %reduce_sum3A_817 = tpu.scan <sum>, %add3A_814 masked %reduce_sum3A_816 : vector<16xf32>, vector<16xi1> -> vector<16xf32>
      %reduce_sum3A_818 = vector.extract %reduce_sum3A_817[15] : f32 from vector<16xf32>
      %eq3A_819 = arith.constant 9 : i32
      %eq3A_820 = vector.broadcast %eq3A_819 : i32 to vector<16xi32>
      %eq3A_821 = arith.cmpi eq, %iota3A, %eq3A_820 : vector<16xi32>
      %broadcast_in_dim3A_822 = vector.broadcast %reduce_sum3A_818 : f32 to vector<16xf32>
      %select_n3A_823 = arith.select %eq3A_821, %broadcast_in_dim3A_822, %select_n3A_749 : vector<16xi1>, vector<16xf32>
      %dma_wait3A_824 = arith.constant 0 : i32
      %dma_wait3A_825 = arith.constant 0 : i32
      %dma_wait3A_826 = tpu.memref_slice %arg4[%dma_wait3A_824, %dma_wait3A_825] : memref<64x1000000xf32, #tpu.memory_space<hbm>> -> memref<64x128xf32, #tpu.memory_space<hbm>>
      %dma_wait3A_827 = arith.constant 0 : i32
      %dma_wait3A_828 = arith.constant 0 : i32
      %dma_wait3A_829 = tpu.memref_slice %arg4[%dma_wait3A_827, %dma_wait3A_828] : memref<64x1000000xf32, #tpu.memory_space<hbm>> -> memref<64x128xf32, #tpu.memory_space<hbm>>
      tpu.wait_dma2 semaphore(%arg20 : memref<!tpu.dma_semaphore, #tpu.memory_space<semaphore_mem>>) src(%dma_wait3A_829 : memref<64x128xf32, #tpu.memory_space<hbm>>) dst(%arg11 : memref<64x128xf32, #tpu.memory_space<vmem>>)
      %dma_wait3A_830 = arith.constant 0 : i32
      %dma_wait3A_831 = arith.constant 0 : i32
      %dma_wait3A_832 = tpu.memref_slice %arg5[%dma_wait3A_830, %dma_wait3A_831] : memref<64x1000000xf32, #tpu.memory_space<hbm>> -> memref<64x128xf32, #tpu.memory_space<hbm>>
      %dma_wait3A_833 = arith.constant 0 : i32
      %dma_wait3A_834 = arith.constant 0 : i32
      %dma_wait3A_835 = tpu.memref_slice %arg5[%dma_wait3A_833, %dma_wait3A_834] : memref<64x1000000xf32, #tpu.memory_space<hbm>> -> memref<64x128xf32, #tpu.memory_space<hbm>>
      tpu.wait_dma2 semaphore(%arg24 : memref<!tpu.dma_semaphore, #tpu.memory_space<semaphore_mem>>) src(%dma_wait3A_835 : memref<64x128xf32, #tpu.memory_space<hbm>>) dst(%arg15 : memref<64x128xf32, #tpu.memory_space<vmem>>)
      %slice3A_836 = vector.extract_strided_slice %get3A_76 {offsets = [13], sizes = [1], strides = [1]} : vector<16xi32> to vector<1xi32>
      %squeeze3A_837 = vector.extract %slice3A_836[0] : i32 from vector<1xi32>
      %slice3A_838 = vector.extract_strided_slice %get3A_80 {offsets = [13], sizes = [1], strides = [1]} : vector<16xi32> to vector<1xi32>
      %squeeze3A_839 = vector.extract %slice3A_838[0] : i32 from vector<1xi32>
      %mul3A_840 = arith.constant 16 : i32
      %mul3A_841 = arith.muli %scan3A_72, %mul3A_840 : i32
      %add3A_842 = arith.constant 13 : i32
      %add3A_843 = arith.addi %mul3A_841, %add3A_842 : i32
      %lt3A_844 = arith.constant 512 : i32
      %lt3A_845 = arith.cmpi slt, %add3A_843, %lt3A_844 : i32
      %convert_element_type3A_846 = arith.extui %lt3A_845 : i1 to i32
      %cond3A_847 = arith.constant 0 : i32
      %cond3A_848 = arith.cmpi ne, %convert_element_type3A_846, %cond3A_847 : i32
      scf.if %cond3A_848 {
        %shift_right_arithmetic3A_1271 = arith.constant 7 : i32
        %shift_right_arithmetic3A_1272 = arith.shrsi %squeeze3A_837, %shift_right_arithmetic3A_1271 : i32
        %mul3A_1273 = arith.constant 128 : i32
        %mul3A_1274 = arith.muli %shift_right_arithmetic3A_1272, %mul3A_1273 : i32
        %multiple_of3A_1275 = tpu.assume_multiple %mul3A_1274, 128 : i32
        %shift_right_arithmetic3A_1276 = arith.constant 7 : i32
        %shift_right_arithmetic3A_1277 = arith.shrsi %squeeze3A_839, %shift_right_arithmetic3A_1276 : i32
        %mul3A_1278 = arith.constant 128 : i32
        %mul3A_1279 = arith.muli %shift_right_arithmetic3A_1277, %mul3A_1278 : i32
        %multiple_of3A_1280 = tpu.assume_multiple %mul3A_1279, 128 : i32
        %dma_start3A_1281 = arith.constant 0 : i32
        %dma_start3A_1282 = tpu.memref_slice %arg4[%dma_start3A_1281, %multiple_of3A_1275] : memref<64x1000000xf32, #tpu.memory_space<hbm>> -> memref<64x128xf32, #tpu.memory_space<hbm>>
        %dma_start3A_1283 = arith.constant 0 : i32
        %dma_start3A_1284 = tpu.memref_slice %arg4[%dma_start3A_1283, %multiple_of3A_1275] : memref<64x1000000xf32, #tpu.memory_space<hbm>> -> memref<64x128xf32, #tpu.memory_space<hbm>>
        tpu.enqueue_dma source(%dma_start3A_1284 : memref<64x128xf32, #tpu.memory_space<hbm>>) target(%arg10 : memref<64x128xf32, #tpu.memory_space<vmem>>) target_semaphore(%arg19 : memref<!tpu.dma_semaphore, #tpu.memory_space<semaphore_mem>>)
        %dma_start3A_1285 = arith.constant 0 : i32
        %dma_start3A_1286 = tpu.memref_slice %arg5[%dma_start3A_1285, %multiple_of3A_1280] : memref<64x1000000xf32, #tpu.memory_space<hbm>> -> memref<64x128xf32, #tpu.memory_space<hbm>>
        %dma_start3A_1287 = arith.constant 0 : i32
        %dma_start3A_1288 = tpu.memref_slice %arg5[%dma_start3A_1287, %multiple_of3A_1280] : memref<64x1000000xf32, #tpu.memory_space<hbm>> -> memref<64x128xf32, #tpu.memory_space<hbm>>
        tpu.enqueue_dma source(%dma_start3A_1288 : memref<64x128xf32, #tpu.memory_space<hbm>>) target(%arg14 : memref<64x128xf32, #tpu.memory_space<vmem>>) target_semaphore(%arg23 : memref<!tpu.dma_semaphore, #tpu.memory_space<semaphore_mem>>)
      } else {
      }
      %slice3A_849 = vector.extract_strided_slice %get3A_76 {offsets = [10], sizes = [1], strides = [1]} : vector<16xi32> to vector<1xi32>
      %squeeze3A_850 = vector.extract %slice3A_849[0] : i32 from vector<1xi32>
      %and3A_851 = arith.constant 127 : i32
      %and3A_852 = arith.andi %squeeze3A_850, %and3A_851 : i32
      %broadcast_in_dim3A_853 = vector.broadcast %and3A_852 : i32 to vector<16xi32>
      %slice3A_854 = vector.extract_strided_slice %get3A_80 {offsets = [10], sizes = [1], strides = [1]} : vector<16xi32> to vector<1xi32>
      %squeeze3A_855 = vector.extract %slice3A_854[0] : i32 from vector<1xi32>
      %and3A_856 = arith.constant 127 : i32
      %and3A_857 = arith.andi %squeeze3A_855, %and3A_856 : i32
      %broadcast_in_dim3A_858 = vector.broadcast %and3A_857 : i32 to vector<16xi32>
      %broadcast_in_dim3A_859 = arith.constant 0.000000e+00 : f32
      %broadcast_in_dim3A_860 = vector.broadcast %broadcast_in_dim3A_859 : f32 to vector<16xf32>
      %add3A_861 = arith.constant 0 : i32
      %add3A_862 = vector.broadcast %add3A_861 : i32 to vector<16xi32>
      %add3A_863 = arith.addi %add3A_862, %iota3A : vector<16xi32>
      %gather3A_864 = tpu.vector_load_idx %arg11[%add3A_863, %broadcast_in_dim3A_853] : memref<64x128xf32, #tpu.memory_space<vmem>>[vector<16xi32>, vector<16xi32>], vector<16xf32>,
      %gather3A_865 = tpu.vector_load_idx %arg15[%add3A_863, %broadcast_in_dim3A_858] : memref<64x128xf32, #tpu.memory_space<vmem>>[vector<16xi32>, vector<16xi32>], vector<16xf32>,
      %mul3A_866 = arith.mulf %gather3A_864, %gather3A_865 : vector<16xf32>
      %add3A_867 = arith.addf %broadcast_in_dim3A_860, %mul3A_866 : vector<16xf32>
      %add3A_868 = arith.constant 16 : i32
      %add3A_869 = vector.broadcast %add3A_868 : i32 to vector<16xi32>
      %add3A_870 = arith.addi %add3A_869, %iota3A : vector<16xi32>
      %gather3A_871 = tpu.vector_load_idx %arg11[%add3A_870, %broadcast_in_dim3A_853] : memref<64x128xf32, #tpu.memory_space<vmem>>[vector<16xi32>, vector<16xi32>], vector<16xf32>,
      %gather3A_872 = tpu.vector_load_idx %arg15[%add3A_870, %broadcast_in_dim3A_858] : memref<64x128xf32, #tpu.memory_space<vmem>>[vector<16xi32>, vector<16xi32>], vector<16xf32>,
      %mul3A_873 = arith.mulf %gather3A_871, %gather3A_872 : vector<16xf32>
      %add3A_874 = arith.addf %add3A_867, %mul3A_873 : vector<16xf32>
      %add3A_875 = arith.constant 32 : i32
      %add3A_876 = vector.broadcast %add3A_875 : i32 to vector<16xi32>
      %add3A_877 = arith.addi %add3A_876, %iota3A : vector<16xi32>
      %gather3A_878 = tpu.vector_load_idx %arg11[%add3A_877, %broadcast_in_dim3A_853] : memref<64x128xf32, #tpu.memory_space<vmem>>[vector<16xi32>, vector<16xi32>], vector<16xf32>,
      %gather3A_879 = tpu.vector_load_idx %arg15[%add3A_877, %broadcast_in_dim3A_858] : memref<64x128xf32, #tpu.memory_space<vmem>>[vector<16xi32>, vector<16xi32>], vector<16xf32>,
      %mul3A_880 = arith.mulf %gather3A_878, %gather3A_879 : vector<16xf32>
      %add3A_881 = arith.addf %add3A_874, %mul3A_880 : vector<16xf32>
      %add3A_882 = arith.constant 48 : i32
      %add3A_883 = vector.broadcast %add3A_882 : i32 to vector<16xi32>
      %add3A_884 = arith.addi %add3A_883, %iota3A : vector<16xi32>
      %gather3A_885 = tpu.vector_load_idx %arg11[%add3A_884, %broadcast_in_dim3A_853] : memref<64x128xf32, #tpu.memory_space<vmem>>[vector<16xi32>, vector<16xi32>], vector<16xf32>,
      %gather3A_886 = tpu.vector_load_idx %arg15[%add3A_884, %broadcast_in_dim3A_858] : memref<64x128xf32, #tpu.memory_space<vmem>>[vector<16xi32>, vector<16xi32>], vector<16xf32>,
      %mul3A_887 = arith.mulf %gather3A_885, %gather3A_886 : vector<16xf32>
      %add3A_888 = arith.addf %add3A_881, %mul3A_887 : vector<16xf32>
      %reduce_sum3A_889 = arith.constant true
      %reduce_sum3A_890 = vector.broadcast %reduce_sum3A_889 : i1 to vector<16xi1>
      %reduce_sum3A_891 = tpu.scan <sum>, %add3A_888 masked %reduce_sum3A_890 : vector<16xf32>, vector<16xi1> -> vector<16xf32>
      %reduce_sum3A_892 = vector.extract %reduce_sum3A_891[15] : f32 from vector<16xf32>
      %eq3A_893 = arith.constant 10 : i32
      %eq3A_894 = vector.broadcast %eq3A_893 : i32 to vector<16xi32>
      %eq3A_895 = arith.cmpi eq, %iota3A, %eq3A_894 : vector<16xi32>
      %broadcast_in_dim3A_896 = vector.broadcast %reduce_sum3A_892 : f32 to vector<16xf32>
      %select_n3A_897 = arith.select %eq3A_895, %broadcast_in_dim3A_896, %select_n3A_823 : vector<16xi1>, vector<16xf32>
      %dma_wait3A_898 = arith.constant 0 : i32
      %dma_wait3A_899 = arith.constant 0 : i32
      %dma_wait3A_900 = tpu.memref_slice %arg4[%dma_wait3A_898, %dma_wait3A_899] : memref<64x1000000xf32, #tpu.memory_space<hbm>> -> memref<64x128xf32, #tpu.memory_space<hbm>>
      %dma_wait3A_901 = arith.constant 0 : i32
      %dma_wait3A_902 = arith.constant 0 : i32
      %dma_wait3A_903 = tpu.memref_slice %arg4[%dma_wait3A_901, %dma_wait3A_902] : memref<64x1000000xf32, #tpu.memory_space<hbm>> -> memref<64x128xf32, #tpu.memory_space<hbm>>
      tpu.wait_dma2 semaphore(%arg21 : memref<!tpu.dma_semaphore, #tpu.memory_space<semaphore_mem>>) src(%dma_wait3A_903 : memref<64x128xf32, #tpu.memory_space<hbm>>) dst(%arg12 : memref<64x128xf32, #tpu.memory_space<vmem>>)
      %dma_wait3A_904 = arith.constant 0 : i32
      %dma_wait3A_905 = arith.constant 0 : i32
      %dma_wait3A_906 = tpu.memref_slice %arg5[%dma_wait3A_904, %dma_wait3A_905] : memref<64x1000000xf32, #tpu.memory_space<hbm>> -> memref<64x128xf32, #tpu.memory_space<hbm>>
      %dma_wait3A_907 = arith.constant 0 : i32
      %dma_wait3A_908 = arith.constant 0 : i32
      %dma_wait3A_909 = tpu.memref_slice %arg5[%dma_wait3A_907, %dma_wait3A_908] : memref<64x1000000xf32, #tpu.memory_space<hbm>> -> memref<64x128xf32, #tpu.memory_space<hbm>>
      tpu.wait_dma2 semaphore(%arg25 : memref<!tpu.dma_semaphore, #tpu.memory_space<semaphore_mem>>) src(%dma_wait3A_909 : memref<64x128xf32, #tpu.memory_space<hbm>>) dst(%arg16 : memref<64x128xf32, #tpu.memory_space<vmem>>)
      %slice3A_910 = vector.extract_strided_slice %get3A_76 {offsets = [14], sizes = [1], strides = [1]} : vector<16xi32> to vector<1xi32>
      %squeeze3A_911 = vector.extract %slice3A_910[0] : i32 from vector<1xi32>
      %slice3A_912 = vector.extract_strided_slice %get3A_80 {offsets = [14], sizes = [1], strides = [1]} : vector<16xi32> to vector<1xi32>
      %squeeze3A_913 = vector.extract %slice3A_912[0] : i32 from vector<1xi32>
      %mul3A_914 = arith.constant 16 : i32
      %mul3A_915 = arith.muli %scan3A_72, %mul3A_914 : i32
      %add3A_916 = arith.constant 14 : i32
      %add3A_917 = arith.addi %mul3A_915, %add3A_916 : i32
      %lt3A_918 = arith.constant 512 : i32
      %lt3A_919 = arith.cmpi slt, %add3A_917, %lt3A_918 : i32
      %convert_element_type3A_920 = arith.extui %lt3A_919 : i1 to i32
      %cond3A_921 = arith.constant 0 : i32
      %cond3A_922 = arith.cmpi ne, %convert_element_type3A_920, %cond3A_921 : i32
      scf.if %cond3A_922 {
        %shift_right_arithmetic3A_1271 = arith.constant 7 : i32
        %shift_right_arithmetic3A_1272 = arith.shrsi %squeeze3A_911, %shift_right_arithmetic3A_1271 : i32
        %mul3A_1273 = arith.constant 128 : i32
        %mul3A_1274 = arith.muli %shift_right_arithmetic3A_1272, %mul3A_1273 : i32
        %multiple_of3A_1275 = tpu.assume_multiple %mul3A_1274, 128 : i32
        %shift_right_arithmetic3A_1276 = arith.constant 7 : i32
        %shift_right_arithmetic3A_1277 = arith.shrsi %squeeze3A_913, %shift_right_arithmetic3A_1276 : i32
        %mul3A_1278 = arith.constant 128 : i32
        %mul3A_1279 = arith.muli %shift_right_arithmetic3A_1277, %mul3A_1278 : i32
        %multiple_of3A_1280 = tpu.assume_multiple %mul3A_1279, 128 : i32
        %dma_start3A_1281 = arith.constant 0 : i32
        %dma_start3A_1282 = tpu.memref_slice %arg4[%dma_start3A_1281, %multiple_of3A_1275] : memref<64x1000000xf32, #tpu.memory_space<hbm>> -> memref<64x128xf32, #tpu.memory_space<hbm>>
        %dma_start3A_1283 = arith.constant 0 : i32
        %dma_start3A_1284 = tpu.memref_slice %arg4[%dma_start3A_1283, %multiple_of3A_1275] : memref<64x1000000xf32, #tpu.memory_space<hbm>> -> memref<64x128xf32, #tpu.memory_space<hbm>>
        tpu.enqueue_dma source(%dma_start3A_1284 : memref<64x128xf32, #tpu.memory_space<hbm>>) target(%arg11 : memref<64x128xf32, #tpu.memory_space<vmem>>) target_semaphore(%arg20 : memref<!tpu.dma_semaphore, #tpu.memory_space<semaphore_mem>>)
        %dma_start3A_1285 = arith.constant 0 : i32
        %dma_start3A_1286 = tpu.memref_slice %arg5[%dma_start3A_1285, %multiple_of3A_1280] : memref<64x1000000xf32, #tpu.memory_space<hbm>> -> memref<64x128xf32, #tpu.memory_space<hbm>>
        %dma_start3A_1287 = arith.constant 0 : i32
        %dma_start3A_1288 = tpu.memref_slice %arg5[%dma_start3A_1287, %multiple_of3A_1280] : memref<64x1000000xf32, #tpu.memory_space<hbm>> -> memref<64x128xf32, #tpu.memory_space<hbm>>
        tpu.enqueue_dma source(%dma_start3A_1288 : memref<64x128xf32, #tpu.memory_space<hbm>>) target(%arg15 : memref<64x128xf32, #tpu.memory_space<vmem>>) target_semaphore(%arg24 : memref<!tpu.dma_semaphore, #tpu.memory_space<semaphore_mem>>)
      } else {
      }
      %slice3A_923 = vector.extract_strided_slice %get3A_76 {offsets = [11], sizes = [1], strides = [1]} : vector<16xi32> to vector<1xi32>
      %squeeze3A_924 = vector.extract %slice3A_923[0] : i32 from vector<1xi32>
      %and3A_925 = arith.constant 127 : i32
      %and3A_926 = arith.andi %squeeze3A_924, %and3A_925 : i32
      %broadcast_in_dim3A_927 = vector.broadcast %and3A_926 : i32 to vector<16xi32>
      %slice3A_928 = vector.extract_strided_slice %get3A_80 {offsets = [11], sizes = [1], strides = [1]} : vector<16xi32> to vector<1xi32>
      %squeeze3A_929 = vector.extract %slice3A_928[0] : i32 from vector<1xi32>
      %and3A_930 = arith.constant 127 : i32
      %and3A_931 = arith.andi %squeeze3A_929, %and3A_930 : i32
      %broadcast_in_dim3A_932 = vector.broadcast %and3A_931 : i32 to vector<16xi32>
      %broadcast_in_dim3A_933 = arith.constant 0.000000e+00 : f32
      %broadcast_in_dim3A_934 = vector.broadcast %broadcast_in_dim3A_933 : f32 to vector<16xf32>
      %add3A_935 = arith.constant 0 : i32
      %add3A_936 = vector.broadcast %add3A_935 : i32 to vector<16xi32>
      %add3A_937 = arith.addi %add3A_936, %iota3A : vector<16xi32>
      %gather3A_938 = tpu.vector_load_idx %arg12[%add3A_937, %broadcast_in_dim3A_927] : memref<64x128xf32, #tpu.memory_space<vmem>>[vector<16xi32>, vector<16xi32>], vector<16xf32>,
      %gather3A_939 = tpu.vector_load_idx %arg16[%add3A_937, %broadcast_in_dim3A_932] : memref<64x128xf32, #tpu.memory_space<vmem>>[vector<16xi32>, vector<16xi32>], vector<16xf32>,
      %mul3A_940 = arith.mulf %gather3A_938, %gather3A_939 : vector<16xf32>
      %add3A_941 = arith.addf %broadcast_in_dim3A_934, %mul3A_940 : vector<16xf32>
      %add3A_942 = arith.constant 16 : i32
      %add3A_943 = vector.broadcast %add3A_942 : i32 to vector<16xi32>
      %add3A_944 = arith.addi %add3A_943, %iota3A : vector<16xi32>
      %gather3A_945 = tpu.vector_load_idx %arg12[%add3A_944, %broadcast_in_dim3A_927] : memref<64x128xf32, #tpu.memory_space<vmem>>[vector<16xi32>, vector<16xi32>], vector<16xf32>,
      %gather3A_946 = tpu.vector_load_idx %arg16[%add3A_944, %broadcast_in_dim3A_932] : memref<64x128xf32, #tpu.memory_space<vmem>>[vector<16xi32>, vector<16xi32>], vector<16xf32>,
      %mul3A_947 = arith.mulf %gather3A_945, %gather3A_946 : vector<16xf32>
      %add3A_948 = arith.addf %add3A_941, %mul3A_947 : vector<16xf32>
      %add3A_949 = arith.constant 32 : i32
      %add3A_950 = vector.broadcast %add3A_949 : i32 to vector<16xi32>
      %add3A_951 = arith.addi %add3A_950, %iota3A : vector<16xi32>
      %gather3A_952 = tpu.vector_load_idx %arg12[%add3A_951, %broadcast_in_dim3A_927] : memref<64x128xf32, #tpu.memory_space<vmem>>[vector<16xi32>, vector<16xi32>], vector<16xf32>,
      %gather3A_953 = tpu.vector_load_idx %arg16[%add3A_951, %broadcast_in_dim3A_932] : memref<64x128xf32, #tpu.memory_space<vmem>>[vector<16xi32>, vector<16xi32>], vector<16xf32>,
      %mul3A_954 = arith.mulf %gather3A_952, %gather3A_953 : vector<16xf32>
      %add3A_955 = arith.addf %add3A_948, %mul3A_954 : vector<16xf32>
      %add3A_956 = arith.constant 48 : i32
      %add3A_957 = vector.broadcast %add3A_956 : i32 to vector<16xi32>
      %add3A_958 = arith.addi %add3A_957, %iota3A : vector<16xi32>
      %gather3A_959 = tpu.vector_load_idx %arg12[%add3A_958, %broadcast_in_dim3A_927] : memref<64x128xf32, #tpu.memory_space<vmem>>[vector<16xi32>, vector<16xi32>], vector<16xf32>,
      %gather3A_960 = tpu.vector_load_idx %arg16[%add3A_958, %broadcast_in_dim3A_932] : memref<64x128xf32, #tpu.memory_space<vmem>>[vector<16xi32>, vector<16xi32>], vector<16xf32>,
      %mul3A_961 = arith.mulf %gather3A_959, %gather3A_960 : vector<16xf32>
      %add3A_962 = arith.addf %add3A_955, %mul3A_961 : vector<16xf32>
      %reduce_sum3A_963 = arith.constant true
      %reduce_sum3A_964 = vector.broadcast %reduce_sum3A_963 : i1 to vector<16xi1>
      %reduce_sum3A_965 = tpu.scan <sum>, %add3A_962 masked %reduce_sum3A_964 : vector<16xf32>, vector<16xi1> -> vector<16xf32>
      %reduce_sum3A_966 = vector.extract %reduce_sum3A_965[15] : f32 from vector<16xf32>
      %eq3A_967 = arith.constant 11 : i32
      %eq3A_968 = vector.broadcast %eq3A_967 : i32 to vector<16xi32>
      %eq3A_969 = arith.cmpi eq, %iota3A, %eq3A_968 : vector<16xi32>
      %broadcast_in_dim3A_970 = vector.broadcast %reduce_sum3A_966 : f32 to vector<16xf32>
      %select_n3A_971 = arith.select %eq3A_969, %broadcast_in_dim3A_970, %select_n3A_897 : vector<16xi1>, vector<16xf32>
      %dma_wait3A_972 = arith.constant 0 : i32
      %dma_wait3A_973 = arith.constant 0 : i32
      %dma_wait3A_974 = tpu.memref_slice %arg4[%dma_wait3A_972, %dma_wait3A_973] : memref<64x1000000xf32, #tpu.memory_space<hbm>> -> memref<64x128xf32, #tpu.memory_space<hbm>>
      %dma_wait3A_975 = arith.constant 0 : i32
      %dma_wait3A_976 = arith.constant 0 : i32
      %dma_wait3A_977 = tpu.memref_slice %arg4[%dma_wait3A_975, %dma_wait3A_976] : memref<64x1000000xf32, #tpu.memory_space<hbm>> -> memref<64x128xf32, #tpu.memory_space<hbm>>
      tpu.wait_dma2 semaphore(%arg18 : memref<!tpu.dma_semaphore, #tpu.memory_space<semaphore_mem>>) src(%dma_wait3A_977 : memref<64x128xf32, #tpu.memory_space<hbm>>) dst(%arg9 : memref<64x128xf32, #tpu.memory_space<vmem>>)
      %dma_wait3A_978 = arith.constant 0 : i32
      %dma_wait3A_979 = arith.constant 0 : i32
      %dma_wait3A_980 = tpu.memref_slice %arg5[%dma_wait3A_978, %dma_wait3A_979] : memref<64x1000000xf32, #tpu.memory_space<hbm>> -> memref<64x128xf32, #tpu.memory_space<hbm>>
      %dma_wait3A_981 = arith.constant 0 : i32
      %dma_wait3A_982 = arith.constant 0 : i32
      %dma_wait3A_983 = tpu.memref_slice %arg5[%dma_wait3A_981, %dma_wait3A_982] : memref<64x1000000xf32, #tpu.memory_space<hbm>> -> memref<64x128xf32, #tpu.memory_space<hbm>>
      tpu.wait_dma2 semaphore(%arg22 : memref<!tpu.dma_semaphore, #tpu.memory_space<semaphore_mem>>) src(%dma_wait3A_983 : memref<64x128xf32, #tpu.memory_space<hbm>>) dst(%arg13 : memref<64x128xf32, #tpu.memory_space<vmem>>)
      %slice3A_984 = vector.extract_strided_slice %get3A_76 {offsets = [15], sizes = [1], strides = [1]} : vector<16xi32> to vector<1xi32>
      %squeeze3A_985 = vector.extract %slice3A_984[0] : i32 from vector<1xi32>
      %slice3A_986 = vector.extract_strided_slice %get3A_80 {offsets = [15], sizes = [1], strides = [1]} : vector<16xi32> to vector<1xi32>
      %squeeze3A_987 = vector.extract %slice3A_986[0] : i32 from vector<1xi32>
      %mul3A_988 = arith.constant 16 : i32
      %mul3A_989 = arith.muli %scan3A_72, %mul3A_988 : i32
      %add3A_990 = arith.constant 15 : i32
      %add3A_991 = arith.addi %mul3A_989, %add3A_990 : i32
      %lt3A_992 = arith.constant 512 : i32
      %lt3A_993 = arith.cmpi slt, %add3A_991, %lt3A_992 : i32
      %convert_element_type3A_994 = arith.extui %lt3A_993 : i1 to i32
      %cond3A_995 = arith.constant 0 : i32
      %cond3A_996 = arith.cmpi ne, %convert_element_type3A_994, %cond3A_995 : i32
      scf.if %cond3A_996 {
        %shift_right_arithmetic3A_1271 = arith.constant 7 : i32
        %shift_right_arithmetic3A_1272 = arith.shrsi %squeeze3A_985, %shift_right_arithmetic3A_1271 : i32
        %mul3A_1273 = arith.constant 128 : i32
        %mul3A_1274 = arith.muli %shift_right_arithmetic3A_1272, %mul3A_1273 : i32
        %multiple_of3A_1275 = tpu.assume_multiple %mul3A_1274, 128 : i32
        %shift_right_arithmetic3A_1276 = arith.constant 7 : i32
        %shift_right_arithmetic3A_1277 = arith.shrsi %squeeze3A_987, %shift_right_arithmetic3A_1276 : i32
        %mul3A_1278 = arith.constant 128 : i32
        %mul3A_1279 = arith.muli %shift_right_arithmetic3A_1277, %mul3A_1278 : i32
        %multiple_of3A_1280 = tpu.assume_multiple %mul3A_1279, 128 : i32
        %dma_start3A_1281 = arith.constant 0 : i32
        %dma_start3A_1282 = tpu.memref_slice %arg4[%dma_start3A_1281, %multiple_of3A_1275] : memref<64x1000000xf32, #tpu.memory_space<hbm>> -> memref<64x128xf32, #tpu.memory_space<hbm>>
        %dma_start3A_1283 = arith.constant 0 : i32
        %dma_start3A_1284 = tpu.memref_slice %arg4[%dma_start3A_1283, %multiple_of3A_1275] : memref<64x1000000xf32, #tpu.memory_space<hbm>> -> memref<64x128xf32, #tpu.memory_space<hbm>>
        tpu.enqueue_dma source(%dma_start3A_1284 : memref<64x128xf32, #tpu.memory_space<hbm>>) target(%arg12 : memref<64x128xf32, #tpu.memory_space<vmem>>) target_semaphore(%arg21 : memref<!tpu.dma_semaphore, #tpu.memory_space<semaphore_mem>>)
        %dma_start3A_1285 = arith.constant 0 : i32
        %dma_start3A_1286 = tpu.memref_slice %arg5[%dma_start3A_1285, %multiple_of3A_1280] : memref<64x1000000xf32, #tpu.memory_space<hbm>> -> memref<64x128xf32, #tpu.memory_space<hbm>>
        %dma_start3A_1287 = arith.constant 0 : i32
        %dma_start3A_1288 = tpu.memref_slice %arg5[%dma_start3A_1287, %multiple_of3A_1280] : memref<64x1000000xf32, #tpu.memory_space<hbm>> -> memref<64x128xf32, #tpu.memory_space<hbm>>
        tpu.enqueue_dma source(%dma_start3A_1288 : memref<64x128xf32, #tpu.memory_space<hbm>>) target(%arg16 : memref<64x128xf32, #tpu.memory_space<vmem>>) target_semaphore(%arg25 : memref<!tpu.dma_semaphore, #tpu.memory_space<semaphore_mem>>)
      } else {
      }
      %slice3A_997 = vector.extract_strided_slice %get3A_76 {offsets = [12], sizes = [1], strides = [1]} : vector<16xi32> to vector<1xi32>
      %squeeze3A_998 = vector.extract %slice3A_997[0] : i32 from vector<1xi32>
      %and3A_999 = arith.constant 127 : i32
      %and3A_1000 = arith.andi %squeeze3A_998, %and3A_999 : i32
      %broadcast_in_dim3A_1001 = vector.broadcast %and3A_1000 : i32 to vector<16xi32>
      %slice3A_1002 = vector.extract_strided_slice %get3A_80 {offsets = [12], sizes = [1], strides = [1]} : vector<16xi32> to vector<1xi32>
      %squeeze3A_1003 = vector.extract %slice3A_1002[0] : i32 from vector<1xi32>
      %and3A_1004 = arith.constant 127 : i32
      %and3A_1005 = arith.andi %squeeze3A_1003, %and3A_1004 : i32
      %broadcast_in_dim3A_1006 = vector.broadcast %and3A_1005 : i32 to vector<16xi32>
      %broadcast_in_dim3A_1007 = arith.constant 0.000000e+00 : f32
      %broadcast_in_dim3A_1008 = vector.broadcast %broadcast_in_dim3A_1007 : f32 to vector<16xf32>
      %add3A_1009 = arith.constant 0 : i32
      %add3A_1010 = vector.broadcast %add3A_1009 : i32 to vector<16xi32>
      %add3A_1011 = arith.addi %add3A_1010, %iota3A : vector<16xi32>
      %gather3A_1012 = tpu.vector_load_idx %arg9[%add3A_1011, %broadcast_in_dim3A_1001] : memref<64x128xf32, #tpu.memory_space<vmem>>[vector<16xi32>, vector<16xi32>], vector<16xf32>,
      %gather3A_1013 = tpu.vector_load_idx %arg13[%add3A_1011, %broadcast_in_dim3A_1006] : memref<64x128xf32, #tpu.memory_space<vmem>>[vector<16xi32>, vector<16xi32>], vector<16xf32>,
      %mul3A_1014 = arith.mulf %gather3A_1012, %gather3A_1013 : vector<16xf32>
      %add3A_1015 = arith.addf %broadcast_in_dim3A_1008, %mul3A_1014 : vector<16xf32>
      %add3A_1016 = arith.constant 16 : i32
      %add3A_1017 = vector.broadcast %add3A_1016 : i32 to vector<16xi32>
      %add3A_1018 = arith.addi %add3A_1017, %iota3A : vector<16xi32>
      %gather3A_1019 = tpu.vector_load_idx %arg9[%add3A_1018, %broadcast_in_dim3A_1001] : memref<64x128xf32, #tpu.memory_space<vmem>>[vector<16xi32>, vector<16xi32>], vector<16xf32>,
      %gather3A_1020 = tpu.vector_load_idx %arg13[%add3A_1018, %broadcast_in_dim3A_1006] : memref<64x128xf32, #tpu.memory_space<vmem>>[vector<16xi32>, vector<16xi32>], vector<16xf32>,
      %mul3A_1021 = arith.mulf %gather3A_1019, %gather3A_1020 : vector<16xf32>
      %add3A_1022 = arith.addf %add3A_1015, %mul3A_1021 : vector<16xf32>
      %add3A_1023 = arith.constant 32 : i32
      %add3A_1024 = vector.broadcast %add3A_1023 : i32 to vector<16xi32>
      %add3A_1025 = arith.addi %add3A_1024, %iota3A : vector<16xi32>
      %gather3A_1026 = tpu.vector_load_idx %arg9[%add3A_1025, %broadcast_in_dim3A_1001] : memref<64x128xf32, #tpu.memory_space<vmem>>[vector<16xi32>, vector<16xi32>], vector<16xf32>,
      %gather3A_1027 = tpu.vector_load_idx %arg13[%add3A_1025, %broadcast_in_dim3A_1006] : memref<64x128xf32, #tpu.memory_space<vmem>>[vector<16xi32>, vector<16xi32>], vector<16xf32>,
      %mul3A_1028 = arith.mulf %gather3A_1026, %gather3A_1027 : vector<16xf32>
      %add3A_1029 = arith.addf %add3A_1022, %mul3A_1028 : vector<16xf32>
      %add3A_1030 = arith.constant 48 : i32
      %add3A_1031 = vector.broadcast %add3A_1030 : i32 to vector<16xi32>
      %add3A_1032 = arith.addi %add3A_1031, %iota3A : vector<16xi32>
      %gather3A_1033 = tpu.vector_load_idx %arg9[%add3A_1032, %broadcast_in_dim3A_1001] : memref<64x128xf32, #tpu.memory_space<vmem>>[vector<16xi32>, vector<16xi32>], vector<16xf32>,
      %gather3A_1034 = tpu.vector_load_idx %arg13[%add3A_1032, %broadcast_in_dim3A_1006] : memref<64x128xf32, #tpu.memory_space<vmem>>[vector<16xi32>, vector<16xi32>], vector<16xf32>,
      %mul3A_1035 = arith.mulf %gather3A_1033, %gather3A_1034 : vector<16xf32>
      %add3A_1036 = arith.addf %add3A_1029, %mul3A_1035 : vector<16xf32>
      %reduce_sum3A_1037 = arith.constant true
      %reduce_sum3A_1038 = vector.broadcast %reduce_sum3A_1037 : i1 to vector<16xi1>
      %reduce_sum3A_1039 = tpu.scan <sum>, %add3A_1036 masked %reduce_sum3A_1038 : vector<16xf32>, vector<16xi1> -> vector<16xf32>
      %reduce_sum3A_1040 = vector.extract %reduce_sum3A_1039[15] : f32 from vector<16xf32>
      %eq3A_1041 = arith.constant 12 : i32
      %eq3A_1042 = vector.broadcast %eq3A_1041 : i32 to vector<16xi32>
      %eq3A_1043 = arith.cmpi eq, %iota3A, %eq3A_1042 : vector<16xi32>
      %broadcast_in_dim3A_1044 = vector.broadcast %reduce_sum3A_1040 : f32 to vector<16xf32>
      %select_n3A_1045 = arith.select %eq3A_1043, %broadcast_in_dim3A_1044, %select_n3A_971 : vector<16xi1>, vector<16xf32>
      %dma_wait3A_1046 = arith.constant 0 : i32
      %dma_wait3A_1047 = arith.constant 0 : i32
      %dma_wait3A_1048 = tpu.memref_slice %arg4[%dma_wait3A_1046, %dma_wait3A_1047] : memref<64x1000000xf32, #tpu.memory_space<hbm>> -> memref<64x128xf32, #tpu.memory_space<hbm>>
      %dma_wait3A_1049 = arith.constant 0 : i32
      %dma_wait3A_1050 = arith.constant 0 : i32
      %dma_wait3A_1051 = tpu.memref_slice %arg4[%dma_wait3A_1049, %dma_wait3A_1050] : memref<64x1000000xf32, #tpu.memory_space<hbm>> -> memref<64x128xf32, #tpu.memory_space<hbm>>
      tpu.wait_dma2 semaphore(%arg19 : memref<!tpu.dma_semaphore, #tpu.memory_space<semaphore_mem>>) src(%dma_wait3A_1051 : memref<64x128xf32, #tpu.memory_space<hbm>>) dst(%arg10 : memref<64x128xf32, #tpu.memory_space<vmem>>)
      %dma_wait3A_1052 = arith.constant 0 : i32
      %dma_wait3A_1053 = arith.constant 0 : i32
      %dma_wait3A_1054 = tpu.memref_slice %arg5[%dma_wait3A_1052, %dma_wait3A_1053] : memref<64x1000000xf32, #tpu.memory_space<hbm>> -> memref<64x128xf32, #tpu.memory_space<hbm>>
      %dma_wait3A_1055 = arith.constant 0 : i32
      %dma_wait3A_1056 = arith.constant 0 : i32
      %dma_wait3A_1057 = tpu.memref_slice %arg5[%dma_wait3A_1055, %dma_wait3A_1056] : memref<64x1000000xf32, #tpu.memory_space<hbm>> -> memref<64x128xf32, #tpu.memory_space<hbm>>
      tpu.wait_dma2 semaphore(%arg23 : memref<!tpu.dma_semaphore, #tpu.memory_space<semaphore_mem>>) src(%dma_wait3A_1057 : memref<64x128xf32, #tpu.memory_space<hbm>>) dst(%arg14 : memref<64x128xf32, #tpu.memory_space<vmem>>)
      %slice3A_1058 = vector.extract_strided_slice %get3A_87 {offsets = [0], sizes = [1], strides = [1]} : vector<16xi32> to vector<1xi32>
      %squeeze3A_1059 = vector.extract %slice3A_1058[0] : i32 from vector<1xi32>
      %slice3A_1060 = vector.extract_strided_slice %get3A_91 {offsets = [0], sizes = [1], strides = [1]} : vector<16xi32> to vector<1xi32>
      %squeeze3A_1061 = vector.extract %slice3A_1060[0] : i32 from vector<1xi32>
      %mul3A_1062 = arith.constant 16 : i32
      %mul3A_1063 = arith.muli %scan3A_72, %mul3A_1062 : i32
      %add3A_1064 = arith.constant 16 : i32
      %add3A_1065 = arith.addi %mul3A_1063, %add3A_1064 : i32
      %lt3A_1066 = arith.constant 512 : i32
      %lt3A_1067 = arith.cmpi slt, %add3A_1065, %lt3A_1066 : i32
      %convert_element_type3A_1068 = arith.extui %lt3A_1067 : i1 to i32
      %cond3A_1069 = arith.constant 0 : i32
      %cond3A_1070 = arith.cmpi ne, %convert_element_type3A_1068, %cond3A_1069 : i32
      scf.if %cond3A_1070 {
        %shift_right_arithmetic3A_1271 = arith.constant 7 : i32
        %shift_right_arithmetic3A_1272 = arith.shrsi %squeeze3A_1059, %shift_right_arithmetic3A_1271 : i32
        %mul3A_1273 = arith.constant 128 : i32
        %mul3A_1274 = arith.muli %shift_right_arithmetic3A_1272, %mul3A_1273 : i32
        %multiple_of3A_1275 = tpu.assume_multiple %mul3A_1274, 128 : i32
        %shift_right_arithmetic3A_1276 = arith.constant 7 : i32
        %shift_right_arithmetic3A_1277 = arith.shrsi %squeeze3A_1061, %shift_right_arithmetic3A_1276 : i32
        %mul3A_1278 = arith.constant 128 : i32
        %mul3A_1279 = arith.muli %shift_right_arithmetic3A_1277, %mul3A_1278 : i32
        %multiple_of3A_1280 = tpu.assume_multiple %mul3A_1279, 128 : i32
        %dma_start3A_1281 = arith.constant 0 : i32
        %dma_start3A_1282 = tpu.memref_slice %arg4[%dma_start3A_1281, %multiple_of3A_1275] : memref<64x1000000xf32, #tpu.memory_space<hbm>> -> memref<64x128xf32, #tpu.memory_space<hbm>>
        %dma_start3A_1283 = arith.constant 0 : i32
        %dma_start3A_1284 = tpu.memref_slice %arg4[%dma_start3A_1283, %multiple_of3A_1275] : memref<64x1000000xf32, #tpu.memory_space<hbm>> -> memref<64x128xf32, #tpu.memory_space<hbm>>
        tpu.enqueue_dma source(%dma_start3A_1284 : memref<64x128xf32, #tpu.memory_space<hbm>>) target(%arg9 : memref<64x128xf32, #tpu.memory_space<vmem>>) target_semaphore(%arg18 : memref<!tpu.dma_semaphore, #tpu.memory_space<semaphore_mem>>)
        %dma_start3A_1285 = arith.constant 0 : i32
        %dma_start3A_1286 = tpu.memref_slice %arg5[%dma_start3A_1285, %multiple_of3A_1280] : memref<64x1000000xf32, #tpu.memory_space<hbm>> -> memref<64x128xf32, #tpu.memory_space<hbm>>
        %dma_start3A_1287 = arith.constant 0 : i32
        %dma_start3A_1288 = tpu.memref_slice %arg5[%dma_start3A_1287, %multiple_of3A_1280] : memref<64x1000000xf32, #tpu.memory_space<hbm>> -> memref<64x128xf32, #tpu.memory_space<hbm>>
        tpu.enqueue_dma source(%dma_start3A_1288 : memref<64x128xf32, #tpu.memory_space<hbm>>) target(%arg13 : memref<64x128xf32, #tpu.memory_space<vmem>>) target_semaphore(%arg22 : memref<!tpu.dma_semaphore, #tpu.memory_space<semaphore_mem>>)
      } else {
      }
      %slice3A_1071 = vector.extract_strided_slice %get3A_76 {offsets = [13], sizes = [1], strides = [1]} : vector<16xi32> to vector<1xi32>
      %squeeze3A_1072 = vector.extract %slice3A_1071[0] : i32 from vector<1xi32>
      %and3A_1073 = arith.constant 127 : i32
      %and3A_1074 = arith.andi %squeeze3A_1072, %and3A_1073 : i32
      %broadcast_in_dim3A_1075 = vector.broadcast %and3A_1074 : i32 to vector<16xi32>
      %slice3A_1076 = vector.extract_strided_slice %get3A_80 {offsets = [13], sizes = [1], strides = [1]} : vector<16xi32> to vector<1xi32>
      %squeeze3A_1077 = vector.extract %slice3A_1076[0] : i32 from vector<1xi32>
      %and3A_1078 = arith.constant 127 : i32
      %and3A_1079 = arith.andi %squeeze3A_1077, %and3A_1078 : i32
      %broadcast_in_dim3A_1080 = vector.broadcast %and3A_1079 : i32 to vector<16xi32>
      %broadcast_in_dim3A_1081 = arith.constant 0.000000e+00 : f32
      %broadcast_in_dim3A_1082 = vector.broadcast %broadcast_in_dim3A_1081 : f32 to vector<16xf32>
      %add3A_1083 = arith.constant 0 : i32
      %add3A_1084 = vector.broadcast %add3A_1083 : i32 to vector<16xi32>
      %add3A_1085 = arith.addi %add3A_1084, %iota3A : vector<16xi32>
      %gather3A_1086 = tpu.vector_load_idx %arg10[%add3A_1085, %broadcast_in_dim3A_1075] : memref<64x128xf32, #tpu.memory_space<vmem>>[vector<16xi32>, vector<16xi32>], vector<16xf32>,
      %gather3A_1087 = tpu.vector_load_idx %arg14[%add3A_1085, %broadcast_in_dim3A_1080] : memref<64x128xf32, #tpu.memory_space<vmem>>[vector<16xi32>, vector<16xi32>], vector<16xf32>,
      %mul3A_1088 = arith.mulf %gather3A_1086, %gather3A_1087 : vector<16xf32>
      %add3A_1089 = arith.addf %broadcast_in_dim3A_1082, %mul3A_1088 : vector<16xf32>
      %add3A_1090 = arith.constant 16 : i32
      %add3A_1091 = vector.broadcast %add3A_1090 : i32 to vector<16xi32>
      %add3A_1092 = arith.addi %add3A_1091, %iota3A : vector<16xi32>
      %gather3A_1093 = tpu.vector_load_idx %arg10[%add3A_1092, %broadcast_in_dim3A_1075] : memref<64x128xf32, #tpu.memory_space<vmem>>[vector<16xi32>, vector<16xi32>], vector<16xf32>,
      %gather3A_1094 = tpu.vector_load_idx %arg14[%add3A_1092, %broadcast_in_dim3A_1080] : memref<64x128xf32, #tpu.memory_space<vmem>>[vector<16xi32>, vector<16xi32>], vector<16xf32>,
      %mul3A_1095 = arith.mulf %gather3A_1093, %gather3A_1094 : vector<16xf32>
      %add3A_1096 = arith.addf %add3A_1089, %mul3A_1095 : vector<16xf32>
      %add3A_1097 = arith.constant 32 : i32
      %add3A_1098 = vector.broadcast %add3A_1097 : i32 to vector<16xi32>
      %add3A_1099 = arith.addi %add3A_1098, %iota3A : vector<16xi32>
      %gather3A_1100 = tpu.vector_load_idx %arg10[%add3A_1099, %broadcast_in_dim3A_1075] : memref<64x128xf32, #tpu.memory_space<vmem>>[vector<16xi32>, vector<16xi32>], vector<16xf32>,
      %gather3A_1101 = tpu.vector_load_idx %arg14[%add3A_1099, %broadcast_in_dim3A_1080] : memref<64x128xf32, #tpu.memory_space<vmem>>[vector<16xi32>, vector<16xi32>], vector<16xf32>,
      %mul3A_1102 = arith.mulf %gather3A_1100, %gather3A_1101 : vector<16xf32>
      %add3A_1103 = arith.addf %add3A_1096, %mul3A_1102 : vector<16xf32>
      %add3A_1104 = arith.constant 48 : i32
      %add3A_1105 = vector.broadcast %add3A_1104 : i32 to vector<16xi32>
      %add3A_1106 = arith.addi %add3A_1105, %iota3A : vector<16xi32>
      %gather3A_1107 = tpu.vector_load_idx %arg10[%add3A_1106, %broadcast_in_dim3A_1075] : memref<64x128xf32, #tpu.memory_space<vmem>>[vector<16xi32>, vector<16xi32>], vector<16xf32>,
      %gather3A_1108 = tpu.vector_load_idx %arg14[%add3A_1106, %broadcast_in_dim3A_1080] : memref<64x128xf32, #tpu.memory_space<vmem>>[vector<16xi32>, vector<16xi32>], vector<16xf32>,
      %mul3A_1109 = arith.mulf %gather3A_1107, %gather3A_1108 : vector<16xf32>
      %add3A_1110 = arith.addf %add3A_1103, %mul3A_1109 : vector<16xf32>
      %reduce_sum3A_1111 = arith.constant true
      %reduce_sum3A_1112 = vector.broadcast %reduce_sum3A_1111 : i1 to vector<16xi1>
      %reduce_sum3A_1113 = tpu.scan <sum>, %add3A_1110 masked %reduce_sum3A_1112 : vector<16xf32>, vector<16xi1> -> vector<16xf32>
      %reduce_sum3A_1114 = vector.extract %reduce_sum3A_1113[15] : f32 from vector<16xf32>
      %eq3A_1115 = arith.constant 13 : i32
      %eq3A_1116 = vector.broadcast %eq3A_1115 : i32 to vector<16xi32>
      %eq3A_1117 = arith.cmpi eq, %iota3A, %eq3A_1116 : vector<16xi32>
      %broadcast_in_dim3A_1118 = vector.broadcast %reduce_sum3A_1114 : f32 to vector<16xf32>
      %select_n3A_1119 = arith.select %eq3A_1117, %broadcast_in_dim3A_1118, %select_n3A_1045 : vector<16xi1>, vector<16xf32>
      %dma_wait3A_1120 = arith.constant 0 : i32
      %dma_wait3A_1121 = arith.constant 0 : i32
      %dma_wait3A_1122 = tpu.memref_slice %arg4[%dma_wait3A_1120, %dma_wait3A_1121] : memref<64x1000000xf32, #tpu.memory_space<hbm>> -> memref<64x128xf32, #tpu.memory_space<hbm>>
      %dma_wait3A_1123 = arith.constant 0 : i32
      %dma_wait3A_1124 = arith.constant 0 : i32
      %dma_wait3A_1125 = tpu.memref_slice %arg4[%dma_wait3A_1123, %dma_wait3A_1124] : memref<64x1000000xf32, #tpu.memory_space<hbm>> -> memref<64x128xf32, #tpu.memory_space<hbm>>
      tpu.wait_dma2 semaphore(%arg20 : memref<!tpu.dma_semaphore, #tpu.memory_space<semaphore_mem>>) src(%dma_wait3A_1125 : memref<64x128xf32, #tpu.memory_space<hbm>>) dst(%arg11 : memref<64x128xf32, #tpu.memory_space<vmem>>)
      %dma_wait3A_1126 = arith.constant 0 : i32
      %dma_wait3A_1127 = arith.constant 0 : i32
      %dma_wait3A_1128 = tpu.memref_slice %arg5[%dma_wait3A_1126, %dma_wait3A_1127] : memref<64x1000000xf32, #tpu.memory_space<hbm>> -> memref<64x128xf32, #tpu.memory_space<hbm>>
      %dma_wait3A_1129 = arith.constant 0 : i32
      %dma_wait3A_1130 = arith.constant 0 : i32
      %dma_wait3A_1131 = tpu.memref_slice %arg5[%dma_wait3A_1129, %dma_wait3A_1130] : memref<64x1000000xf32, #tpu.memory_space<hbm>> -> memref<64x128xf32, #tpu.memory_space<hbm>>
      tpu.wait_dma2 semaphore(%arg24 : memref<!tpu.dma_semaphore, #tpu.memory_space<semaphore_mem>>) src(%dma_wait3A_1131 : memref<64x128xf32, #tpu.memory_space<hbm>>) dst(%arg15 : memref<64x128xf32, #tpu.memory_space<vmem>>)
      %slice3A_1132 = vector.extract_strided_slice %get3A_87 {offsets = [1], sizes = [1], strides = [1]} : vector<16xi32> to vector<1xi32>
      %squeeze3A_1133 = vector.extract %slice3A_1132[0] : i32 from vector<1xi32>
      %slice3A_1134 = vector.extract_strided_slice %get3A_91 {offsets = [1], sizes = [1], strides = [1]} : vector<16xi32> to vector<1xi32>
      %squeeze3A_1135 = vector.extract %slice3A_1134[0] : i32 from vector<1xi32>
      %mul3A_1136 = arith.constant 16 : i32
      %mul3A_1137 = arith.muli %scan3A_72, %mul3A_1136 : i32
      %add3A_1138 = arith.constant 17 : i32
      %add3A_1139 = arith.addi %mul3A_1137, %add3A_1138 : i32
      %lt3A_1140 = arith.constant 512 : i32
      %lt3A_1141 = arith.cmpi slt, %add3A_1139, %lt3A_1140 : i32
      %convert_element_type3A_1142 = arith.extui %lt3A_1141 : i1 to i32
      %cond3A_1143 = arith.constant 0 : i32
      %cond3A_1144 = arith.cmpi ne, %convert_element_type3A_1142, %cond3A_1143 : i32
      scf.if %cond3A_1144 {
        %shift_right_arithmetic3A_1271 = arith.constant 7 : i32
        %shift_right_arithmetic3A_1272 = arith.shrsi %squeeze3A_1133, %shift_right_arithmetic3A_1271 : i32
        %mul3A_1273 = arith.constant 128 : i32
        %mul3A_1274 = arith.muli %shift_right_arithmetic3A_1272, %mul3A_1273 : i32
        %multiple_of3A_1275 = tpu.assume_multiple %mul3A_1274, 128 : i32
        %shift_right_arithmetic3A_1276 = arith.constant 7 : i32
        %shift_right_arithmetic3A_1277 = arith.shrsi %squeeze3A_1135, %shift_right_arithmetic3A_1276 : i32
        %mul3A_1278 = arith.constant 128 : i32
        %mul3A_1279 = arith.muli %shift_right_arithmetic3A_1277, %mul3A_1278 : i32
        %multiple_of3A_1280 = tpu.assume_multiple %mul3A_1279, 128 : i32
        %dma_start3A_1281 = arith.constant 0 : i32
        %dma_start3A_1282 = tpu.memref_slice %arg4[%dma_start3A_1281, %multiple_of3A_1275] : memref<64x1000000xf32, #tpu.memory_space<hbm>> -> memref<64x128xf32, #tpu.memory_space<hbm>>
        %dma_start3A_1283 = arith.constant 0 : i32
        %dma_start3A_1284 = tpu.memref_slice %arg4[%dma_start3A_1283, %multiple_of3A_1275] : memref<64x1000000xf32, #tpu.memory_space<hbm>> -> memref<64x128xf32, #tpu.memory_space<hbm>>
        tpu.enqueue_dma source(%dma_start3A_1284 : memref<64x128xf32, #tpu.memory_space<hbm>>) target(%arg10 : memref<64x128xf32, #tpu.memory_space<vmem>>) target_semaphore(%arg19 : memref<!tpu.dma_semaphore, #tpu.memory_space<semaphore_mem>>)
        %dma_start3A_1285 = arith.constant 0 : i32
        %dma_start3A_1286 = tpu.memref_slice %arg5[%dma_start3A_1285, %multiple_of3A_1280] : memref<64x1000000xf32, #tpu.memory_space<hbm>> -> memref<64x128xf32, #tpu.memory_space<hbm>>
        %dma_start3A_1287 = arith.constant 0 : i32
        %dma_start3A_1288 = tpu.memref_slice %arg5[%dma_start3A_1287, %multiple_of3A_1280] : memref<64x1000000xf32, #tpu.memory_space<hbm>> -> memref<64x128xf32, #tpu.memory_space<hbm>>
        tpu.enqueue_dma source(%dma_start3A_1288 : memref<64x128xf32, #tpu.memory_space<hbm>>) target(%arg14 : memref<64x128xf32, #tpu.memory_space<vmem>>) target_semaphore(%arg23 : memref<!tpu.dma_semaphore, #tpu.memory_space<semaphore_mem>>)
      } else {
      }
      %slice3A_1145 = vector.extract_strided_slice %get3A_76 {offsets = [14], sizes = [1], strides = [1]} : vector<16xi32> to vector<1xi32>
      %squeeze3A_1146 = vector.extract %slice3A_1145[0] : i32 from vector<1xi32>
      %and3A_1147 = arith.constant 127 : i32
      %and3A_1148 = arith.andi %squeeze3A_1146, %and3A_1147 : i32
      %broadcast_in_dim3A_1149 = vector.broadcast %and3A_1148 : i32 to vector<16xi32>
      %slice3A_1150 = vector.extract_strided_slice %get3A_80 {offsets = [14], sizes = [1], strides = [1]} : vector<16xi32> to vector<1xi32>
      %squeeze3A_1151 = vector.extract %slice3A_1150[0] : i32 from vector<1xi32>
      %and3A_1152 = arith.constant 127 : i32
      %and3A_1153 = arith.andi %squeeze3A_1151, %and3A_1152 : i32
      %broadcast_in_dim3A_1154 = vector.broadcast %and3A_1153 : i32 to vector<16xi32>
      %broadcast_in_dim3A_1155 = arith.constant 0.000000e+00 : f32
      %broadcast_in_dim3A_1156 = vector.broadcast %broadcast_in_dim3A_1155 : f32 to vector<16xf32>
      %add3A_1157 = arith.constant 0 : i32
      %add3A_1158 = vector.broadcast %add3A_1157 : i32 to vector<16xi32>
      %add3A_1159 = arith.addi %add3A_1158, %iota3A : vector<16xi32>
      %gather3A_1160 = tpu.vector_load_idx %arg11[%add3A_1159, %broadcast_in_dim3A_1149] : memref<64x128xf32, #tpu.memory_space<vmem>>[vector<16xi32>, vector<16xi32>], vector<16xf32>,
      %gather3A_1161 = tpu.vector_load_idx %arg15[%add3A_1159, %broadcast_in_dim3A_1154] : memref<64x128xf32, #tpu.memory_space<vmem>>[vector<16xi32>, vector<16xi32>], vector<16xf32>,
      %mul3A_1162 = arith.mulf %gather3A_1160, %gather3A_1161 : vector<16xf32>
      %add3A_1163 = arith.addf %broadcast_in_dim3A_1156, %mul3A_1162 : vector<16xf32>
      %add3A_1164 = arith.constant 16 : i32
      %add3A_1165 = vector.broadcast %add3A_1164 : i32 to vector<16xi32>
      %add3A_1166 = arith.addi %add3A_1165, %iota3A : vector<16xi32>
      %gather3A_1167 = tpu.vector_load_idx %arg11[%add3A_1166, %broadcast_in_dim3A_1149] : memref<64x128xf32, #tpu.memory_space<vmem>>[vector<16xi32>, vector<16xi32>], vector<16xf32>,
      %gather3A_1168 = tpu.vector_load_idx %arg15[%add3A_1166, %broadcast_in_dim3A_1154] : memref<64x128xf32, #tpu.memory_space<vmem>>[vector<16xi32>, vector<16xi32>], vector<16xf32>,
      %mul3A_1169 = arith.mulf %gather3A_1167, %gather3A_1168 : vector<16xf32>
      %add3A_1170 = arith.addf %add3A_1163, %mul3A_1169 : vector<16xf32>
      %add3A_1171 = arith.constant 32 : i32
      %add3A_1172 = vector.broadcast %add3A_1171 : i32 to vector<16xi32>
      %add3A_1173 = arith.addi %add3A_1172, %iota3A : vector<16xi32>
      %gather3A_1174 = tpu.vector_load_idx %arg11[%add3A_1173, %broadcast_in_dim3A_1149] : memref<64x128xf32, #tpu.memory_space<vmem>>[vector<16xi32>, vector<16xi32>], vector<16xf32>,
      %gather3A_1175 = tpu.vector_load_idx %arg15[%add3A_1173, %broadcast_in_dim3A_1154] : memref<64x128xf32, #tpu.memory_space<vmem>>[vector<16xi32>, vector<16xi32>], vector<16xf32>,
      %mul3A_1176 = arith.mulf %gather3A_1174, %gather3A_1175 : vector<16xf32>
      %add3A_1177 = arith.addf %add3A_1170, %mul3A_1176 : vector<16xf32>
      %add3A_1178 = arith.constant 48 : i32
      %add3A_1179 = vector.broadcast %add3A_1178 : i32 to vector<16xi32>
      %add3A_1180 = arith.addi %add3A_1179, %iota3A : vector<16xi32>
      %gather3A_1181 = tpu.vector_load_idx %arg11[%add3A_1180, %broadcast_in_dim3A_1149] : memref<64x128xf32, #tpu.memory_space<vmem>>[vector<16xi32>, vector<16xi32>], vector<16xf32>,
      %gather3A_1182 = tpu.vector_load_idx %arg15[%add3A_1180, %broadcast_in_dim3A_1154] : memref<64x128xf32, #tpu.memory_space<vmem>>[vector<16xi32>, vector<16xi32>], vector<16xf32>,
      %mul3A_1183 = arith.mulf %gather3A_1181, %gather3A_1182 : vector<16xf32>
      %add3A_1184 = arith.addf %add3A_1177, %mul3A_1183 : vector<16xf32>
      %reduce_sum3A_1185 = arith.constant true
      %reduce_sum3A_1186 = vector.broadcast %reduce_sum3A_1185 : i1 to vector<16xi1>
      %reduce_sum3A_1187 = tpu.scan <sum>, %add3A_1184 masked %reduce_sum3A_1186 : vector<16xf32>, vector<16xi1> -> vector<16xf32>
      %reduce_sum3A_1188 = vector.extract %reduce_sum3A_1187[15] : f32 from vector<16xf32>
      %eq3A_1189 = arith.constant 14 : i32
      %eq3A_1190 = vector.broadcast %eq3A_1189 : i32 to vector<16xi32>
      %eq3A_1191 = arith.cmpi eq, %iota3A, %eq3A_1190 : vector<16xi32>
      %broadcast_in_dim3A_1192 = vector.broadcast %reduce_sum3A_1188 : f32 to vector<16xf32>
      %select_n3A_1193 = arith.select %eq3A_1191, %broadcast_in_dim3A_1192, %select_n3A_1119 : vector<16xi1>, vector<16xf32>
      %dma_wait3A_1194 = arith.constant 0 : i32
      %dma_wait3A_1195 = arith.constant 0 : i32
      %dma_wait3A_1196 = tpu.memref_slice %arg4[%dma_wait3A_1194, %dma_wait3A_1195] : memref<64x1000000xf32, #tpu.memory_space<hbm>> -> memref<64x128xf32, #tpu.memory_space<hbm>>
      %dma_wait3A_1197 = arith.constant 0 : i32
      %dma_wait3A_1198 = arith.constant 0 : i32
      %dma_wait3A_1199 = tpu.memref_slice %arg4[%dma_wait3A_1197, %dma_wait3A_1198] : memref<64x1000000xf32, #tpu.memory_space<hbm>> -> memref<64x128xf32, #tpu.memory_space<hbm>>
      tpu.wait_dma2 semaphore(%arg21 : memref<!tpu.dma_semaphore, #tpu.memory_space<semaphore_mem>>) src(%dma_wait3A_1199 : memref<64x128xf32, #tpu.memory_space<hbm>>) dst(%arg12 : memref<64x128xf32, #tpu.memory_space<vmem>>)
      %dma_wait3A_1200 = arith.constant 0 : i32
      %dma_wait3A_1201 = arith.constant 0 : i32
      %dma_wait3A_1202 = tpu.memref_slice %arg5[%dma_wait3A_1200, %dma_wait3A_1201] : memref<64x1000000xf32, #tpu.memory_space<hbm>> -> memref<64x128xf32, #tpu.memory_space<hbm>>
      %dma_wait3A_1203 = arith.constant 0 : i32
      %dma_wait3A_1204 = arith.constant 0 : i32
      %dma_wait3A_1205 = tpu.memref_slice %arg5[%dma_wait3A_1203, %dma_wait3A_1204] : memref<64x1000000xf32, #tpu.memory_space<hbm>> -> memref<64x128xf32, #tpu.memory_space<hbm>>
      tpu.wait_dma2 semaphore(%arg25 : memref<!tpu.dma_semaphore, #tpu.memory_space<semaphore_mem>>) src(%dma_wait3A_1205 : memref<64x128xf32, #tpu.memory_space<hbm>>) dst(%arg16 : memref<64x128xf32, #tpu.memory_space<vmem>>)
      %slice3A_1206 = vector.extract_strided_slice %get3A_87 {offsets = [2], sizes = [1], strides = [1]} : vector<16xi32> to vector<1xi32>
      %squeeze3A_1207 = vector.extract %slice3A_1206[0] : i32 from vector<1xi32>
      %slice3A_1208 = vector.extract_strided_slice %get3A_91 {offsets = [2], sizes = [1], strides = [1]} : vector<16xi32> to vector<1xi32>
      %squeeze3A_1209 = vector.extract %slice3A_1208[0] : i32 from vector<1xi32>
      %mul3A_1210 = arith.constant 16 : i32
      %mul3A_1211 = arith.muli %scan3A_72, %mul3A_1210 : i32
      %add3A_1212 = arith.constant 18 : i32
      %add3A_1213 = arith.addi %mul3A_1211, %add3A_1212 : i32
      %lt3A_1214 = arith.constant 512 : i32
      %lt3A_1215 = arith.cmpi slt, %add3A_1213, %lt3A_1214 : i32
      %convert_element_type3A_1216 = arith.extui %lt3A_1215 : i1 to i32
      %cond3A_1217 = arith.constant 0 : i32
      %cond3A_1218 = arith.cmpi ne, %convert_element_type3A_1216, %cond3A_1217 : i32
      scf.if %cond3A_1218 {
        %shift_right_arithmetic3A_1271 = arith.constant 7 : i32
        %shift_right_arithmetic3A_1272 = arith.shrsi %squeeze3A_1207, %shift_right_arithmetic3A_1271 : i32
        %mul3A_1273 = arith.constant 128 : i32
        %mul3A_1274 = arith.muli %shift_right_arithmetic3A_1272, %mul3A_1273 : i32
        %multiple_of3A_1275 = tpu.assume_multiple %mul3A_1274, 128 : i32
        %shift_right_arithmetic3A_1276 = arith.constant 7 : i32
        %shift_right_arithmetic3A_1277 = arith.shrsi %squeeze3A_1209, %shift_right_arithmetic3A_1276 : i32
        %mul3A_1278 = arith.constant 128 : i32
        %mul3A_1279 = arith.muli %shift_right_arithmetic3A_1277, %mul3A_1278 : i32
        %multiple_of3A_1280 = tpu.assume_multiple %mul3A_1279, 128 : i32
        %dma_start3A_1281 = arith.constant 0 : i32
        %dma_start3A_1282 = tpu.memref_slice %arg4[%dma_start3A_1281, %multiple_of3A_1275] : memref<64x1000000xf32, #tpu.memory_space<hbm>> -> memref<64x128xf32, #tpu.memory_space<hbm>>
        %dma_start3A_1283 = arith.constant 0 : i32
        %dma_start3A_1284 = tpu.memref_slice %arg4[%dma_start3A_1283, %multiple_of3A_1275] : memref<64x1000000xf32, #tpu.memory_space<hbm>> -> memref<64x128xf32, #tpu.memory_space<hbm>>
        tpu.enqueue_dma source(%dma_start3A_1284 : memref<64x128xf32, #tpu.memory_space<hbm>>) target(%arg11 : memref<64x128xf32, #tpu.memory_space<vmem>>) target_semaphore(%arg20 : memref<!tpu.dma_semaphore, #tpu.memory_space<semaphore_mem>>)
        %dma_start3A_1285 = arith.constant 0 : i32
        %dma_start3A_1286 = tpu.memref_slice %arg5[%dma_start3A_1285, %multiple_of3A_1280] : memref<64x1000000xf32, #tpu.memory_space<hbm>> -> memref<64x128xf32, #tpu.memory_space<hbm>>
        %dma_start3A_1287 = arith.constant 0 : i32
        %dma_start3A_1288 = tpu.memref_slice %arg5[%dma_start3A_1287, %multiple_of3A_1280] : memref<64x1000000xf32, #tpu.memory_space<hbm>> -> memref<64x128xf32, #tpu.memory_space<hbm>>
        tpu.enqueue_dma source(%dma_start3A_1288 : memref<64x128xf32, #tpu.memory_space<hbm>>) target(%arg15 : memref<64x128xf32, #tpu.memory_space<vmem>>) target_semaphore(%arg24 : memref<!tpu.dma_semaphore, #tpu.memory_space<semaphore_mem>>)
      } else {
      }
      %slice3A_1219 = vector.extract_strided_slice %get3A_76 {offsets = [15], sizes = [1], strides = [1]} : vector<16xi32> to vector<1xi32>
      %squeeze3A_1220 = vector.extract %slice3A_1219[0] : i32 from vector<1xi32>
      %and3A_1221 = arith.constant 127 : i32
      %and3A_1222 = arith.andi %squeeze3A_1220, %and3A_1221 : i32
      %broadcast_in_dim3A_1223 = vector.broadcast %and3A_1222 : i32 to vector<16xi32>
      %slice3A_1224 = vector.extract_strided_slice %get3A_80 {offsets = [15], sizes = [1], strides = [1]} : vector<16xi32> to vector<1xi32>
      %squeeze3A_1225 = vector.extract %slice3A_1224[0] : i32 from vector<1xi32>
      %and3A_1226 = arith.constant 127 : i32
      %and3A_1227 = arith.andi %squeeze3A_1225, %and3A_1226 : i32
      %broadcast_in_dim3A_1228 = vector.broadcast %and3A_1227 : i32 to vector<16xi32>
      %broadcast_in_dim3A_1229 = arith.constant 0.000000e+00 : f32
      %broadcast_in_dim3A_1230 = vector.broadcast %broadcast_in_dim3A_1229 : f32 to vector<16xf32>
      %add3A_1231 = arith.constant 0 : i32
      %add3A_1232 = vector.broadcast %add3A_1231 : i32 to vector<16xi32>
      %add3A_1233 = arith.addi %add3A_1232, %iota3A : vector<16xi32>
      %gather3A_1234 = tpu.vector_load_idx %arg12[%add3A_1233, %broadcast_in_dim3A_1223] : memref<64x128xf32, #tpu.memory_space<vmem>>[vector<16xi32>, vector<16xi32>], vector<16xf32>,
      %gather3A_1235 = tpu.vector_load_idx %arg16[%add3A_1233, %broadcast_in_dim3A_1228] : memref<64x128xf32, #tpu.memory_space<vmem>>[vector<16xi32>, vector<16xi32>], vector<16xf32>,
      %mul3A_1236 = arith.mulf %gather3A_1234, %gather3A_1235 : vector<16xf32>
      %add3A_1237 = arith.addf %broadcast_in_dim3A_1230, %mul3A_1236 : vector<16xf32>
      %add3A_1238 = arith.constant 16 : i32
      %add3A_1239 = vector.broadcast %add3A_1238 : i32 to vector<16xi32>
      %add3A_1240 = arith.addi %add3A_1239, %iota3A : vector<16xi32>
      %gather3A_1241 = tpu.vector_load_idx %arg12[%add3A_1240, %broadcast_in_dim3A_1223] : memref<64x128xf32, #tpu.memory_space<vmem>>[vector<16xi32>, vector<16xi32>], vector<16xf32>,
      %gather3A_1242 = tpu.vector_load_idx %arg16[%add3A_1240, %broadcast_in_dim3A_1228] : memref<64x128xf32, #tpu.memory_space<vmem>>[vector<16xi32>, vector<16xi32>], vector<16xf32>,
      %mul3A_1243 = arith.mulf %gather3A_1241, %gather3A_1242 : vector<16xf32>
      %add3A_1244 = arith.addf %add3A_1237, %mul3A_1243 : vector<16xf32>
      %add3A_1245 = arith.constant 32 : i32
      %add3A_1246 = vector.broadcast %add3A_1245 : i32 to vector<16xi32>
      %add3A_1247 = arith.addi %add3A_1246, %iota3A : vector<16xi32>
      %gather3A_1248 = tpu.vector_load_idx %arg12[%add3A_1247, %broadcast_in_dim3A_1223] : memref<64x128xf32, #tpu.memory_space<vmem>>[vector<16xi32>, vector<16xi32>], vector<16xf32>,
      %gather3A_1249 = tpu.vector_load_idx %arg16[%add3A_1247, %broadcast_in_dim3A_1228] : memref<64x128xf32, #tpu.memory_space<vmem>>[vector<16xi32>, vector<16xi32>], vector<16xf32>,
      %mul3A_1250 = arith.mulf %gather3A_1248, %gather3A_1249 : vector<16xf32>
      %add3A_1251 = arith.addf %add3A_1244, %mul3A_1250 : vector<16xf32>
      %add3A_1252 = arith.constant 48 : i32
      %add3A_1253 = vector.broadcast %add3A_1252 : i32 to vector<16xi32>
      %add3A_1254 = arith.addi %add3A_1253, %iota3A : vector<16xi32>
      %gather3A_1255 = tpu.vector_load_idx %arg12[%add3A_1254, %broadcast_in_dim3A_1223] : memref<64x128xf32, #tpu.memory_space<vmem>>[vector<16xi32>, vector<16xi32>], vector<16xf32>,
      %gather3A_1256 = tpu.vector_load_idx %arg16[%add3A_1254, %broadcast_in_dim3A_1228] : memref<64x128xf32, #tpu.memory_space<vmem>>[vector<16xi32>, vector<16xi32>], vector<16xf32>,
      %mul3A_1257 = arith.mulf %gather3A_1255, %gather3A_1256 : vector<16xf32>
      %add3A_1258 = arith.addf %add3A_1251, %mul3A_1257 : vector<16xf32>
      %reduce_sum3A_1259 = arith.constant true
      %reduce_sum3A_1260 = vector.broadcast %reduce_sum3A_1259 : i1 to vector<16xi1>
      %reduce_sum3A_1261 = tpu.scan <sum>, %add3A_1258 masked %reduce_sum3A_1260 : vector<16xf32>, vector<16xi1> -> vector<16xf32>
      %reduce_sum3A_1262 = vector.extract %reduce_sum3A_1261[15] : f32 from vector<16xf32>
      %eq3A_1263 = arith.constant 15 : i32
      %eq3A_1264 = vector.broadcast %eq3A_1263 : i32 to vector<16xi32>
      %eq3A_1265 = arith.cmpi eq, %iota3A, %eq3A_1264 : vector<16xi32>
      %broadcast_in_dim3A_1266 = vector.broadcast %reduce_sum3A_1262 : f32 to vector<16xf32>
      %select_n3A_1267 = arith.select %eq3A_1265, %broadcast_in_dim3A_1266, %select_n3A_1193 : vector<16xi1>, vector<16xf32>
      %mul3A_1268 = arith.constant 16 : i32
      %mul3A_1269 = arith.muli %scan3A_72, %mul3A_1268 : i32
      %swap3A = arith.index_cast %mul3A_1269 : i32 to index
      %swap3A_1270 = tpu.vector_load %arg17[%swap3A] {strides = array<i32>} : memref<512xf32, #tpu.memory_space<vmem>>, vector<16xf32>,
      tpu.vector_store %arg17[%swap3A], %select_n3A_1267 {strides = array<i32>} : memref<512xf32, #tpu.memory_space<vmem>>, vector<16xf32>,
    }
    %scan3A_71 = arith.constant 32 : i32
    "tpu.region"() ({
      %run_scoped3A = tpu.sem_alloc : memref<!tpu.dma_semaphore, #tpu.memory_space<semaphore_mem>>
      %dma_start3A_72 = tpu.memref_slice %arg6[%mul3A_2] : memref<16384xf32, #tpu.memory_space<hbm>> -> memref<512xf32, #tpu.memory_space<hbm>>
      %dma_start3A_73 = tpu.memref_slice %arg6[%mul3A_2] : memref<16384xf32, #tpu.memory_space<hbm>> -> memref<512xf32, #tpu.memory_space<hbm>>
      tpu.enqueue_dma source(%arg17 : memref<512xf32, #tpu.memory_space<vmem>>) target(%dma_start3A_73 : memref<512xf32, #tpu.memory_space<hbm>>) target_semaphore(%run_scoped3A : memref<!tpu.dma_semaphore, #tpu.memory_space<semaphore_mem>>)
      %dma_wait3A = tpu.memref_slice %arg6[%mul3A_2] : memref<16384xf32, #tpu.memory_space<hbm>> -> memref<512xf32, #tpu.memory_space<hbm>>
      %dma_wait3A_74 = tpu.memref_slice %arg6[%mul3A_2] : memref<16384xf32, #tpu.memory_space<hbm>> -> memref<512xf32, #tpu.memory_space<hbm>>
      tpu.wait_dma2 semaphore(%run_scoped3A : memref<!tpu.dma_semaphore, #tpu.memory_space<semaphore_mem>>) src(%arg17 : memref<512xf32, #tpu.memory_space<vmem>>) dst(%dma_wait3A_74 : memref<512xf32, #tpu.memory_space<hbm>>)
      tpu.yield
    }) : () -> ()
    return
  }
}

</mosaic_0001>

<sc_bundles>
// kernel: kernel.3.cloned.1.call-start
scs
__scs_entry_jumppad:
0x0: {  	(pc) =	sbr.rel $0x88, $3  }
0x1: {  	(tag) =	ssettag $0x0;
	lr =	simm.s32 $0x1  }
0x2: {  	[smem:$0x3F9D] =	sst lr;
	_ =	strace $0xD0000000  }
0x3: {  	_ = 	snop  }
0x4: {  	_ = 	snop  }
0x5: {  	_ = 	snop  }
0x6: {  	_ = 	snop  }
0x7: {  	_ = 	snop  }
__scs_overlays_trampoline_lowered:
0x8: {  	[smem:$0x3FAC] =	sst s0  }
0x9: {  	[smem:$0x3FAD] =	sst s1  }
0xa: {  	[smem:$0x3FAE] =	sst s2  }
0xb: {  	[smem:$0x3FAF] =	sst s3  }
0xc: {  	[smem:$0x3FB0] =	sst s4  }
0xd: {  	[smem:$0x3FB1] =	sst s5  }
0xe: {  	[smem:$0x3FB2] =	sst s6  }
0xf: {  	[smem:$0x3FB3] =	sst s7  }
0x10: {  	[smem:$0x3FB4] =	sst s8  }
0x11: {  	[smem:$0x3FB5] =	sst s9;
	s0 =	simm.s32 @!p0 $0x0  }
0x12: {  	s1 =	sld [smem:$0x3F9B];
	s0 =	simm.s32 @p0 $0x1  }
0x13: {  	[smem:$0x3FB6] =	sst s0;
	s0 =	simm.s32 @!p1 $0x0  }
0x14: {  	s2 =	sld [smem:$0x3F9A];
	s0 =	simm.s32 @p1 $0x1  }
0x15: {  	[smem:$0x3FB7] =	sst s0;
	s0 =	simm.s32 @!p2 $0x0  }
0x16: {  	s3 =	sld [smem:$0x3FDB];
	s0 =	simm.s32 @p2 $0x1  }
0x17: {  	s4 =	simm.s32 $0x1BF5;
	[smem:$0x3FB9] =	sst s0  }
0x18: {  	s0 =	sld [smem:$0x3F9C];
	_ =	swait.ge [sflag:s4], $0x0  }
0x19: {  	s7 =	sld [smem:$0x3F9D]  }
0x1a: {  	s8 =	sadd.s32 $0xFFFFE003, lr  }
0x1b: {  	s9 =	sadd.s32 $0xFFFFFEF7, lr;
	s5 =	simm.s32 $0xFFFFFFFF;
	p2 =	slt.u32 s8, $0xFFFFF086  }
0x1c: {  	p1 =	slt.u32 s9, $0xF7A;
	s5 =	simm.s32 @!p2 $0x0  }
0x1d: {  	s5 =	simm.s32 @p1 $0x1;
	p0 =	seq.s32 s7, s2  }
0x1e: {  	s7 =	smul.u32 @!p0 $0xF7A, s2;
	p2 =	seq.s32 @!p0 s5, $0x0  }
0x1f: {  	s9 =	smul.u32 $0xF7A, s1;
	s8 =	simm.s32 @!p0 $0x1BF5;
	p2 =	por !p2, p0  }
0x20: {  	[sflag:s8] =	ssyncset.s32 @!p0 $0xFFFFF086;
	s6 =	sadd.s32 @!p0 s3, s7;
	s7 =	simm.s32 @!p0 $0x108  }
0x21: {  	s3 =	sadd.s32 s3, s9;
	s6 =	sadd.s32 @!p0 $0x88, s6;
	s7 =	simm.s32 @p2 $0x1082  }
0x22: {  	[simem:s7], [sflag:s8] =	dma.local @!p0 [hbm:s6], $0xF7A  }
0x23: {  	s9 =	sor.u32 $0xD0000000, s2;
	s6 =	simm.s32 $0x108;
	_ =	swait.ge @!p0 [sflag:s8], $0x0  }
0x24: {  	s3 =	sadd.s32 $0x88, s3;
	s6 =	simm.s32 @!p1 $0x1082;
	[sflag:s4] =	ssyncset.s32 $0xFFFFF086  }
0x25: {  	[simem:s6], [sflag:s4] =	dma.local [hbm:s3], $0xF7A  }
0x26: {  	[smem:$0x3F9D] =	sst s1;
	(tag) =	ssettag s2;
	_ =	strace s9  }
0x27: {  	s1 =	sld [smem:$0x3FAD]  }
0x28: {  	s2 =	sld [smem:$0x3FAE]  }
0x29: {  	s4 =	sld [smem:$0x3FB0]  }
0x2a: {  	p0 =	seq.s32 s5, $0x0;
	s5 =	sld [smem:$0x3FB1]  }
0x2b: {  	s6 =	sld [smem:$0x3FB2]  }
0x2c: {  	s7 =	sld [smem:$0x3FB3]  }
0x2d: {  	s3 =	simm.s32 $0x108;
	s8 =	sld [smem:$0x3FB4]  }
0x2e: {  	s3 =	simm.s32 @!p0 $0x1082;
	s9 =	sld [smem:$0x3FB5]  }
0x2f: {  	lr =	sadd.s32 s0, s3;
	s0 =	sld [smem:$0x3FAC]  }
0x30: {  	s3 =	sld [smem:$0x3FAF]  }
0x31: {  	[smem:$0x3FB8] =	sst s10  }
0x32: {  	s10 =	sld [smem:$0x3FB6];
	_ =	sdelay $0x3  }
0x33: {  	p0 =	seq.s32 s10, $0x1;
	s10 =	sld [smem:$0x3FB8];
	_ =	sdelay $0x3  }
0x34: {  	[smem:$0x3FB8] =	sst s10  }
0x35: {  	s10 =	sld [smem:$0x3FB7];
	_ =	sdelay $0x3  }
0x36: {  	p1 =	seq.s32 s10, $0x1;
	s10 =	sld [smem:$0x3FB8];
	_ =	sdelay $0x3  }
0x37: {  	[smem:$0x3FB8] =	sst s10  }
0x38: {  	s10 =	sld [smem:$0x3FB9]  }
0x39: {  	_ = 	snop;
	(pc) =	sbr.ind lr, $3  }
0x3a: {  	_ = 	snop  }
0x3b: {  	_ = 	snop  }
0x3c: {  	p2 =	seq.s32 s10, $0x1;
	s10 =	sld [smem:$0x3FB8]  }
0x3d: {  	_ =	shalt  }
0x3e: {  	_ =	shalt  }
0x3f: {  	_ =	shalt  }
0x40: {  	_ =	shalt  }
0x41: {  	_ =	shalt  }
0x42: {  	_ =	shalt  }
0x43: {  	_ =	shalt  }
0x44: {  	_ =	shalt  }
0x45: {  	_ =	shalt  }
0x46: {  	_ =	shalt  }
0x47: {  	_ =	shalt  }
0x48: {  	_ =	shalt  }
0x49: {  	_ =	shalt  }
0x4a: {  	_ =	shalt  }
0x4b: {  	_ =	shalt  }
0x4c: {  	_ =	shalt  }
0x4d: {  	_ =	shalt  }
0x4e: {  	_ =	shalt  }
0x4f: {  	_ =	shalt  }
0x50: {  	_ =	shalt  }
0x51: {  	_ =	shalt  }
0x52: {  	_ =	shalt  }
0x53: {  	_ =	shalt  }
0x54: {  	_ =	shalt  }
0x55: {  	_ =	shalt  }
0x56: {  	_ =	shalt  }
0x57: {  	_ =	shalt  }
0x58: {  	_ =	shalt  }
0x59: {  	_ =	shalt  }
0x5a: {  	_ =	shalt  }
0x5b: {  	_ =	shalt  }
0x5c: {  	_ =	shalt  }
0x5d: {  	_ =	shalt  }
0x5e: {  	_ =	shalt  }
0x5f: {  	_ =	shalt  }
0x60: {  	_ =	shalt  }
0x61: {  	_ =	shalt  }
0x62: {  	_ =	shalt  }
0x63: {  	_ =	shalt  }
0x64: {  	_ =	shalt  }
0x65: {  	_ =	shalt  }
0x66: {  	_ =	shalt  }
0x67: {  	_ =	shalt  }
0x68: {  	_ =	shalt  }
0x69: {  	_ =	shalt  }
0x6a: {  	_ =	shalt  }
0x6b: {  	_ =	shalt  }
0x6c: {  	_ =	shalt  }
0x6d: {  	_ =	shalt  }
0x6e: {  	_ =	shalt  }
0x6f: {  	_ =	shalt  }
0x70: {  	_ =	shalt  }
0x71: {  	_ =	shalt  }
0x72: {  	_ =	shalt  }
0x73: {  	_ =	shalt  }
0x74: {  	_ =	shalt  }
0x75: {  	_ =	shalt  }
0x76: {  	_ =	shalt  }
0x77: {  	_ =	shalt  }
0x78: {  	_ =	shalt  }
0x79: {  	_ =	shalt  }
0x7a: {  	_ =	shalt  }
0x7b: {  	_ =	shalt  }
0x7c: {  	_ =	shalt  }
0x7d: {  	_ =	shalt  }
0x7e: {  	_ =	shalt  }
0x7f: {  	_ =	shalt  }
0x80: {  	_ =	shalt  }
0x81: {  	_ =	shalt  }
0x82: {  	_ =	shalt  }
0x83: {  	_ =	shalt  }
0x84: {  	_ =	shalt  }
0x85: {  	_ =	shalt  }
0x86: {  	_ =	shalt  }
0x87: {  	_ =	shalt  }
.Lfunc_end0:
.L_simem_size_0:
called_computation_lowered:
.L_overlay_start_0:
0x88: {  	s2 =	sld [smem:$0x3FD9]  }
0x89: {  	s3 =	sld [smem:$0x3FFE];
	_ =	sdelay $0x1  }
0x8a: {  	s1 =	srdreg.scid  }
0x8b: {  	s0 =	sand.u32 $0x1, s1  }
0x8c: {  	s18 =	sshll.u32 s0, $0xA;
	s2 =	sadd.s32 s3, s2  }
0x8d: {  	s2 =	sadd.s32 s2, s18  }
0x8e: {  	[smem:$0x3FC4] =	sst s2  }
0x8f: {  	_ = 	snop  }
0x90: {  	s2 =	sld [smem:$0x3FC9]  }
0x91: {  	s19 =	sld [smem:$0x3FC8]  }
0x92: {  	s4 =	sld [smem:$0x3FC7]  }
0x93: {  	s5 =	sld [smem:$0x3FC6]  }
0x94: {  	s6 =	sld [smem:$0x3FD0];
	(tm) =	ssettm $0x1  }
0x95: {  	s7 =	sld [smem:$0x3FFB];
	_ =	sdelay $0x3  }
0x96: {  	_ =	strace s7  }
0x97: {  	s7 =	sld [smem:$0x3FFC];
	_ =	sdelay $0x3  }
0x98: {  	_ =	strace s7  }
0x99: {  	s7 =	sld [smem:$0x3FFD];
	_ =	sdelay $0x3  }
0x9a: {  	_ =	strace s7  }
0x9b: {  	_ =	strace $0x8FFFFFFF  }
0x9c: {  	s20 =	sld [smem:$0x3FDB];
	_ =	sdelay $0x1  }
0x9d: {  	s8 =	simm.s32 $_scs_section_size  }
0x9e: {  	s9 =	simm.s32 $_size__tile_overlayer_lowered;
	s10 =	simm.s32 $_tile_overlayer_lowered  }
0x9f: {  	s23 =	simm.s32 $0x1BFF;
	s22 =	sshll.u32 s10, $0x1;
	s7 =	sadd.s32 s8, s20  }
0xa0: {  	s11 =	simm.s32 $0x0;
	s21 =	sshll.u32 s9, $0x1;
	s9 =	sadd.s32 s22, s7  }
0xa1: {  	[timem:s11], [sflag:s23] =	dma.local [hbm:s9], s21  }
0xa2: {  	_ =	swait.ge [sflag:s23], s21  }
0xa3: {  	s8 =	ssub.s32 $0x0, s21;
	[sflag:s23] =	ssyncset.done $0x0  }
0xa4: {  	[sflag:s23] =	ssyncadd.s32 s8;
	_ =	sdelay $0x1  }
0xa5: {  	s24 =	simm.s32 $0x1B8B  }
0xa6: {  	_ =	swait.ge [sflag:s24], $0x1  }
0xa7: {  	[sflag:s24] =	ssyncset.done $0x0  }
0xa8: {  	s25 =	simm.s32 $0x1B8E;
	[sflag:s24] =	ssyncadd.s32 $0xFFFFFFFF  }
0xa9: {  	s26 =	simm.s32 $execute0_lowered;
	[smem:$0x3FD2] =	sst s25  }
0xaa: {  	s8 =	sshll.u32 s26, $0x1;
	_ =	strace $0x80000046;
	[dreg:$0x1] =	wrdreg $0xFFFFFFFF  }
0xab: {  	s28 =	simm.s32 $_size_execute0_lowered;
	s7 =	sadd.s32 s7, s8;
	[dreg:$0x0] =	wrdreg $0x0  }
0xac: {  	s8 =	sshll.u32 s28, $0x1;
	[dreg:$0x2] =	wrdreg s7  }
0xad: {  	[dreg:$0x3] =	wrdreg s8  }
0xae: {  	[dreg:$0x4] =	wrdreg $0xC0  }
0xaf: {  	_ =	task [dreg:s11], $0x5FFFF  }
0xb0: {  	[dreg:$0x1] =	wrdreg $0xFFFFFFFF  }
0xb1: {  	[dreg:$0x0] =	wrdreg $0x60  }
0xb2: {  	[dreg:$0x2] =	wrdreg s2  }
0xb3: {  	[dreg:$0x3] =	wrdreg s19  }
0xb4: {  	[dreg:$0x4] =	wrdreg s4  }
0xb5: {  	[dreg:$0x5] =	wrdreg s5  }
0xb6: {  	[dreg:$0x6] =	wrdreg s6  }
0xb7: {  	[dreg:$0x7] =	wrdreg $0x9  }
0xb8: {  	_ =	task.clear_ibuf [dreg:s11], $0x8FFFF;
	_ =	strace $0x90000046  }
0xb9: {  	s29 =	simm.s32 $0x9;
	_ =	strace $0x80000048  }
0xba: {  	_ =	swait.ge [sflag:s29], $0x1  }
0xbb: {  	[sflag:s29] =	ssyncadd.s32 $0xFFFFFFFF  }
0xbc: {  	_ =	strace $0x90000048  }
0xbd: {  	_ =	sfence  }
0xbe: {  	s30 =	sld [smem:$0x0];
	_ =	sdelay $0x2  }
0xbf: {  	s31 =	sshll.u32 s1, $0xD;
	s1 =	sshrl.u32 s1, $0x2  }
0xc0: {  	s3 =	sand.u32 $0x4000, s31;
	s1 =	sadd.s32 s1, s30  }
0xc1: {  	s0 =	sor.u32 s3, s0;
	s1 =	sshll.u32 s1, $0x11  }
0xc2: {  	s0 =	sor.u32 s1, s0  }
0xc3: {  	s0 =	sadd.s32 $0x8F2B, s0  }
0xc4: {  	[sflag:s0] =	ssyncadd.remote.s32 $0x1  }
0xc5: {  	_ =	sfence.sel $0xFFFF  }
0xc6: {  	[dreg:$0x0] =	wrdreg $0xFFFFFFFF;
	(pc) =	sbr.abs _section_cstart, $3  }
0xc7: {  	[dreg:$0x1] =	wrdreg $0xFFFFFFFF  }
0xc8: {  	_ =	task.clear_ibuf [dreg:s11], $0x2FFFF;
	_ =	strace $0x9FFFFFFF  }
0xc9: {  	(tm) =	ssettm $0x7FFFFFFF  }
tec
execute0_lowered:
.L_overlay_start_1:
0x0: {  	(tag) =	ssettag $0x1  }
0x1: {  	s0 =	rddreg [dreg:$0x0]  }
0x2: {  	s3 =	rddreg [dreg:$0x1]  }
0x3: {  	s1 =	rddreg [dreg:$0x2]  }
0x4: {  	s2 =	rddreg [dreg:$0x3]  }
0x5: {  	s4 =	rddreg [dreg:$0x4];
	s5 =	srdreg.scid;
	s9 =	simm.s32 $0x0  }
0x6: {  	s8 =	stileid.u32;
	s10 =	simm.s32 $0x7A1400;
	s11 =	simm.s32 $0x400  }
0x7: {  	s12 =	simm.s32 $0x8400;
	s13 =	simm.s32 $0x2400;
	s14 =	simm.s32 $0xA400  }
0x8: {  	s15 =	simm.s32 $0x4400;
	s16 =	simm.s32 $0xC400;
	s21 =	simm.s32 $0x5  }
0x9: {  	s19 =	simm.s32 $0x6400;
	s20 =	simm.s32 $0xE400;
	s23 =	simm.s32 $0x6  }
0xa: {  	s29 =	simm.s32 $0x3;
	s25 =	simm.s32 $0x7;
	s22 =	simm.s32 $0x5  }
0xb: {  	s24 =	simm.s32 $0x6;
	s5 =	sand.u32 $0x1, s5;
	[smem:$0x7FF] =	sst s9  }
0xc: {  	v0 =	vlaneseq.u32;
	vm0 =	vmmov $0x1;
	s8 =	sshll.u32 s8, $0x7;
	s6 =	ssub.s32 $0x2, s5;
	s5 =	sshll.u32 s5, $0x6  }
0xd: {  	vm1 =	vmmov $0x3;
	vm2 =	vmmov $0x7;
	vm3 =	vmmov $0xf;
	s30 =	simm.s32 $0x8;
	_ =	strace $0x80000047;
	s5 =	sor.u32 s5, s8  }
0xe: {  	vm4 =	vmmov $0x1f;
	vm5 =	vmmov $0x3f;
	vm6 =	vmmov $0x7f;
	s7 =	sshrl.u32 s6, $0x1;
	s8 =	simm.s32 $0x2;
	s0 =	sadd.s32 s0, s5  }
0xf: {  	vm7 =	vmmov $0xff;
	vm8 =	vmmov $0x1ff;
	vm9 =	vmmov $0x3ff;
	s6 =	ssub.s32 s6, s7;
	s26 =	sadd.s32 s3, s5;
	[dreg:$0x6] =	wrdreg s0  }
0x10: {  	vm10 =	vmmov $0x7ff;
	vm11 =	vmmov $0xfff;
	v0 =	vmul.u32 $0x80, v0;
	s28 =	sadd.s32 s4, s5;
	s3 =	simm.s32 $0x9;
	[dreg:$0x7] =	wrdreg s26  }
0x11: {  	vm12 =	vcmask $0x3734;
	vm13 =	vcmask $0x3B38;
	vm14 =	vmmov $0x7fff;
	s5 =	simm.s32 $0x1;
	[dreg:$0x8] =	wrdreg s28;
	s31 =	smax.u32 s6, $0x1  }
0x12: {  	v1 =	vor.u32 $0x800, v0;
	v2 =	vor.u32 $0x1000, v0;
	v3 =	vor.u32 $0x1800, v0;
	s4 =	simm.s32 $0x0;
	s26 =	simm.s32 $0x4;
	[dreg:$0x9] =	wrdreg s31  }
.LBB2_1:
0x13: {  	[dreg:$0xa] =	wrdreg s4  }
0x14: {  	s0 =	rddreg [dreg:$0x6]  }
0x15: {  	[tilespmem:s9], [sflag:$0x9] =	stream.linear.gather [hbm4b:s0+s9], $0x200, $0x38;
	[tilespmem:$0x10600] =	vst v63  }
0x16: {  	_ =	swait.ge [sflag:s3], $0x200  }
0x17: {  	[sflag:s3] =	ssyncset.done $0x0  }
0x18: {  	s6 =	simm.s32 $0x200;
	s7 =	rddreg [dreg:$0x7];
	[sflag:s3] =	ssyncadd.s32 $0xFFFFFE00  }
0x19: {  	[tilespmem:s6], [sflag:$0x9] =	stream.linear.gather [hbm4b:s7+s9], $0x200, $0x38;
	[tilespmem:$0x10600] =	vst v63  }
0x1a: {  	_ =	swait.ge [sflag:s3], $0x200  }
0x1b: {  	[sflag:s3] =	ssyncset.done $0x0  }
0x1c: {  	[sflag:s3] =	ssyncadd.s32 $0xFFFFFE00  }
0x1d: {  	v4 =	vld [tilespmem:$0x0];
	_ =	sdelay $0x3  }
0x1e: {  	v5 =	vld [tilespmem:$0x200]  }
0x1f: {  	(v2sf) =	vpush v4, $0x0;
	_ =	sdelay $0x3  }
0x20: {  	(v2sf) =	vpush v5, $0x0  }
0x21: {  	(v2sf) =	vpush v4, $0x1;
	_ =	sdelay $0x1  }
0x22: {  	(v2sf) =	vpush v5, $0x1;
	_ =	sdelay $0x1  }
0x23: {  	(v2sf) =	vpush v4, $0x2;
	_ =	sdelay $0x5  }
0x24: {  	s9 =	spop (v2sf);
	(v2sf) =	vpush v5, $0x2;
	_ =	sdelay $0x3  }
0x25: {  	s0 =	sand.u32 $0xFFFFF80, s9;
	s17 =	spop (v2sf)  }
0x26: {  	s0 =	sadd.s32 s1, s0;
	s18 =	sand.u32 $0xFFFFF80, s17;
	s28 =	spop (v2sf)  }
0x27: {  	[tilespmem:s11], [sflag:$0x1] =	stream.strided.gather [hbm4b:s0+s11], $0x2000, s10, s11, $0x38;
	[tilespmem:$0x10600] =	vst v63  }
0x28: {  	s0 =	sadd.s32 s2, s18;
	s4 =	sand.u32 $0xFFFFF80, s28;
	s7 =	spop (v2sf)  }
0x29: {  	[tilespmem:s12], [sflag:$0x5] =	stream.strided.gather [hbm4b:s0+s11], $0x2000, s10, s11, $0x38;
	[tilespmem:$0x10600] =	vst v63  }
0x2a: {  	s9 =	sand.u32 $0xFFFFF80, s7;
	s17 =	spop (v2sf);
	s0 =	sadd.s32 s1, s4  }
0x2b: {  	[tilespmem:s13], [sflag:$0x2] =	stream.strided.gather [hbm4b:s0+s11], $0x2000, s10, s11, $0x38;
	[tilespmem:$0x10600] =	vst v63  }
0x2c: {  	s18 =	sand.u32 $0xFFFFF80, s17;
	s0 =	sadd.s32 s2, s9  }
0x2d: {  	[tilespmem:s14], [sflag:$0x6] =	stream.strided.gather [hbm4b:s0+s11], $0x2000, s10, s11, $0x38;
	[tilespmem:$0x10600] =	vst v63  }
0x2e: {  	s0 =	sadd.s32 s1, s18  }
0x2f: {  	[tilespmem:s15], [sflag:$0x3] =	stream.strided.gather [hbm4b:s0+s11], $0x2000, s10, s11, $0x38;
	[tilespmem:$0x10600] =	vst v63  }
0x30: {  	s28 =	spop (v2sf)  }
0x31: {  	s0 =	sand.u32 $0xFFFFF80, s28  }
0x32: {  	s0 =	sadd.s32 s2, s0  }
0x33: {  	[tilespmem:s16], [sflag:$0x7] =	stream.strided.gather [hbm4b:s0+s11], $0x2000, s10, s11, $0x38;
	[tilespmem:$0x10600] =	vst v63  }
0x34: {  	s31 =	simm.s32 $0xFFFFFFE0;
	s3 =	simm.s32 $0x0;
	s0 =	simm.s32 $0x10400  }
.LBB2_2:
0x35: {  	s4 =	sadd.s32 $0x21, s31  }
0x36: {  	v9 =	vld [tilespmem:s3+$0x0];
	s4 =	smin.u32 s4, $0x1F  }
0x37: {  	v10 =	vld [tilespmem:s6+$0x0];
	s4 =	sshll.u32 s4, $0x4  }
0x38: {  	[dreg:$0xb] =	wrdreg s6;
	v4 =	vld [tilespmem:s4+$0x0]  }
0x39: {  	v5 =	vld [tilespmem:s4+$0x200];
	_ =	swait.ge [sflag:s5], $0x2000  }
0x3a: {  	[sflag:s5] =	ssyncset.done $0x0  }
0x3b: {  	[sflag:s5] =	ssyncadd.s32 $0xFFFFE000  }
0x3c: {  	_ =	swait.ge [sflag:s21], $0x2000  }
0x3d: {  	(v2sf) =	vpush v9, $0x3  }
0x3e: {  	(v2sf) =	vpush v10, $0x3  }
0x3f: {  	(v2sf) =	vpush v9, $0x0  }
0x40: {  	(v2sf) =	vpush v10, $0x0;
	_ =	sdelay $0xb  }
0x41: {  	s5 =	spop (v2sf)  }
0x42: {  	s28 =	spop (v2sf)  }
0x43: {  	s17 =	spop (v2sf)  }
0x44: {  	s4 =	sand.u32 $0x7F, s17;
	s7 =	spop (v2sf)  }
0x45: {  	[sflag:s22] =	ssyncset.done $0x0;
	s18 =	sand.u32 $0xFFFFF80, s5;
	s7 =	sand.u32 $0x7F, s7;
	v6 =	vor.u32 s4, v0  }
0x46: {  	[sflag:s22] =	ssyncadd.s32 $0xFFFFE000;
	s6 =	sadd.s32 s1, s18;
	s9 =	sand.u32 $0xFFFFF80, s28;
	v7 =	vor.u32 s7, v0  }
0x47: {  	[tilespmem:s19], [sflag:$0x4] =	stream.strided.gather [hbm4b:s6+s11], $0x2000, s10, s11, $0x38;
	v8 =	vor.u32 s4, v1;
	[tilespmem:$0x10600] =	vst v63  }
0x48: {  	s6 =	sadd.s32 s2, s9;
	v11 =	vor.u32 s7, v1  }
0x49: {  	v12 =	vor.u32 s4, v2;
	[tilespmem:s20], [sflag:$0x8] =	stream.strided.gather [hbm4b:s6+s11], $0x2000, s10, s11, $0x38;
	[tilespmem:$0x10600] =	vst v63  }
0x4a: {  	v13 =	vor.u32 s7, v2;
	v6 =	vld.idx.msk [tilespmem:v6+s11+$0x0], $0xffff  }
0x4b: {  	v14 =	vor.u32 s4, v3;
	v7 =	vld.idx.msk [tilespmem:v7+s12+$0x0], $0xffff  }
0x4c: {  	v15 =	vor.u32 s7, v3;
	v8 =	vld.idx.msk [tilespmem:v8+s11+$0x0], $0xffff  }
0x4d: {  	v11 =	vld.idx.msk [tilespmem:v11+s12+$0x0], $0xffff  }
0x4e: {  	v12 =	vld.idx.msk [tilespmem:v12+s11+$0x0], $0xffff  }
0x4f: {  	v13 =	vld.idx.msk [tilespmem:v13+s12+$0x0], $0xffff  }
0x50: {  	v17 =	vld.idx.msk [tilespmem:v14+s11+$0x0], $0xffff;
	v6 =	vmul.f32 v7, v6  }
0x51: {  	v18 =	vld.idx.msk [tilespmem:v15+s12+$0x0], $0xffff  }
0x52: {  	v8 =	vmul.f32 v11, v8;
	v6 =	vadd.f32 $0.0e+00, v6;
	_ =	sdelay $0x1  }
0x53: {  	v19 =	vmul.f32 v13, v12;
	v6 =	vadd.f32 v8, v6;
	_ =	sdelay $0x1  }
0x54: {  	v7 =	vmul.f32 v18, v17;
	v6 =	vadd.f32 v19, v6;
	_ =	sdelay $0x1  }
0x55: {  	v6 =	vadd.f32 v7, v6;
	_ =	sdelay $0x1  }
0x56: {  	(xrf2) =	vadd.scan.msk.f32 $0xffff, v6;
	_ =	sdelay $0x9  }
0x57: {  	v6, _, _ =	vpop (xrf2)  }
0x58: {  	_ =	swait.ge [sflag:s8], $0x2000  }
0x59: {  	[sflag:s8] =	ssyncset.done $0x0  }
0x5a: {  	[sflag:s8] =	ssyncadd.s32 $0xFFFFE000  }
0x5b: {  	_ =	swait.ge [sflag:s23], $0x2000  }
0x5c: {  	(v2sf) =	vpush v9, $0x4  }
0x5d: {  	(v2sf) =	vpush v10, $0x4  }
0x5e: {  	(v2sf) =	vpush v9, $0x1  }
0x5f: {  	(v2sf) =	vpush v10, $0x1;
	_ =	sdelay $0xb  }
0x60: {  	s7 =	spop (v2sf)  }
0x61: {  	s6 =	spop (v2sf)  }
0x62: {  	[sflag:s23] =	ssyncset.done $0x0;
	s17 =	spop (v2sf)  }
0x63: {  	s18 =	sand.u32 $0xFFFFF80, s7;
	s4 =	sand.u32 $0x7F, s17;
	s9 =	spop (v2sf)  }
0x64: {  	[sflag:s24] =	ssyncadd.s32 $0xFFFFE000;
	s8 =	sadd.s32 s1, s18;
	s9 =	sand.u32 $0x7F, s9;
	v20 =	vor.u32 s4, v0  }
0x65: {  	[tilespmem:s11], [sflag:$0x1] =	stream.strided.gather [hbm4b:s8+s11], $0x2000, s10, s11, $0x38;
	v21 =	vor.u32 s9, v0;
	[tilespmem:$0x10600] =	vst v63  }
0x66: {  	s17 =	sand.u32 $0xFFFFF80, s6;
	v22 =	vor.u32 s4, v1  }
0x67: {  	s8 =	sadd.s32 s2, s17;
	v23 =	vor.u32 s9, v1  }
0x68: {  	v24 =	vor.u32 s4, v2;
	[tilespmem:s12], [sflag:$0x5] =	stream.strided.gather [hbm4b:s8+s11], $0x2000, s10, s11, $0x38;
	[tilespmem:$0x10600] =	vst v63  }
0x69: {  	v25 =	vor.u32 s9, v2;
	v7 =	vld.idx.msk [tilespmem:v20+s13+$0x0], $0xffff  }
0x6a: {  	v26 =	vor.u32 s4, v3;
	v8 =	vld.idx.msk [tilespmem:v21+s14+$0x0], $0xffff  }
0x6b: {  	v16 =	vor.u32 s9, v3;
	v11 =	vld.idx.msk [tilespmem:v22+s13+$0x0], $0xffff  }
0x6c: {  	v12 =	vld.idx.msk [tilespmem:v23+s14+$0x0], $0xffff  }
0x6d: {  	v13 =	vld.idx.msk [tilespmem:v24+s13+$0x0], $0xffff  }
0x6e: {  	v14 =	vld.idx.msk [tilespmem:v25+s14+$0x0], $0xffff  }
0x6f: {  	v27 =	vld.idx.msk [tilespmem:v26+s13+$0x0], $0xffff;
	v7 =	vmul.f32 v8, v7  }
0x70: {  	v28 =	vld.idx.msk [tilespmem:v16+s14+$0x0], $0xffff  }
0x71: {  	v11 =	vmul.f32 v12, v11;
	v7 =	vadd.f32 $0.0e+00, v7;
	_ =	sdelay $0x1  }
0x72: {  	v29 =	vmul.f32 v14, v13;
	v7 =	vadd.f32 v11, v7;
	_ =	sdelay $0x1  }
0x73: {  	v8 =	vmul.f32 v28, v27;
	v7 =	vadd.f32 v29, v7;
	_ =	sdelay $0x1  }
0x74: {  	v7 =	vadd.f32 v8, v7;
	_ =	sdelay $0x1  }
0x75: {  	(xrf2) =	vadd.scan.msk.f32 $0xffff, v7;
	_ =	sdelay $0x9  }
0x76: {  	v7, _, _ =	vpop (xrf2)  }
0x77: {  	_ =	swait.ge [sflag:s29], $0x2000  }
0x78: {  	[sflag:s29] =	ssyncset.done $0x0  }
0x79: {  	[sflag:s29] =	ssyncadd.s32 $0xFFFFE000  }
0x7a: {  	_ =	swait.ge [sflag:s25], $0x2000  }
0x7b: {  	(v2sf) =	vpush v9, $0x5  }
0x7c: {  	(v2sf) =	vpush v10, $0x5  }
0x7d: {  	(v2sf) =	vpush v9, $0x2  }
0x7e: {  	(v2sf) =	vpush v10, $0x2;
	_ =	sdelay $0xb  }
0x7f: {  	s4 =	spop (v2sf)  }
0x80: {  	s8 =	spop (v2sf)  }
0x81: {  	s18 =	spop (v2sf)  }
0x82: {  	s9 =	sand.u32 $0x7F, s18;
	s18 =	spop (v2sf)  }
0x83: {  	[sflag:s25] =	ssyncset.done $0x0;
	s17 =	sand.u32 $0xFFFFF80, s4;
	s18 =	sand.u32 $0x7F, s18;
	v30 =	vor.u32 s9, v0  }
0x84: {  	[sflag:s25] =	ssyncadd.s32 $0xFFFFE000;
	s17 =	sadd.s32 s1, s17;
	s25 =	sand.u32 $0xFFFFF80, s8;
	v31 =	vor.u32 s18, v0  }
0x85: {  	[tilespmem:s13], [sflag:$0x2] =	stream.strided.gather [hbm4b:s17+s11], $0x2000, s10, s11, $0x38;
	v32 =	vor.u32 s9, v1;
	[tilespmem:$0x10600] =	vst v63  }
0x86: {  	s17 =	sadd.s32 s2, s25;
	v33 =	vor.u32 s18, v1  }
0x87: {  	v34 =	vor.u32 s9, v2;
	[tilespmem:s14], [sflag:$0x6] =	stream.strided.gather [hbm4b:s17+s11], $0x2000, s10, s11, $0x38;
	[tilespmem:$0x10600] =	vst v63  }
0x88: {  	v35 =	vor.u32 s18, v2;
	v8 =	vld.idx.msk [tilespmem:v30+s15+$0x0], $0xffff  }
0x89: {  	v36 =	vor.u32 s9, v3;
	v11 =	vld.idx.msk [tilespmem:v31+s16+$0x0], $0xffff  }
0x8a: {  	v17 =	vor.u32 s18, v3;
	v12 =	vld.idx.msk [tilespmem:v32+s15+$0x0], $0xffff  }
0x8b: {  	v13 =	vld.idx.msk [tilespmem:v33+s16+$0x0], $0xffff  }
0x8c: {  	v14 =	vld.idx.msk [tilespmem:v34+s15+$0x0], $0xffff  }
0x8d: {  	v15 =	vld.idx.msk [tilespmem:v35+s16+$0x0], $0xffff  }
0x8e: {  	v37 =	vld.idx.msk [tilespmem:v36+s15+$0x0], $0xffff;
	v8 =	vmul.f32 v11, v8  }
0x8f: {  	v38 =	vld.idx.msk [tilespmem:v17+s16+$0x0], $0xffff  }
0x90: {  	v12 =	vmul.f32 v13, v12;
	v8 =	vadd.f32 $0.0e+00, v8;
	_ =	sdelay $0x1  }
0x91: {  	v39 =	vmul.f32 v15, v14;
	v8 =	vadd.f32 v12, v8;
	_ =	sdelay $0x1  }
0x92: {  	v11 =	vmul.f32 v38, v37;
	v8 =	vadd.f32 v39, v8;
	_ =	sdelay $0x1  }
0x93: {  	v8 =	vadd.f32 v11, v8;
	_ =	sdelay $0x1  }
0x94: {  	(xrf2) =	vadd.scan.msk.f32 $0xffff, v8;
	_ =	sdelay $0x9  }
0x95: {  	v8, _, _ =	vpop (xrf2)  }
0x96: {  	_ =	swait.ge [sflag:s26], $0x2000  }
0x97: {  	[sflag:s26] =	ssyncset.done $0x0  }
0x98: {  	[sflag:s26] =	ssyncadd.s32 $0xFFFFE000  }
0x99: {  	_ =	swait.ge [sflag:s30], $0x2000  }
0x9a: {  	(v2sf) =	vpush v9, $0x6;
	_ =	sdelay $0x1  }
0x9b: {  	(v2sf) =	vpush v10, $0x6;
	_ =	sdelay $0xc  }
0x9c: {  	s9 =	spop (v2sf)  }
0x9d: {  	s5 =	sand.u32 $0x7F, s5;
	[sflag:s30] =	ssyncset.done $0x0;
	s18 =	sand.u32 $0xFFFFF80, s9  }
0x9e: {  	v40 =	vor.u32 s5, v0;
	s29 =	spop (v2sf);
	s17 =	sadd.s32 s1, s18;
	s18 =	sand.u32 $0x7F, s28  }
0x9f: {  	[sflag:s30] =	ssyncadd.s32 $0xFFFFE000;
	s28 =	sand.u32 $0xFFFFF80, s29;
	v41 =	vor.u32 s18, v0  }
0xa0: {  	v42 =	vor.u32 s5, v1;
	[tilespmem:s15], [sflag:$0x3] =	stream.strided.gather [hbm4b:s17+s11], $0x2000, s10, s11, $0x38;
	[tilespmem:$0x10600] =	vst v63  }
0xa1: {  	s17 =	sadd.s32 s2, s28;
	v43 =	vor.u32 s18, v1  }
0xa2: {  	v44 =	vor.u32 s5, v2;
	[tilespmem:s16], [sflag:$0x7] =	stream.strided.gather [hbm4b:s17+s11], $0x2000, s10, s11, $0x38;
	[tilespmem:$0x10600] =	vst v63  }
0xa3: {  	v45 =	vor.u32 s18, v2;
	v11 =	vld.idx.msk [tilespmem:v40+s19+$0x0], $0xffff  }
0xa4: {  	v46 =	vor.u32 s5, v3;
	v12 =	vld.idx.msk [tilespmem:v41+s20+$0x0], $0xffff  }
0xa5: {  	v18 =	vor.u32 s18, v3;
	v13 =	vld.idx.msk [tilespmem:v42+s19+$0x0], $0xffff  }
0xa6: {  	v14 =	vld.idx.msk [tilespmem:v43+s20+$0x0], $0xffff  }
0xa7: {  	v15 =	vld.idx.msk [tilespmem:v44+s19+$0x0], $0xffff  }
0xa8: {  	v16 =	vld.idx.msk [tilespmem:v45+s20+$0x0], $0xffff  }
0xa9: {  	v47 =	vld.idx.msk [tilespmem:v46+s19+$0x0], $0xffff;
	v11 =	vmul.f32 v12, v11  }
0xaa: {  	v48 =	vld.idx.msk [tilespmem:v18+s20+$0x0], $0xffff  }
0xab: {  	v13 =	vmul.f32 v14, v13;
	v11 =	vadd.f32 $0.0e+00, v11;
	_ =	sdelay $0x1  }
0xac: {  	v49 =	vmul.f32 v16, v15;
	v11 =	vadd.f32 v13, v11;
	_ =	sdelay $0x1  }
0xad: {  	v12 =	vmul.f32 v48, v47;
	v11 =	vadd.f32 v49, v11;
	_ =	sdelay $0x1  }
0xae: {  	v11 =	vadd.f32 v12, v11;
	_ =	sdelay $0x1  }
0xaf: {  	(xrf2) =	vadd.scan.msk.f32 $0xffff, v11;
	_ =	sdelay $0x9  }
0xb0: {  	s21 =	simm.s32 $0x1;
	v11, _, _ =	vpop (xrf2)  }
0xb1: {  	_ =	swait.ge [sflag:s21], $0x2000  }
0xb2: {  	[sflag:s21] =	ssyncset.done $0x0  }
0xb3: {  	[sflag:s21] =	ssyncadd.s32 $0xFFFFE000  }
0xb4: {  	_ =	swait.ge [sflag:s22], $0x2000  }
0xb5: {  	(v2sf) =	vpush v9, $0x7  }
0xb6: {  	(v2sf) =	vpush v10, $0x7;
	_ =	sdelay $0xd  }
0xb7: {  	s7 =	sand.u32 $0x7F, s7;
	s6 =	sand.u32 $0x7F, s6;
	s5 =	spop (v2sf)  }
0xb8: {  	v50 =	vor.u32 s7, v0;
	[sflag:s22] =	ssyncset.done $0x0;
	s18 =	sand.u32 $0xFFFFF80, s5;
	s28 =	spop (v2sf)  }
0xb9: {  	v51 =	vor.u32 s6, v0;
	[sflag:s22] =	ssyncadd.s32 $0xFFFFE000;
	s17 =	sadd.s32 s1, s18;
	s18 =	sand.u32 $0xFFFFF80, s28  }
0xba: {  	v52 =	vor.u32 s7, v1;
	[tilespmem:s19], [sflag:$0x4] =	stream.strided.gather [hbm4b:s17+s11], $0x2000, s10, s11, $0x38;
	[tilespmem:$0x10600] =	vst v63  }
0xbb: {  	v53 =	vor.u32 s6, v1;
	s17 =	sadd.s32 s2, s18  }
0xbc: {  	v54 =	vor.u32 s7, v2;
	[tilespmem:s20], [sflag:$0x8] =	stream.strided.gather [hbm4b:s17+s11], $0x2000, s10, s11, $0x38;
	[tilespmem:$0x10600] =	vst v63  }
0xbd: {  	v55 =	vor.u32 s6, v2;
	v12 =	vld.idx.msk [tilespmem:v50+s11+$0x0], $0xffff  }
0xbe: {  	v56 =	vor.u32 s7, v3;
	v13 =	vld.idx.msk [tilespmem:v51+s12+$0x0], $0xffff  }
0xbf: {  	v19 =	vor.u32 s6, v3;
	v14 =	vld.idx.msk [tilespmem:v52+s11+$0x0], $0xffff  }
0xc0: {  	v15 =	vld.idx.msk [tilespmem:v53+s12+$0x0], $0xffff  }
0xc1: {  	v16 =	vld.idx.msk [tilespmem:v54+s11+$0x0], $0xffff  }
0xc2: {  	v17 =	vld.idx.msk [tilespmem:v55+s12+$0x0], $0xffff  }
0xc3: {  	v57 =	vld.idx.msk [tilespmem:v56+s11+$0x0], $0xffff;
	v12 =	vmul.f32 v13, v12  }
0xc4: {  	v58 =	vld.idx.msk [tilespmem:v19+s12+$0x0], $0xffff  }
0xc5: {  	v14 =	vmul.f32 v15, v14;
	v12 =	vadd.f32 $0.0e+00, v12;
	_ =	sdelay $0x1  }
0xc6: {  	v59 =	vmul.f32 v17, v16;
	v12 =	vadd.f32 v14, v12;
	_ =	sdelay $0x1  }
0xc7: {  	v13 =	vmul.f32 v58, v57;
	v12 =	vadd.f32 v59, v12;
	_ =	sdelay $0x1  }
0xc8: {  	v12 =	vadd.f32 v13, v12;
	_ =	sdelay $0x1  }
0xc9: {  	(xrf2) =	vadd.scan.msk.f32 $0xffff, v12;
	_ =	sdelay $0x9  }
0xca: {  	s23 =	simm.s32 $0x2;
	v12, _, _ =	vpop (xrf2)  }
0xcb: {  	_ =	swait.ge [sflag:s23], $0x2000  }
0xcc: {  	[sflag:s23] =	ssyncset.done $0x0  }
0xcd: {  	[sflag:s23] =	ssyncadd.s32 $0xFFFFE000  }
0xce: {  	_ =	swait.ge [sflag:s24], $0x2000  }
0xcf: {  	(v2sf) =	vpush v9, $0x8  }
0xd0: {  	(v2sf) =	vpush v10, $0x8;
	_ =	sdelay $0xd  }
0xd1: {  	s4 =	sand.u32 $0x7F, s4;
	s8 =	sand.u32 $0x7F, s8;
	s6 =	spop (v2sf)  }
0xd2: {  	v60 =	vor.u32 s4, v0;
	[sflag:s24] =	ssyncset.done $0x0;
	s18 =	sand.u32 $0xFFFFF80, s6;
	s17 =	spop (v2sf)  }
0xd3: {  	v61 =	vor.u32 s8, v0;
	[sflag:s24] =	ssyncadd.s32 $0xFFFFE000;
	s7 =	sadd.s32 s1, s18;
	s18 =	sand.u32 $0xFFFFF80, s17  }
0xd4: {  	v62 =	vor.u32 s4, v1;
	[tilespmem:s11], [sflag:$0x1] =	stream.strided.gather [hbm4b:s7+s11], $0x2000, s10, s11, $0x38;
	[tilespmem:$0x10600] =	vst v63  }
0xd5: {  	v63 =	vor.u32 s8, v1;
	s7 =	sadd.s32 s2, s18  }
0xd6: {  	v24 =	vor.u32 s4, v2;
	[tilespmem:s12], [sflag:$0x5] =	stream.strided.gather [hbm4b:s7+s11], $0x2000, s10, s11, $0x38;
	[tilespmem:$0x10600] =	vst v63  }
0xd7: {  	v25 =	vor.u32 s8, v2;
	v13 =	vld.idx.msk [tilespmem:v60+s13+$0x0], $0xffff  }
0xd8: {  	v26 =	vor.u32 s4, v3;
	v14 =	vld.idx.msk [tilespmem:v61+s14+$0x0], $0xffff  }
0xd9: {  	v20 =	vor.u32 s8, v3;
	v15 =	vld.idx.msk [tilespmem:v62+s13+$0x0], $0xffff  }
0xda: {  	v16 =	vld.idx.msk [tilespmem:v63+s14+$0x0], $0xffff  }
0xdb: {  	v17 =	vld.idx.msk [tilespmem:v24+s13+$0x0], $0xffff  }
0xdc: {  	v18 =	vld.idx.msk [tilespmem:v25+s14+$0x0], $0xffff  }
0xdd: {  	v27 =	vld.idx.msk [tilespmem:v26+s13+$0x0], $0xffff;
	v13 =	vmul.f32 v14, v13  }
0xde: {  	v28 =	vld.idx.msk [tilespmem:v20+s14+$0x0], $0xffff  }
0xdf: {  	v15 =	vmul.f32 v16, v15;
	v13 =	vadd.f32 $0.0e+00, v13;
	_ =	sdelay $0x1  }
0xe0: {  	v29 =	vmul.f32 v18, v17;
	v13 =	vadd.f32 v15, v13;
	_ =	sdelay $0x1  }
0xe1: {  	v14 =	vmul.f32 v28, v27;
	v13 =	vadd.f32 v29, v13;
	_ =	sdelay $0x1  }
0xe2: {  	v13 =	vadd.f32 v14, v13;
	_ =	sdelay $0x1  }
0xe3: {  	(xrf2) =	vadd.scan.msk.f32 $0xffff, v13;
	_ =	sdelay $0x9  }
0xe4: {  	s25 =	simm.s32 $0x3;
	v13, _, _ =	vpop (xrf2)  }
0xe5: {  	_ =	swait.ge [sflag:s25], $0x2000  }
0xe6: {  	[sflag:s25] =	ssyncset.done $0x0  }
0xe7: {  	s26 =	simm.s32 $0x7;
	[sflag:s25] =	ssyncadd.s32 $0xFFFFE000  }
0xe8: {  	_ =	swait.ge [sflag:s26], $0x2000  }
0xe9: {  	(v2sf) =	vpush v9, $0x9;
	_ =	sdelay $0x1  }
0xea: {  	(v2sf) =	vpush v10, $0x9;
	_ =	sdelay $0xc  }
0xeb: {  	[sflag:s26] =	ssyncset.done $0x0;
	s4 =	spop (v2sf)  }
0xec: {  	s9 =	sand.u32 $0x7F, s9;
	[sflag:s26] =	ssyncadd.s32 $0xFFFFE000;
	s18 =	sand.u32 $0xFFFFF80, s4  }
0xed: {  	v30 =	vor.u32 s9, v0;
	s8 =	spop (v2sf);
	s7 =	sadd.s32 s1, s18;
	s18 =	sand.u32 $0x7F, s29  }
0xee: {  	[tilespmem:s13], [sflag:$0x2] =	stream.strided.gather [hbm4b:s7+s11], $0x2000, s10, s11, $0x38;
	v31 =	vor.u32 s18, v0;
	[tilespmem:$0x10600] =	vst v63  }
0xef: {  	v32 =	vor.u32 s9, v1;
	s7 =	sand.u32 $0xFFFFF80, s8  }
0xf0: {  	v33 =	vor.u32 s18, v1;
	s7 =	sadd.s32 s2, s7  }
0xf1: {  	v34 =	vor.u32 s9, v2;
	[tilespmem:s14], [sflag:$0x6] =	stream.strided.gather [hbm4b:s7+s11], $0x2000, s10, s11, $0x38;
	[tilespmem:$0x10600] =	vst v63  }
0xf2: {  	v35 =	vor.u32 s18, v2;
	v14 =	vld.idx.msk [tilespmem:v30+s15+$0x0], $0xffff  }
0xf3: {  	v36 =	vor.u32 s9, v3;
	v15 =	vld.idx.msk [tilespmem:v31+s16+$0x0], $0xffff  }
0xf4: {  	v21 =	vor.u32 s18, v3;
	v16 =	vld.idx.msk [tilespmem:v32+s15+$0x0], $0xffff  }
0xf5: {  	v17 =	vld.idx.msk [tilespmem:v33+s16+$0x0], $0xffff  }
0xf6: {  	v18 =	vld.idx.msk [tilespmem:v34+s15+$0x0], $0xffff  }
0xf7: {  	v19 =	vld.idx.msk [tilespmem:v35+s16+$0x0], $0xffff  }
0xf8: {  	v37 =	vld.idx.msk [tilespmem:v36+s15+$0x0], $0xffff;
	v14 =	vmul.f32 v15, v14  }
0xf9: {  	v38 =	vld.idx.msk [tilespmem:v21+s16+$0x0], $0xffff  }
0xfa: {  	v16 =	vmul.f32 v17, v16;
	v14 =	vadd.f32 $0.0e+00, v14;
	_ =	sdelay $0x1  }
0xfb: {  	v39 =	vmul.f32 v19, v18;
	v14 =	vadd.f32 v16, v14;
	_ =	sdelay $0x1  }
0xfc: {  	v15 =	vmul.f32 v38, v37;
	v14 =	vadd.f32 v39, v14;
	_ =	sdelay $0x1  }
0xfd: {  	v14 =	vadd.f32 v15, v14;
	_ =	sdelay $0x1  }
0xfe: {  	(xrf2) =	vadd.scan.msk.f32 $0xffff, v14;
	_ =	sdelay $0x9  }
0xff: {  	s26 =	simm.s32 $0x4;
	v14, _, _ =	vpop (xrf2)  }
0x100: {  	_ =	swait.ge [sflag:s26], $0x2000  }
0x101: {  	[sflag:s26] =	ssyncset.done $0x0  }
0x102: {  	[sflag:s26] =	ssyncadd.s32 $0xFFFFE000  }
0x103: {  	_ =	swait.ge [sflag:s30], $0x2000  }
0x104: {  	(v2sf) =	vpush v9, $0xA;
	_ =	sdelay $0x1  }
0x105: {  	(v2sf) =	vpush v10, $0xA;
	_ =	sdelay $0xc  }
0x106: {  	s7 =	spop (v2sf)  }
0x107: {  	s5 =	sand.u32 $0x7F, s5;
	[sflag:s30] =	ssyncset.done $0x0;
	s18 =	sand.u32 $0xFFFFF80, s7  }
0x108: {  	v40 =	vor.u32 s5, v0;
	s29 =	spop (v2sf);
	s9 =	sadd.s32 s1, s18;
	s18 =	sand.u32 $0x7F, s28  }
0x109: {  	[sflag:s30] =	ssyncadd.s32 $0xFFFFE000;
	s28 =	sand.u32 $0xFFFFF80, s29;
	v41 =	vor.u32 s18, v0  }
0x10a: {  	v42 =	vor.u32 s5, v1;
	[tilespmem:s15], [sflag:$0x3] =	stream.strided.gather [hbm4b:s9+s11], $0x2000, s10, s11, $0x38;
	[tilespmem:$0x10600] =	vst v63  }
0x10b: {  	s9 =	sadd.s32 s2, s28;
	v43 =	vor.u32 s18, v1  }
0x10c: {  	v44 =	vor.u32 s5, v2;
	[tilespmem:s16], [sflag:$0x7] =	stream.strided.gather [hbm4b:s9+s11], $0x2000, s10, s11, $0x38;
	[tilespmem:$0x10600] =	vst v63  }
0x10d: {  	v45 =	vor.u32 s18, v2;
	v15 =	vld.idx.msk [tilespmem:v40+s19+$0x0], $0xffff  }
0x10e: {  	v46 =	vor.u32 s5, v3;
	v16 =	vld.idx.msk [tilespmem:v41+s20+$0x0], $0xffff  }
0x10f: {  	v22 =	vor.u32 s18, v3;
	v17 =	vld.idx.msk [tilespmem:v42+s19+$0x0], $0xffff  }
0x110: {  	v18 =	vld.idx.msk [tilespmem:v43+s20+$0x0], $0xffff  }
0x111: {  	v19 =	vld.idx.msk [tilespmem:v44+s19+$0x0], $0xffff  }
0x112: {  	v20 =	vld.idx.msk [tilespmem:v45+s20+$0x0], $0xffff  }
0x113: {  	v47 =	vld.idx.msk [tilespmem:v46+s19+$0x0], $0xffff;
	v15 =	vmul.f32 v16, v15  }
0x114: {  	v48 =	vld.idx.msk [tilespmem:v22+s20+$0x0], $0xffff  }
0x115: {  	v17 =	vmul.f32 v18, v17;
	v15 =	vadd.f32 $0.0e+00, v15;
	_ =	sdelay $0x1  }
0x116: {  	v49 =	vmul.f32 v20, v19;
	v15 =	vadd.f32 v17, v15;
	_ =	sdelay $0x1  }
0x117: {  	v16 =	vmul.f32 v48, v47;
	v15 =	vadd.f32 v49, v15;
	_ =	sdelay $0x1  }
0x118: {  	v15 =	vadd.f32 v16, v15;
	_ =	sdelay $0x1  }
0x119: {  	(xrf2) =	vadd.scan.msk.f32 $0xffff, v15;
	_ =	sdelay $0x9  }
0x11a: {  	v15, _, _ =	vpop (xrf2)  }
0x11b: {  	_ =	swait.ge [sflag:s21], $0x2000  }
0x11c: {  	[sflag:s21] =	ssyncset.done $0x0  }
0x11d: {  	[sflag:s21] =	ssyncadd.s32 $0xFFFFE000  }
0x11e: {  	_ =	swait.ge [sflag:s22], $0x2000  }
0x11f: {  	(v2sf) =	vpush v9, $0xB  }
0x120: {  	(v2sf) =	vpush v10, $0xB;
	_ =	sdelay $0xd  }
0x121: {  	s6 =	sand.u32 $0x7F, s6;
	s17 =	sand.u32 $0x7F, s17;
	s5 =	spop (v2sf)  }
0x122: {  	v50 =	vor.u32 s6, v0;
	[sflag:s22] =	ssyncset.done $0x0;
	s28 =	sand.u32 $0xFFFFF80, s5;
	s18 =	spop (v2sf)  }
0x123: {  	v51 =	vor.u32 s17, v0;
	[sflag:s22] =	ssyncadd.s32 $0xFFFFE000;
	s9 =	sadd.s32 s1, s28;
	s28 =	sand.u32 $0xFFFFF80, s18  }
0x124: {  	v52 =	vor.u32 s6, v1;
	[tilespmem:s19], [sflag:$0x4] =	stream.strided.gather [hbm4b:s9+s11], $0x2000, s10, s11, $0x38;
	[tilespmem:$0x10600] =	vst v63  }
0x125: {  	v53 =	vor.u32 s17, v1;
	s9 =	sadd.s32 s2, s28  }
0x126: {  	v54 =	vor.u32 s6, v2;
	[tilespmem:s20], [sflag:$0x8] =	stream.strided.gather [hbm4b:s9+s11], $0x2000, s10, s11, $0x38;
	[tilespmem:$0x10600] =	vst v63  }
0x127: {  	v55 =	vor.u32 s17, v2;
	v16 =	vld.idx.msk [tilespmem:v50+s11+$0x0], $0xffff  }
0x128: {  	v56 =	vor.u32 s6, v3;
	v17 =	vld.idx.msk [tilespmem:v51+s12+$0x0], $0xffff  }
0x129: {  	v23 =	vor.u32 s17, v3;
	v18 =	vld.idx.msk [tilespmem:v52+s11+$0x0], $0xffff  }
0x12a: {  	v19 =	vld.idx.msk [tilespmem:v53+s12+$0x0], $0xffff  }
0x12b: {  	v20 =	vld.idx.msk [tilespmem:v54+s11+$0x0], $0xffff  }
0x12c: {  	v21 =	vld.idx.msk [tilespmem:v55+s12+$0x0], $0xffff  }
0x12d: {  	v57 =	vld.idx.msk [tilespmem:v56+s11+$0x0], $0xffff;
	v16 =	vmul.f32 v17, v16  }
0x12e: {  	v58 =	vld.idx.msk [tilespmem:v23+s12+$0x0], $0xffff  }
0x12f: {  	v18 =	vmul.f32 v19, v18;
	v16 =	vadd.f32 $0.0e+00, v16;
	_ =	sdelay $0x1  }
0x130: {  	v59 =	vmul.f32 v21, v20;
	v16 =	vadd.f32 v18, v16;
	_ =	sdelay $0x1  }
0x131: {  	v17 =	vmul.f32 v58, v57;
	v16 =	vadd.f32 v59, v16;
	_ =	sdelay $0x1  }
0x132: {  	v16 =	vadd.f32 v17, v16;
	_ =	sdelay $0x1  }
0x133: {  	(xrf2) =	vadd.scan.msk.f32 $0xffff, v16;
	_ =	sdelay $0x9  }
0x134: {  	v16, _, _ =	vpop (xrf2)  }
0x135: {  	_ =	swait.ge [sflag:s23], $0x2000  }
0x136: {  	[sflag:s23] =	ssyncset.done $0x0  }
0x137: {  	[sflag:s23] =	ssyncadd.s32 $0xFFFFE000  }
0x138: {  	_ =	swait.ge [sflag:s24], $0x2000  }
0x139: {  	(v2sf) =	vpush v9, $0xC  }
0x13a: {  	(v2sf) =	vpush v10, $0xC;
	_ =	sdelay $0xd  }
0x13b: {  	s4 =	sand.u32 $0x7F, s4;
	s8 =	sand.u32 $0x7F, s8;
	s9 =	spop (v2sf)  }
0x13c: {  	v60 =	vor.u32 s4, v0;
	[sflag:s24] =	ssyncset.done $0x0;
	s28 =	sand.u32 $0xFFFFF80, s9;
	s17 =	spop (v2sf)  }
0x13d: {  	v61 =	vor.u32 s8, v0;
	[sflag:s24] =	ssyncadd.s32 $0xFFFFE000;
	s6 =	sadd.s32 s1, s28;
	s28 =	sand.u32 $0xFFFFF80, s17  }
0x13e: {  	v62 =	vor.u32 s4, v1;
	[tilespmem:s11], [sflag:$0x1] =	stream.strided.gather [hbm4b:s6+s11], $0x2000, s10, s11, $0x38;
	[tilespmem:$0x10600] =	vst v63  }
0x13f: {  	v63 =	vor.u32 s8, v1;
	s6 =	sadd.s32 s2, s28  }
0x140: {  	v28 =	vor.u32 s4, v2;
	[tilespmem:s12], [sflag:$0x5] =	stream.strided.gather [hbm4b:s6+s11], $0x2000, s10, s11, $0x38;
	[tilespmem:$0x10600] =	vst v63  }
0x141: {  	v29 =	vor.u32 s8, v2;
	v17 =	vld.idx.msk [tilespmem:v60+s13+$0x0], $0xffff  }
0x142: {  	v30 =	vor.u32 s4, v3;
	v18 =	vld.idx.msk [tilespmem:v61+s14+$0x0], $0xffff  }
0x143: {  	v24 =	vor.u32 s8, v3;
	v19 =	vld.idx.msk [tilespmem:v62+s13+$0x0], $0xffff  }
0x144: {  	v20 =	vld.idx.msk [tilespmem:v63+s14+$0x0], $0xffff  }
0x145: {  	v21 =	vld.idx.msk [tilespmem:v28+s13+$0x0], $0xffff  }
0x146: {  	v22 =	vld.idx.msk [tilespmem:v29+s14+$0x0], $0xffff  }
0x147: {  	v31 =	vld.idx.msk [tilespmem:v30+s13+$0x0], $0xffff;
	v17 =	vmul.f32 v18, v17  }
0x148: {  	v32 =	vld.idx.msk [tilespmem:v24+s14+$0x0], $0xffff  }
0x149: {  	v19 =	vmul.f32 v20, v19;
	v17 =	vadd.f32 $0.0e+00, v17;
	_ =	sdelay $0x1  }
0x14a: {  	v33 =	vmul.f32 v22, v21;
	v17 =	vadd.f32 v19, v17;
	_ =	sdelay $0x1  }
0x14b: {  	v18 =	vmul.f32 v32, v31;
	v17 =	vadd.f32 v33, v17;
	_ =	sdelay $0x1  }
0x14c: {  	v17 =	vadd.f32 v18, v17;
	_ =	sdelay $0x1  }
0x14d: {  	(xrf2) =	vadd.scan.msk.f32 $0xffff, v17;
	_ =	sdelay $0x9  }
0x14e: {  	v17, _, _ =	vpop (xrf2)  }
0x14f: {  	_ =	swait.ge [sflag:s25], $0x2000  }
0x150: {  	[sflag:s25] =	ssyncset.done $0x0  }
0x151: {  	[sflag:s25] =	ssyncadd.s32 $0xFFFFE000;
	s25 =	simm.s32 $0x7  }
0x152: {  	_ =	swait.ge [sflag:s25], $0x2000  }
0x153: {  	(v2sf) =	vpush v9, $0xD;
	_ =	sdelay $0x1  }
0x154: {  	(v2sf) =	vpush v10, $0xD;
	_ =	sdelay $0xc  }
0x155: {  	[sflag:s25] =	ssyncset.done $0x0;
	s28 =	spop (v2sf)  }
0x156: {  	s7 =	sand.u32 $0x7F, s7;
	[sflag:s25] =	ssyncadd.s32 $0xFFFFE000;
	s8 =	sand.u32 $0xFFFFF80, s28  }
0x157: {  	v34 =	vor.u32 s7, v0;
	s4 =	spop (v2sf);
	s6 =	sadd.s32 s1, s8;
	s8 =	sand.u32 $0x7F, s29  }
0x158: {  	[tilespmem:s13], [sflag:$0x2] =	stream.strided.gather [hbm4b:s6+s11], $0x2000, s10, s11, $0x38;
	v35 =	vor.u32 s8, v0;
	[tilespmem:$0x10600] =	vst v63  }
0x159: {  	v36 =	vor.u32 s7, v1;
	s6 =	sand.u32 $0xFFFFF80, s4  }
0x15a: {  	v37 =	vor.u32 s8, v1;
	s6 =	sadd.s32 s2, s6  }
0x15b: {  	v38 =	vor.u32 s7, v2;
	[tilespmem:s14], [sflag:$0x6] =	stream.strided.gather [hbm4b:s6+s11], $0x2000, s10, s11, $0x38;
	[tilespmem:$0x10600] =	vst v63  }
0x15c: {  	v39 =	vor.u32 s8, v2;
	v18 =	vld.idx.msk [tilespmem:v34+s15+$0x0], $0xffff  }
0x15d: {  	v40 =	vor.u32 s7, v3;
	v19 =	vld.idx.msk [tilespmem:v35+s16+$0x0], $0xffff  }
0x15e: {  	v25 =	vor.u32 s8, v3;
	v20 =	vld.idx.msk [tilespmem:v36+s15+$0x0], $0xffff  }
0x15f: {  	v21 =	vld.idx.msk [tilespmem:v37+s16+$0x0], $0xffff  }
0x160: {  	v22 =	vld.idx.msk [tilespmem:v38+s15+$0x0], $0xffff  }
0x161: {  	v23 =	vld.idx.msk [tilespmem:v39+s16+$0x0], $0xffff  }
0x162: {  	v41 =	vld.idx.msk [tilespmem:v40+s15+$0x0], $0xffff;
	v18 =	vmul.f32 v19, v18  }
0x163: {  	v42 =	vld.idx.msk [tilespmem:v25+s16+$0x0], $0xffff  }
0x164: {  	v20 =	vmul.f32 v21, v20;
	v18 =	vadd.f32 $0.0e+00, v18;
	_ =	sdelay $0x1  }
0x165: {  	v43 =	vmul.f32 v23, v22;
	v18 =	vadd.f32 v20, v18;
	_ =	sdelay $0x1  }
0x166: {  	v19 =	vmul.f32 v42, v41;
	v18 =	vadd.f32 v43, v18;
	_ =	sdelay $0x1  }
0x167: {  	v18 =	vadd.f32 v19, v18;
	_ =	sdelay $0x1  }
0x168: {  	(xrf2) =	vadd.scan.msk.f32 $0xffff, v18;
	_ =	sdelay $0x9  }
0x169: {  	v18, _, _ =	vpop (xrf2)  }
0x16a: {  	_ =	swait.ge [sflag:s26], $0x2000  }
0x16b: {  	[sflag:s26] =	ssyncset.done $0x0  }
0x16c: {  	[sflag:s26] =	ssyncadd.s32 $0xFFFFE000  }
0x16d: {  	_ =	swait.ge [sflag:s30], $0x2000  }
0x16e: {  	(v2sf) =	vpush v9, $0xE;
	_ =	sdelay $0x1  }
0x16f: {  	(v2sf) =	vpush v10, $0xE;
	_ =	sdelay $0xc  }
0x170: {  	s5 =	sand.u32 $0x7F, s5;
	s6 =	spop (v2sf)  }
0x171: {  	s18 =	sand.u32 $0x7F, s18;
	[sflag:s30] =	ssyncset.done $0x0;
	s7 =	sand.u32 $0xFFFFF80, s6  }
0x172: {  	v44 =	vor.u32 s5, v0;
	[sflag:s30] =	ssyncadd.s32 $0xFFFFE000;
	s8 =	spop (v2sf);
	s7 =	sadd.s32 s1, s7  }
0x173: {  	v45 =	vor.u32 s18, v0;
	[tilespmem:s15], [sflag:$0x3] =	stream.strided.gather [hbm4b:s7+s11], $0x2000, s10, s11, $0x38;
	[tilespmem:$0x10600] =	vst v63  }
0x174: {  	v46 =	vor.u32 s5, v1;
	s7 =	sand.u32 $0xFFFFF80, s8  }
0x175: {  	v47 =	vor.u32 s18, v1;
	s7 =	sadd.s32 s2, s7  }
0x176: {  	v48 =	vor.u32 s5, v2;
	[tilespmem:s16], [sflag:$0x7] =	stream.strided.gather [hbm4b:s7+s11], $0x2000, s10, s11, $0x38;
	[tilespmem:$0x10600] =	vst v63  }
0x177: {  	v49 =	vor.u32 s18, v2;
	v19 =	vld.idx.msk [tilespmem:v44+s19+$0x0], $0xffff  }
0x178: {  	v50 =	vor.u32 s5, v3;
	v20 =	vld.idx.msk [tilespmem:v45+s20+$0x0], $0xffff  }
0x179: {  	v26 =	vor.u32 s18, v3;
	v21 =	vld.idx.msk [tilespmem:v46+s19+$0x0], $0xffff  }
0x17a: {  	v22 =	vld.idx.msk [tilespmem:v47+s20+$0x0], $0xffff  }
0x17b: {  	v23 =	vld.idx.msk [tilespmem:v48+s19+$0x0], $0xffff  }
0x17c: {  	v24 =	vld.idx.msk [tilespmem:v49+s20+$0x0], $0xffff  }
0x17d: {  	v51 =	vld.idx.msk [tilespmem:v50+s19+$0x0], $0xffff;
	v19 =	vmul.f32 v20, v19  }
0x17e: {  	v52 =	vld.idx.msk [tilespmem:v26+s20+$0x0], $0xffff  }
0x17f: {  	v21 =	vmul.f32 v22, v21;
	v19 =	vadd.f32 $0.0e+00, v19;
	_ =	sdelay $0x1  }
0x180: {  	v53 =	vmul.f32 v24, v23;
	v19 =	vadd.f32 v21, v19;
	_ =	sdelay $0x1  }
0x181: {  	v20 =	vmul.f32 v52, v51;
	v19 =	vadd.f32 v53, v19;
	_ =	sdelay $0x1  }
0x182: {  	v19 =	vadd.f32 v20, v19;
	_ =	sdelay $0x1  }
0x183: {  	(xrf2) =	vadd.scan.msk.f32 $0xffff, v19;
	_ =	sdelay $0x9  }
0x184: {  	v19, _, _ =	vpop (xrf2)  }
0x185: {  	_ =	swait.ge [sflag:s21], $0x2000  }
0x186: {  	[sflag:s21] =	ssyncset.done $0x0  }
0x187: {  	[sflag:s21] =	ssyncadd.s32 $0xFFFFE000;
	s21 =	simm.s32 $0x5  }
0x188: {  	_ =	swait.ge [sflag:s21], $0x2000  }
0x189: {  	(v2sf) =	vpush v9, $0xF;
	_ =	sdelay $0x1  }
0x18a: {  	(v2sf) =	vpush v10, $0xF;
	_ =	sdelay $0xc  }
0x18b: {  	s9 =	sand.u32 $0x7F, s9;
	s5 =	spop (v2sf)  }
0x18c: {  	s17 =	sand.u32 $0x7F, s17;
	[sflag:s21] =	ssyncset.done $0x0;
	s18 =	sand.u32 $0xFFFFF80, s5  }
0x18d: {  	v54 =	vor.u32 s9, v0;
	[sflag:s21] =	ssyncadd.s32 $0xFFFFE000;
	s7 =	spop (v2sf);
	s18 =	sadd.s32 s1, s18  }
0x18e: {  	v55 =	vor.u32 s17, v0;
	[tilespmem:s19], [sflag:$0x4] =	stream.strided.gather [hbm4b:s18+s11], $0x2000, s10, s11, $0x38;
	[tilespmem:$0x10600] =	vst v63  }
0x18f: {  	v56 =	vor.u32 s9, v1;
	s18 =	sand.u32 $0xFFFFF80, s7  }
0x190: {  	v57 =	vor.u32 s17, v1;
	s18 =	sadd.s32 s2, s18  }
0x191: {  	v58 =	vor.u32 s9, v2;
	[tilespmem:s20], [sflag:$0x8] =	stream.strided.gather [hbm4b:s18+s11], $0x2000, s10, s11, $0x38;
	[tilespmem:$0x10600] =	vst v63  }
0x192: {  	v59 =	vor.u32 s17, v2;
	v9 =	vld.idx.msk [tilespmem:v54+s11+$0x0], $0xffff  }
0x193: {  	v60 =	vor.u32 s9, v3;
	v10 =	vld.idx.msk [tilespmem:v55+s12+$0x0], $0xffff  }
0x194: {  	v61 =	vor.u32 s17, v3;
	v20 =	vld.idx.msk [tilespmem:v56+s11+$0x0], $0xffff  }
0x195: {  	v21 =	vld.idx.msk [tilespmem:v57+s12+$0x0], $0xffff  }
0x196: {  	v22 =	vld.idx.msk [tilespmem:v58+s11+$0x0], $0xffff  }
0x197: {  	v23 =	vld.idx.msk [tilespmem:v59+s12+$0x0], $0xffff  }
0x198: {  	v62 =	vld.idx.msk [tilespmem:v60+s11+$0x0], $0xffff;
	v9 =	vmul.f32 v10, v9  }
0x199: {  	v63 =	vld.idx.msk [tilespmem:v61+s12+$0x0], $0xffff  }
0x19a: {  	v20 =	vmul.f32 v21, v20;
	v9 =	vadd.f32 $0.0e+00, v9;
	_ =	sdelay $0x1  }
0x19b: {  	v28 =	vmul.f32 v23, v22;
	v9 =	vadd.f32 v20, v9;
	_ =	sdelay $0x1  }
0x19c: {  	v10 =	vmul.f32 v63, v62;
	v9 =	vadd.f32 v28, v9;
	_ =	sdelay $0x1  }
0x19d: {  	v9 =	vadd.f32 v10, v9;
	_ =	sdelay $0x1  }
0x19e: {  	(xrf2) =	vadd.scan.msk.f32 $0xffff, v9;
	_ =	sdelay $0x9  }
0x19f: {  	v9, _, _ =	vpop (xrf2)  }
0x1a0: {  	_ =	swait.ge [sflag:s23], $0x2000  }
0x1a1: {  	[sflag:s23] =	ssyncset.done $0x0  }
0x1a2: {  	[sflag:s23] =	ssyncadd.s32 $0xFFFFE000;
	s23 =	simm.s32 $0x6  }
0x1a3: {  	p0 =	seq.s32 s31, $0xFFFFFFFF;
	_ =	swait.ge [sflag:s23], $0x2000  }
0x1a4: {  	(v2sf) =	vpush @!p0 v4, $0x0;
	_ =	sdelay $0x4  }
0x1a5: {  	(v2sf) =	vpush @!p0 v5, $0x0;
	_ =	sdelay $0x9  }
0x1a6: {  	s17 =	simm.s32 @!p0 $0x400;
	s9 =	spop @!p0 (v2sf)  }
0x1a7: {  	s4 =	sand.u32 $0x7F, s4;
	[sflag:s23] =	ssyncset.done $0x0;
	s9 =	sand.u32 @!p0 $0xFFFFF80, s9  }
0x1a8: {  	[sflag:s23] =	ssyncadd.s32 $0xFFFFE000;
	s18 =	sadd.s32 @!p0 s1, s9;
	s9 =	simm.s32 @!p0 $0x7A1400  }
0x1a9: {  	[tilespmem:s17], [sflag:$0x1] =	stream.strided.gather @!p0 [hbm4b:s18+s17], $0x2000, s9, s17, $0x38;
	[tilespmem:$0x10600] =	vst v63  }
0x1aa: {  	v30 =	vor.u32 s4, v0;
	s18 =	sand.u32 $0x7F, s28  }
0x1ab: {  	s28 =	spop @!p0 (v2sf);
	v29 =	vor.u32 s18, v0  }
0x1ac: {  	v32 =	vor.u32 s4, v1;
	s28 =	sand.u32 @!p0 $0xFFFFF80, s28  }
0x1ad: {  	s29 =	simm.s32 @!p0 $0x8400;
	v31 =	vor.u32 s18, v1;
	s28 =	sadd.s32 @!p0 s2, s28  }
0x1ae: {  	v34 =	vor.u32 s4, v2;
	[tilespmem:s29], [sflag:$0x5] =	stream.strided.gather @!p0 [hbm4b:s28+s17], $0x2000, s9, s17, $0x38;
	[tilespmem:$0x10600] =	vst v63  }
0x1af: {  	v33 =	vor.u32 s18, v2;
	v20 =	vld.idx.msk [tilespmem:v30+s14+$0x0], $0xffff  }
0x1b0: {  	v36 =	vor.u32 s4, v3;
	v10 =	vld.idx.msk [tilespmem:v29+s13+$0x0], $0xffff  }
0x1b1: {  	v35 =	vor.u32 s18, v3;
	v22 =	vld.idx.msk [tilespmem:v32+s14+$0x0], $0xffff  }
0x1b2: {  	v21 =	vld.idx.msk [tilespmem:v31+s13+$0x0], $0xffff  }
0x1b3: {  	v24 =	vld.idx.msk [tilespmem:v34+s14+$0x0], $0xffff  }
0x1b4: {  	v23 =	vld.idx.msk [tilespmem:v33+s13+$0x0], $0xffff  }
0x1b5: {  	v38 =	vld.idx.msk [tilespmem:v36+s14+$0x0], $0xffff;
	v10 =	vmul.f32 v20, v10  }
0x1b6: {  	v37 =	vld.idx.msk [tilespmem:v35+s13+$0x0], $0xffff  }
0x1b7: {  	v21 =	vmul.f32 v22, v21;
	v10 =	vadd.f32 $0.0e+00, v10;
	_ =	sdelay $0x1  }
0x1b8: {  	v39 =	vmul.f32 v24, v23;
	v10 =	vadd.f32 v21, v10;
	_ =	sdelay $0x1  }
0x1b9: {  	v20 =	vmul.f32 v38, v37;
	v10 =	vadd.f32 v39, v10;
	_ =	sdelay $0x1  }
0x1ba: {  	v10 =	vadd.f32 v20, v10;
	_ =	sdelay $0x1  }
0x1bb: {  	(xrf2) =	vadd.scan.msk.f32 $0xffff, v10;
	_ =	sdelay $0x9  }
0x1bc: {  	s29 =	simm.s32 $0x3;
	v10, _, _ =	vpop (xrf2)  }
0x1bd: {  	_ =	swait.ge [sflag:s29], $0x2000  }
0x1be: {  	[sflag:s29] =	ssyncset.done $0x0  }
0x1bf: {  	[sflag:s29] =	ssyncadd.s32 $0xFFFFE000  }
0x1c0: {  	_ =	swait.ge [sflag:s25], $0x2000  }
0x1c1: {  	(v2sf) =	vpush @!p0 v4, $0x1;
	_ =	sdelay $0x5  }
0x1c2: {  	(v2sf) =	vpush @!p0 v5, $0x1;
	_ =	sdelay $0x8  }
0x1c3: {  	s4 =	spop @!p0 (v2sf)  }
0x1c4: {  	[sflag:s25] =	ssyncset.done $0x0;
	s4 =	sand.u32 @!p0 $0xFFFFF80, s4  }
0x1c5: {  	s18 =	simm.s32 @!p0 $0x2400;
	[sflag:s25] =	ssyncadd.s32 $0xFFFFE000;
	s4 =	sadd.s32 @!p0 s1, s4  }
0x1c6: {  	[tilespmem:s18], [sflag:$0x2] =	stream.strided.gather @!p0 [hbm4b:s4+s17], $0x2000, s9, s17, $0x38;
	[tilespmem:$0x10600] =	vst v63  }
0x1c7: {  	s4 =	sand.u32 $0x7F, s6  }
0x1c8: {  	s6 =	sand.u32 $0x7F, s8;
	v40 =	vor.u32 s4, v0  }
0x1c9: {  	s8 =	spop @!p0 (v2sf);
	v41 =	vor.u32 s6, v0  }
0x1ca: {  	s8 =	sand.u32 @!p0 $0xFFFFF80, s8;
	v42 =	vor.u32 s4, v1  }
0x1cb: {  	s18 =	simm.s32 @!p0 $0xA400;
	v43 =	vor.u32 s6, v1;
	s8 =	sadd.s32 @!p0 s2, s8  }
0x1cc: {  	v44 =	vor.u32 s4, v2;
	[tilespmem:s18], [sflag:$0x6] =	stream.strided.gather @!p0 [hbm4b:s8+s17], $0x2000, s9, s17, $0x38;
	[tilespmem:$0x10600] =	vst v63  }
0x1cd: {  	v45 =	vor.u32 s6, v2;
	v20 =	vld.idx.msk [tilespmem:v40+s15+$0x0], $0xffff  }
0x1ce: {  	v46 =	vor.u32 s4, v3;
	v21 =	vld.idx.msk [tilespmem:v41+s16+$0x0], $0xffff  }
0x1cf: {  	v27 =	vor.u32 s6, v3;
	v22 =	vld.idx.msk [tilespmem:v42+s15+$0x0], $0xffff  }
0x1d0: {  	v23 =	vld.idx.msk [tilespmem:v43+s16+$0x0], $0xffff  }
0x1d1: {  	v24 =	vld.idx.msk [tilespmem:v44+s15+$0x0], $0xffff  }
0x1d2: {  	v25 =	vld.idx.msk [tilespmem:v45+s16+$0x0], $0xffff  }
0x1d3: {  	v47 =	vld.idx.msk [tilespmem:v46+s15+$0x0], $0xffff;
	v20 =	vmul.f32 v21, v20  }
0x1d4: {  	v48 =	vld.idx.msk [tilespmem:v27+s16+$0x0], $0xffff  }
0x1d5: {  	v22 =	vmul.f32 v23, v22;
	v20 =	vadd.f32 $0.0e+00, v20;
	_ =	sdelay $0x1  }
0x1d6: {  	v49 =	vmul.f32 v25, v24;
	v20 =	vadd.f32 v22, v20;
	_ =	sdelay $0x1  }
0x1d7: {  	v21 =	vmul.f32 v48, v47;
	v20 =	vadd.f32 v49, v20;
	_ =	sdelay $0x1  }
0x1d8: {  	v20 =	vadd.f32 v21, v20;
	_ =	sdelay $0x1  }
0x1d9: {  	(xrf2) =	vadd.scan.msk.f32 $0xffff, v20;
	_ =	sdelay $0x9  }
0x1da: {  	v20, _, _ =	vpop (xrf2)  }
0x1db: {  	_ =	swait.ge [sflag:s26], $0x2000  }
0x1dc: {  	[sflag:s26] =	ssyncset.done $0x0  }
0x1dd: {  	s28 =	simm.s32 $0x8;
	[sflag:s26] =	ssyncadd.s32 $0xFFFFE000  }
0x1de: {  	_ =	swait.ge [sflag:s28], $0x2000  }
0x1df: {  	(v2sf) =	vpush @!p0 v4, $0x2;
	_ =	sdelay $0x3  }
0x1e0: {  	(v2sf) =	vpush @!p0 v5, $0x2;
	_ =	sdelay $0xa  }
0x1e1: {  	s5 =	sand.u32 $0x7F, s5;
	s4 =	spop @!p0 (v2sf)  }
0x1e2: {  	s6 =	simm.s32 @!p0 $0x4400;
	[sflag:s28] =	ssyncset.done $0x0;
	s4 =	sand.u32 @!p0 $0xFFFFF80, s4  }
0x1e3: {  	s18 =	sand.u32 $0x7F, s7;
	[sflag:s28] =	ssyncadd.s32 $0xFFFFE000;
	s4 =	sadd.s32 @!p0 s1, s4  }
0x1e4: {  	v4 =	vor.u32 s5, v0;
	[tilespmem:s6], [sflag:$0x3] =	stream.strided.gather @!p0 [hbm4b:s4+s17], $0x2000, s9, s17, $0x38;
	[tilespmem:$0x10600] =	vst v63  }
0x1e5: {  	v5 =	vor.u32 s18, v0;
	s6 =	spop @!p0 (v2sf)  }
0x1e6: {  	v50 =	vor.u32 s5, v1;
	s6 =	sand.u32 @!p0 $0xFFFFF80, s6  }
0x1e7: {  	s7 =	simm.s32 @!p0 $0xC400;
	v51 =	vor.u32 s18, v1;
	s6 =	sadd.s32 @!p0 s2, s6  }
0x1e8: {  	v52 =	vor.u32 s5, v2;
	[tilespmem:s7], [sflag:$0x7] =	stream.strided.gather @!p0 [hbm4b:s6+s17], $0x2000, s9, s17, $0x38;
	[tilespmem:$0x10600] =	vst v63  }
0x1e9: {  	v53 =	vor.u32 s18, v2;
	v4 =	vld.idx.msk [tilespmem:v4+s19+$0x0], $0xffff  }
0x1ea: {  	v55 =	vor.u32 s18, v3;
	v5 =	vld.idx.msk [tilespmem:v5+s20+$0x0], $0xffff  }
0x1eb: {  	v54 =	vor.u32 s5, v3;
	v21 =	vld.idx.msk [tilespmem:v50+s19+$0x0], $0xffff  }
0x1ec: {  	v22 =	vld.idx.msk [tilespmem:v51+s20+$0x0], $0xffff  }
0x1ed: {  	v23 =	vld.idx.msk [tilespmem:v52+s19+$0x0], $0xffff  }
0x1ee: {  	v24 =	vld.idx.msk [tilespmem:v53+s20+$0x0], $0xffff  }
0x1ef: {  	v56 =	vld.idx.msk [tilespmem:v55+s20+$0x0], $0xffff;
	v4 =	vmul.f32 v5, v4  }
0x1f0: {  	v5 =	vld.idx.msk [tilespmem:v54+s19+$0x0], $0xffff  }
0x1f1: {  	v21 =	vmul.f32 v22, v21;
	v4 =	vadd.f32 $0.0e+00, v4;
	_ =	sdelay $0x1  }
0x1f2: {  	v57 =	vmul.f32 v24, v23;
	v4 =	vadd.f32 v21, v4  }
0x1f3: {  	v6 =	vbroadcast v6, $0xF;
	v7 =	vbroadcast v7, $0xF  }
0x1f4: {  	v8 =	vbroadcast v8, $0xF;
	v5 =	vmul.f32 v56, v5;
	v4 =	vadd.f32 v57, v4  }
0x1f5: {  	v6 =	vsel vm0, v6, v7;
	v58 =	vbroadcast v11, $0xF  }
0x1f6: {  	v6 =	vsel vm1, v6, v8;
	v4 =	vadd.f32 v5, v4;
	v5 =	vbroadcast v12, $0xF  }
0x1f7: {  	v59 =	vbroadcast v13, $0xF;
	v6 =	vsel vm2, v6, v58  }
0x1f8: {  	v5 =	vsel vm3, v6, v5;
	(xrf2) =	vadd.scan.msk.f32 $0xffff, v4;
	v4 =	vbroadcast v14, $0xF  }
0x1f9: {  	v60 =	vbroadcast v15, $0xF;
	v5 =	vsel vm4, v5, v59  }
0x1fa: {  	v4 =	vsel vm5, v5, v4;
	v5 =	vbroadcast v16, $0xF  }
0x1fb: {  	v61 =	vbroadcast v17, $0xF;
	v4 =	vsel vm6, v4, v60  }
0x1fc: {  	v4 =	vsel vm7, v4, v5;
	v5 =	vbroadcast v18, $0xF  }
0x1fd: {  	v62 =	vbroadcast v19, $0xF;
	v4 =	vsel vm8, v4, v61  }
0x1fe: {  	v4 =	vsel vm9, v4, v5;
	v5 =	vbroadcast v9, $0xF  }
0x1ff: {  	v4 =	vsel vm10, v4, v62  }
0x200: {  	s31 =	sadd.s32 $0x1, s31;
	v4 =	vsel vm11, v4, v5;
	v5 =	vbroadcast v20, $0xF  }
0x201: {  	v63 =	vbroadcast v10, $0xF;
	p0 =	seq.s32 s31, $0x0  }
.Ltmp0:
0x202: {  	_ = 	snop;
	(pc) =	sbr.rel @!p0 .LBB2_2-.Ltmp0, $4  }
0x203: {  	v4 =	vsel vm12, v63, v4  }
0x204: {  	v4 =	vsel vm13, v5, v4;
	v5, _, _ =	vpop (xrf2)  }
0x205: {  	s3 =	sadd.s32 $0x10, s3;
	s8 =	simm.s32 $0x2;
	s28 =	rddreg [dreg:$0xb];
	v4 =	vsel vm14, v4, v5  }
0x206: {  	s5 =	simm.s32 $0x1;
	s6 =	sadd.s32 $0x10, s28;
	[tilespmem:s0+$0x0] =	vst v4;
	s0 =	sadd.s32 $0x10, s0  }
0x207: {  	s9 =	simm.s32 $0x0;
	s0 =	rddreg [dreg:$0x8];
	s3 =	simm.s32 $0x10400  }
0x208: {  	[hbm4b:s0+s9] =	stream.linear.scatter [tilespmem:s3], [sflag:$0x9], $0x200, $0x38;
	[tilespmem:$0x10600] =	vst v63  }
0x209: {  	s3 =	simm.s32 $0x9  }
0x20a: {  	_ =	swait.ge [sflag:s3], $0x200  }
0x20b: {  	s4 =	rddreg [dreg:$0xa]  }
0x20c: {  	s31 =	rddreg [dreg:$0x9];
	s4 =	sadd.s32 $0x1, s4  }
0x20d: {  	p0 =	sne.s32 s4, s31  }
.Ltmp1:
0x20e: {  	_ = 	snop;
	(pc) =	sbr.rel @p0 .LBB2_1-.Ltmp1, $3  }
0x20f: {  	_ =	sdelay $0x1  }
0x210: {  	[sflag:s3] =	ssyncset.done $0x0  }
0x211: {  	[sflag:s3] =	ssyncadd.s32 $0xFFFFFE00  }
0x212: {  	_ =	sfence.sel $0x180000  }
0x213: {  	[bflag:$0x0] =	sbarrier.arrive $0xFFFF  }
0x214: {  	_ =	strace $0x90000047  }
0x215: {  	s0 =	stileid.u32;
	[bflag:$0x2] =	sbarrier.arrive $0xFFFF  }
0x216: {  	p0 =	sne.s32 s0, $0x0;
	s0 =	rddreg [dreg:$0x5]  }
0x217: {  	s0 =	sadd.s32 @!p0 $0x100000, s0  }
0x218: {  	[sflag:s0] =	ssyncadd.tile.s32 @!p0 $0x1;
	_ =	shalt  }
.Lfunc_end2:
_tile_overlayer_lowered:
.L_overlay_start_2:
0x219: {  	(tag) =	ssettag $0x2  }
0x21a: {  	s0 =	rddreg [dreg:$0x0];
	s2 =	stileid.u32  }
0x21b: {  	s1 =	rddreg [dreg:$0x1];
	p0 =	sne.s32 s2, $0x0  }
0x21c: {  	s3 =	rddreg [dreg:$0x2];
	[bflag:$0x3] =	sbarrier.arrive $0xFFFF;
	s2 =	simm.s32 @!p0 $0x1C09  }
0x21d: {  	[timem:s3], [sflag:s2] =	dma.local @!p0 [hbm:s0], s1  }
0x21e: {  	s0 =	simm.s32 @!p0 $0x9  }
0x21f: {  	_ =	swait.ge @!p0 [sflag:s0], s1  }
0x220: {  	s1 =	ssub.s32 @!p0 $0x0, s1;
	[sflag:s0] =	ssyncset.done @!p0 $0x0  }
0x221: {  	[sflag:s0] =	ssyncadd.s32 @!p0 s1  }
0x222: {  	[bflag:$0x3] =	sbarrier.arrive $0xFFFF  }
0x223: {  	_ =	shalt  }

</sc_bundles>
